<compile_context>
chip_gen: v7x
topology: tpu7x:2x2x1
jax: 0.10.2.dev20260603
libtpu: 0.0.44.dev20260713+nightly
codegen_flags: <defaults>
</compile_context>

<pallas_src>
import dataclasses
import math
import jax
import jax.numpy as jnp
from jax import lax
from jax.experimental import pallas as pl
from jax.experimental.pallas import tpu as pltpu
from jax.experimental.pallas import tpu_sc as plsc

NC = 2
NS = 16
NW = NC * NS
LANES = 16
CHUNK = 128


def _ceil_to(a, m):
    return ((a + m - 1) // m) * m


def _sc_compiler_params():
    cp = pltpu.CompilerParams()
    if "needs_layout_passes" in pltpu.CompilerParams.__dataclass_fields__:
        cp = dataclasses.replace(cp, needs_layout_passes=False)
    return cp



def _mm1_body(x_ref, w_ref, o_ref):
    o_ref[...] = jnp.dot(x_ref[...], w_ref[...],
                         preferred_element_type=jnp.float32)


def _mm2_body(y_ref, w_ref, o_ref):
    z = jnp.maximum(y_ref[0] + y_ref[1], 0.0)
    o_ref[...] = jnp.dot(z, w_ref[...], preferred_element_type=jnp.float32)


def _mmtab_body(y_ref, w_ref, o_ref):
    z = y_ref[0] + y_ref[1]
    o_ref[...] = lax.dot_general(w_ref[...], z, (((1,), (1,)), ((), ())),
                                 preferred_element_type=jnp.float32)



CORE0_FRAC = 0.88


def _make_scatter_kernel(n, feat, nchunk0, nchunk1, npad):
    assert nchunk0 % 2 == 0 and nchunk1 % 2 == 0
    rows_per_tile_zero = npad // NS
    zero_reps = rows_per_tile_zero // CHUNK
    out_rows = _ceil_to(-(-n // NS), 8)
    out_rows_last = n - out_rows * (NS - 1)
    assert out_rows_last > 0 and out_rows_last % 8 == 0 and n % 8 == 0
    mesh = plsc.VectorSubcoreMesh(core_axis_name="c", subcore_axis_name="s")

    def body(h_hbm, src_hbm, dst_hbm, out_hbm, acc, sidx0, sidx1, didx0,
             didx1, rows0, rows1, gsem0, gsem1, isem0, isem1):
        c = lax.axis_index("c")
        s = lax.axis_index("s")

        @pl.loop(0, CHUNK)
        def _zrow(i):
            for j in range(feat // LANES):
                rows0[pl.ds(i, 1), pl.ds(j * LANES, LANES)] = jnp.zeros(
                    (1, LANES), jnp.float32)

        zbase = s * rows_per_tile_zero
        for k in range(zero_reps):
            pltpu.sync_copy(rows0, acc.at[pl.ds(zbase + k * CHUNK, CHUNK)])
        plsc.subcore_barrier()

        def run_edges(base, nchunk, prio):
            def idx_start(k, sbuf, dbuf, sem):
                pltpu.async_copy(src_hbm.at[base + k], sbuf, sem)
                pltpu.async_copy(dst_hbm.at[base + k], dbuf, sem)

            def idx_wait(k, sbuf, dbuf, sem):
                pltpu.make_async_copy(src_hbm.at[base + k], sbuf, sem).wait()
                pltpu.make_async_copy(dst_hbm.at[base + k], dbuf, sem).wait()

            pltpu.sync_copy(src_hbm.at[base], sidx0)
            pltpu.sync_copy(dst_hbm.at[base], didx0)
            pltpu.async_copy(h_hbm.at[sidx0], rows0, gsem0, priority=prio)
            idx_start(1, sidx1, didx1, isem1)

            @pl.loop(0, nchunk // 2 - 1)
            def _edge_chunk(j):
                k = 2 * j
                idx_wait(k + 1, sidx1, didx1, isem1)
                pltpu.async_copy(h_hbm.at[sidx1], rows1, gsem1, priority=prio)
                pltpu.make_async_copy(h_hbm.at[sidx0], rows0, gsem0).wait()
                pltpu.async_copy(src_hbm.at[base + k + 2], sidx0, isem0)
                pltpu.sync_copy(rows0, acc.at[didx0], add=True)
                pltpu.async_copy(dst_hbm.at[base + k + 2], didx0, isem0)
                idx_wait(k + 2, sidx0, didx0, isem0)
                pltpu.async_copy(h_hbm.at[sidx0], rows0, gsem0, priority=prio)
                pltpu.make_async_copy(h_hbm.at[sidx1], rows1, gsem1).wait()
                pltpu.async_copy(src_hbm.at[base + k + 3], sidx1, isem1)
                pltpu.sync_copy(rows1, acc.at[didx1], add=True)
                pltpu.async_copy(dst_hbm.at[base + k + 3], didx1, isem1)

            last = nchunk - 2
            idx_wait(last + 1, sidx1, didx1, isem1)
            pltpu.async_copy(h_hbm.at[sidx1], rows1, gsem1, priority=prio)
            pltpu.make_async_copy(h_hbm.at[sidx0], rows0, gsem0).wait()
            pltpu.sync_copy(rows0, acc.at[didx0], add=True)
            pltpu.make_async_copy(h_hbm.at[sidx1], rows1, gsem1).wait()
            pltpu.sync_copy(rows1, acc.at[didx1], add=True)

        @pl.when(c == 0)
        def _core0():
            run_edges(s * nchunk0, nchunk0, 0)

        @pl.when(c == 1)
        def _core1():
            run_edges(NS * nchunk0 + s * nchunk1, nchunk1, 1)

        plsc.subcore_barrier()
        r0 = s * out_rows

        @pl.when(s < NS - 1)
        def _copy_full():
            pltpu.sync_copy(acc.at[pl.ds(r0, out_rows)],
                            out_hbm.at[c].at[pl.ds(r0, out_rows)])

        @pl.when(s == NS - 1)
        def _copy_last():
            pltpu.sync_copy(acc.at[pl.ds(out_rows * (NS - 1), out_rows_last)],
                            out_hbm.at[c].at[pl.ds(out_rows * (NS - 1),
                                                   out_rows_last)])

    return pl.kernel(
        body,
        out_type=jax.ShapeDtypeStruct((NC, n, feat), jnp.float32),
        mesh=mesh,
        scratch_types=[
            pltpu.VMEM_SHARED((npad, feat), jnp.float32),
            pltpu.VMEM((CHUNK,), jnp.int32),
            pltpu.VMEM((CHUNK,), jnp.int32),
            pltpu.VMEM((CHUNK,), jnp.int32),
            pltpu.VMEM((CHUNK,), jnp.int32),
            pltpu.VMEM((CHUNK, feat), jnp.float32),
            pltpu.VMEM((CHUNK, feat), jnp.float32),
            pltpu.SemaphoreType.DMA,
            pltpu.SemaphoreType.DMA,
            pltpu.SemaphoreType.DMA,
            pltpu.SemaphoreType.DMA,
        ],
    )


def _make_decode_kernel(n, epad2, epw2):
    mesh = plsc.VectorSubcoreMesh(core_axis_name="c", subcore_axis_name="s")

    def body(tab_hbm, e0_hbm, e1_hbm, out0_hbm, out1_hbm, tab, aidx, bidx,
             out0, out1, sem):
        c = lax.axis_index("c")
        s = lax.axis_index("s")
        w = c * NS + s
        base = w * epw2
        pltpu.async_copy(tab_hbm, tab, sem).wait()
        pltpu.sync_copy(e0_hbm.at[pl.ds(base, epw2)], aidx)
        pltpu.sync_copy(e1_hbm.at[pl.ds(base, epw2)], bidx)

        r0 = jnp.zeros((LANES,), jnp.int32)
        r1 = jnp.full((LANES,), 1, jnp.int32)
        r2 = jnp.full((LANES,), 2, jnp.int32)
        r3 = jnp.full((LANES,), 3, jnp.int32)

        @pl.loop(0, epw2, step=LANES)
        def _step(p):
            i0 = aidx[pl.ds(p, LANES)]
            i1 = bidx[pl.ds(p, LANES)]
            u0 = plsc.load_gather(tab, [r0, i0])
            u1 = plsc.load_gather(tab, [r1, i0])
            v0 = plsc.load_gather(tab, [r2, i1])
            v1 = plsc.load_gather(tab, [r3, i1])
            out0[pl.ds(p, LANES)] = u0 + v0
            out1[pl.ds(p, LANES)] = u1 + v1

        pltpu.sync_copy(out0, out0_hbm.at[pl.ds(base, epw2)])
        pltpu.sync_copy(out1, out1_hbm.at[pl.ds(base, epw2)])

    return pl.kernel(
        body,
        out_type=[jax.ShapeDtypeStruct((epad2,), jnp.float32),
                  jax.ShapeDtypeStruct((epad2,), jnp.float32)],
        mesh=mesh,
        compiler_params=_sc_compiler_params(),
        scratch_types=[
            pltpu.VMEM((4, n), jnp.float32),
            pltpu.VMEM((epw2,), jnp.int32),
            pltpu.VMEM((epw2,), jnp.int32),
            pltpu.VMEM((epw2,), jnp.float32),
            pltpu.VMEM((epw2,), jnp.float32),
            pltpu.SemaphoreType.DMA,
        ],
    )



@jax.jit
def kernel(x, edge_index, pos_edge_index, neg_edge_index, W1, W2, Wlin):
    n, feat = x.shape
    hid = W1.shape[1]
    e = edge_index.shape[1]
    pe2 = pos_edge_index.shape[1] + neg_edge_index.shape[1]

    tot_chunks = -(-e // CHUNK)
    per_pair = -(-tot_chunks // NS)
    nchunk0 = max(2, 2 * round(per_pair * CORE0_FRAC / 2))
    nchunk1 = max(2, _ceil_to(per_pair - nchunk0, 2))
    epad = NS * (nchunk0 + nchunk1) * CHUNK
    npad = _ceil_to(n + 1, NS * CHUNK)
    dummy = n

    epw2 = _ceil_to(-(-pe2 // NW), CHUNK)
    epad2 = epw2 * NW

    src = jnp.concatenate(
        [edge_index[0], jnp.zeros((epad - e,), jnp.int32)]
    ).reshape(-1, CHUNK)
    dst = jnp.concatenate(
        [edge_index[1], jnp.full((epad - e,), dummy, jnp.int32)]
    ).reshape(-1, CHUNK)
    eidx = jnp.concatenate([pos_edge_index, neg_edge_index], axis=-1)
    e0 = jnp.concatenate([eidx[0], jnp.zeros((epad2 - pe2,), jnp.int32)])
    e1 = jnp.concatenate([eidx[1], jnp.zeros((epad2 - pe2,), jnp.int32)])
    wpack = jnp.concatenate([Wlin[:, :hid], Wlin[:, hid:]], axis=0)

    h1 = pl.pallas_call(
        _mm1_body,
        out_shape=jax.ShapeDtypeStruct((n, hid), jnp.float32),
    )(x, W1)

    scat = _make_scatter_kernel(n, hid, nchunk0, nchunk1, npad)
    y1 = scat(h1, src, dst)

    h2 = pl.pallas_call(
        _mm2_body,
        out_shape=jax.ShapeDtypeStruct((n, hid), jnp.float32),
    )(y1, W2)

    y2 = scat(h2, src, dst)

    tab = pl.pallas_call(
        _mmtab_body,
        out_shape=jax.ShapeDtypeStruct((4, n), jnp.float32),
    )(y2, wpack)

    dec = _make_decode_kernel(n, epad2, epw2)
    out0, out1 = dec(tab, e0, e1)
    return jnp.stack([out0[:pe2], out1[:pe2]], axis=1)

# --- scband reference (transcript-rebuilt; emitter-appended) ---
"""Pipeline reference for scband-net-80977313399076 (READ-ONLY COPY).

The authoritative reference and input builder live on the scoring server;
editing this copy changes nothing except your own understanding.
"""

import jax, jax.numpy as jnp
import numpy as np
import math

N = 10000
E = 320000
F = 128
H = 128
PE = 100000


def setup_inputs(seed: int = 0) -> dict:
    key = jax.random.key(seed)
    k1, k2, k3, k4, k5, k6, k7 = jax.random.split(key, 7)
    x = jax.random.normal(k1, (N, F), dtype=jnp.float32)
    edge_index = jax.random.randint(k2, (2, E), 0, N, dtype=jnp.int32)
    pos_edge_index = jax.random.randint(k3, (2, PE), 0, N, dtype=jnp.int32)
    neg_edge_index = jax.random.randint(k4, (2, PE), 0, N, dtype=jnp.int32)
    # GCNConv weights: uniform(-stdv, stdv), stdv = 1/sqrt(out_channels)
    stdv1 = 1.0 / math.sqrt(H)
    W1 = jax.random.uniform(k5, (F, H), dtype=jnp.float32, minval=-stdv1, maxval=stdv1)
    stdv2 = 1.0 / math.sqrt(H)
    W2 = jax.random.uniform(k6, (H, H), dtype=jnp.float32, minval=-stdv2, maxval=stdv2)
    # nn.Linear(hidden*2, 2, bias=False): weight shape [2, 2H], kaiming-uniform-ish
    bound = 1.0 / math.sqrt(2 * H)
    Wlin = jax.random.uniform(k7, (2, 2 * H), dtype=jnp.float32, minval=-bound, maxval=bound)
    return {
        "x": x,
        "edge_index": edge_index,
        "pos_edge_index": pos_edge_index,
        "neg_edge_index": neg_edge_index,
        "W1": W1,
        "W2": W2,
        "Wlin": Wlin,
    }


def _gcn_conv(x, W, edge_index):
    # x = x @ W; propagate with aggr='add': message = x_j (source gather),
    # summed at destination nodes.
    h = x @ W
    msgs = jnp.take(h, edge_index[0], axis=0)
    out = jax.ops.segment_sum(msgs, edge_index[1], num_segments=x.shape[0])
    return out


def reference(x, edge_index, pos_edge_index, neg_edge_index, W1, W2, Wlin):
    # encode
    z = _gcn_conv(x, W1, edge_index)
    z = jax.nn.relu(z)
    z = _gcn_conv(z, W2, edge_index)
    # decode
    eidx = jnp.concatenate([pos_edge_index, neg_edge_index], axis=-1)
    h = jnp.concatenate([jnp.take(z, eidx[0], axis=0), jnp.take(z, eidx[1], axis=0)], axis=1)
    logits = h @ Wlin.T
    return logits

if __name__ == "__main__":
    import jax
    _d = setup_inputs()
    print(jax.jit(kernel)(*tuple(_d.values())))

</pallas_src>

<mosaic_0001>
#map = affine_map<(d0, d1) -> (0, 0)>
#map1 = affine_map<(d0, d1) -> (0, 0, 0)>
module attributes {stable_mosaic.version = 14 : i64} {
  func.func @body(%arg0: i32, %arg1: i32, %arg2: memref<10000x128xf32, #tpu.memory_space<hbm>>, %arg3: memref<2528x128xi32, #tpu.memory_space<hbm>>, %arg4: memref<2528x128xi32, #tpu.memory_space<hbm>>, %arg5: memref<2x10000x128xf32, #tpu.memory_space<hbm>>, %arg6: memref<10240x128xf32, #tpu.memory_space<vmem_shared>>, %arg7: memref<128xi32, #tpu.memory_space<vmem>>, %arg8: memref<128xi32, #tpu.memory_space<vmem>>, %arg9: memref<128xi32, #tpu.memory_space<vmem>>, %arg10: memref<128xi32, #tpu.memory_space<vmem>>, %arg11: memref<128x128xf32, #tpu.memory_space<vmem>>, %arg12: memref<128x128xf32, #tpu.memory_space<vmem>>, %arg13: memref<!tpu.dma_semaphore, #tpu.memory_space<semaphore_mem>>, %arg14: memref<!tpu.dma_semaphore, #tpu.memory_space<semaphore_mem>>, %arg15: memref<!tpu.dma_semaphore, #tpu.memory_space<semaphore_mem>>, %arg16: memref<!tpu.dma_semaphore, #tpu.memory_space<semaphore_mem>>) attributes {dimension_semantics = [#tpu.dimension_semantics<core_parallel>, #tpu.dimension_semantics<subcore_parallel>], iteration_bounds = array<i64: 2, 16>, scalar_prefetch = 0 : i64, scratch_operands = 11 : i64, tpu.core_type = #tpu.core_type<sc_vector_subcore>, window_params = [{transform_indices = #map}, {transform_indices = #map}, {transform_indices = #map}, {transform_indices = #map1}]} {
    %scan3A = arith.constant 0 : i32
    %scan3A_0 = arith.constant 128 : i32
    %scan3A_1 = arith.addi %scan3A, %scan3A_0 : i32
    %scan3A_2 = arith.constant 1 : i32
    scf.for %scan3A_33 = %scan3A to %scan3A_1 step %scan3A_2  : i32 {
      %mul3A_34 = arith.constant 1 : i32
      %mul3A_35 = arith.muli %scan3A_33, %mul3A_34 : i32
      %add3A_36 = arith.constant 0 : i32
      %add3A_37 = arith.addi %add3A_36, %mul3A_35 : i32
      %broadcast_in_dim3A = arith.constant 0.000000e+00 : f32
      %broadcast_in_dim3A_38 = vector.broadcast %broadcast_in_dim3A : f32 to vector<1x16xf32>
      %swap3A = arith.index_cast %add3A_37 : i32 to index
      %swap3A_39 = arith.constant 0 : index
      %swap3A_40 = tpu.vector_load %arg11[%swap3A, %swap3A_39] {strides = array<i32>} : memref<128x128xf32, #tpu.memory_space<vmem>>, vector<1x16xf32>,
      %swap3A_41 = vector.shape_cast %swap3A_40 : vector<1x16xf32> to vector<1x16xf32>
      %swap3A_42 = vector.shape_cast %broadcast_in_dim3A_38 : vector<1x16xf32> to vector<1x16xf32>
      tpu.vector_store %arg11[%swap3A, %swap3A_39], %swap3A_42 {strides = array<i32>} : memref<128x128xf32, #tpu.memory_space<vmem>>, vector<1x16xf32>,
      %broadcast_in_dim3A_43 = arith.constant 0.000000e+00 : f32
      %broadcast_in_dim3A_44 = vector.broadcast %broadcast_in_dim3A_43 : f32 to vector<1x16xf32>
      %swap3A_45 = arith.index_cast %add3A_37 : i32 to index
      %swap3A_46 = arith.constant 16 : index
      %swap3A_47 = tpu.vector_load %arg11[%swap3A_45, %swap3A_46] {strides = array<i32>} : memref<128x128xf32, #tpu.memory_space<vmem>>, vector<1x16xf32>,
      %swap3A_48 = vector.shape_cast %swap3A_47 : vector<1x16xf32> to vector<1x16xf32>
      %swap3A_49 = vector.shape_cast %broadcast_in_dim3A_44 : vector<1x16xf32> to vector<1x16xf32>
      tpu.vector_store %arg11[%swap3A_45, %swap3A_46], %swap3A_49 {strides = array<i32>} : memref<128x128xf32, #tpu.memory_space<vmem>>, vector<1x16xf32>,
      %broadcast_in_dim3A_50 = arith.constant 0.000000e+00 : f32
      %broadcast_in_dim3A_51 = vector.broadcast %broadcast_in_dim3A_50 : f32 to vector<1x16xf32>
      %swap3A_52 = arith.index_cast %add3A_37 : i32 to index
      %swap3A_53 = arith.constant 32 : index
      %swap3A_54 = tpu.vector_load %arg11[%swap3A_52, %swap3A_53] {strides = array<i32>} : memref<128x128xf32, #tpu.memory_space<vmem>>, vector<1x16xf32>,
      %swap3A_55 = vector.shape_cast %swap3A_54 : vector<1x16xf32> to vector<1x16xf32>
      %swap3A_56 = vector.shape_cast %broadcast_in_dim3A_51 : vector<1x16xf32> to vector<1x16xf32>
      tpu.vector_store %arg11[%swap3A_52, %swap3A_53], %swap3A_56 {strides = array<i32>} : memref<128x128xf32, #tpu.memory_space<vmem>>, vector<1x16xf32>,
      %broadcast_in_dim3A_57 = arith.constant 0.000000e+00 : f32
      %broadcast_in_dim3A_58 = vector.broadcast %broadcast_in_dim3A_57 : f32 to vector<1x16xf32>
      %swap3A_59 = arith.index_cast %add3A_37 : i32 to index
      %swap3A_60 = arith.constant 48 : index
      %swap3A_61 = tpu.vector_load %arg11[%swap3A_59, %swap3A_60] {strides = array<i32>} : memref<128x128xf32, #tpu.memory_space<vmem>>, vector<1x16xf32>,
      %swap3A_62 = vector.shape_cast %swap3A_61 : vector<1x16xf32> to vector<1x16xf32>
      %swap3A_63 = vector.shape_cast %broadcast_in_dim3A_58 : vector<1x16xf32> to vector<1x16xf32>
      tpu.vector_store %arg11[%swap3A_59, %swap3A_60], %swap3A_63 {strides = array<i32>} : memref<128x128xf32, #tpu.memory_space<vmem>>, vector<1x16xf32>,
      %broadcast_in_dim3A_64 = arith.constant 0.000000e+00 : f32
      %broadcast_in_dim3A_65 = vector.broadcast %broadcast_in_dim3A_64 : f32 to vector<1x16xf32>
      %swap3A_66 = arith.index_cast %add3A_37 : i32 to index
      %swap3A_67 = arith.constant 64 : index
      %swap3A_68 = tpu.vector_load %arg11[%swap3A_66, %swap3A_67] {strides = array<i32>} : memref<128x128xf32, #tpu.memory_space<vmem>>, vector<1x16xf32>,
      %swap3A_69 = vector.shape_cast %swap3A_68 : vector<1x16xf32> to vector<1x16xf32>
      %swap3A_70 = vector.shape_cast %broadcast_in_dim3A_65 : vector<1x16xf32> to vector<1x16xf32>
      tpu.vector_store %arg11[%swap3A_66, %swap3A_67], %swap3A_70 {strides = array<i32>} : memref<128x128xf32, #tpu.memory_space<vmem>>, vector<1x16xf32>,
      %broadcast_in_dim3A_71 = arith.constant 0.000000e+00 : f32
      %broadcast_in_dim3A_72 = vector.broadcast %broadcast_in_dim3A_71 : f32 to vector<1x16xf32>
      %swap3A_73 = arith.index_cast %add3A_37 : i32 to index
      %swap3A_74 = arith.constant 80 : index
      %swap3A_75 = tpu.vector_load %arg11[%swap3A_73, %swap3A_74] {strides = array<i32>} : memref<128x128xf32, #tpu.memory_space<vmem>>, vector<1x16xf32>,
      %swap3A_76 = vector.shape_cast %swap3A_75 : vector<1x16xf32> to vector<1x16xf32>
      %swap3A_77 = vector.shape_cast %broadcast_in_dim3A_72 : vector<1x16xf32> to vector<1x16xf32>
      tpu.vector_store %arg11[%swap3A_73, %swap3A_74], %swap3A_77 {strides = array<i32>} : memref<128x128xf32, #tpu.memory_space<vmem>>, vector<1x16xf32>,
      %broadcast_in_dim3A_78 = arith.constant 0.000000e+00 : f32
      %broadcast_in_dim3A_79 = vector.broadcast %broadcast_in_dim3A_78 : f32 to vector<1x16xf32>
      %swap3A_80 = arith.index_cast %add3A_37 : i32 to index
      %swap3A_81 = arith.constant 96 : index
      %swap3A_82 = tpu.vector_load %arg11[%swap3A_80, %swap3A_81] {strides = array<i32>} : memref<128x128xf32, #tpu.memory_space<vmem>>, vector<1x16xf32>,
      %swap3A_83 = vector.shape_cast %swap3A_82 : vector<1x16xf32> to vector<1x16xf32>
      %swap3A_84 = vector.shape_cast %broadcast_in_dim3A_79 : vector<1x16xf32> to vector<1x16xf32>
      tpu.vector_store %arg11[%swap3A_80, %swap3A_81], %swap3A_84 {strides = array<i32>} : memref<128x128xf32, #tpu.memory_space<vmem>>, vector<1x16xf32>,
      %broadcast_in_dim3A_85 = arith.constant 0.000000e+00 : f32
      %broadcast_in_dim3A_86 = vector.broadcast %broadcast_in_dim3A_85 : f32 to vector<1x16xf32>
      %swap3A_87 = arith.index_cast %add3A_37 : i32 to index
      %swap3A_88 = arith.constant 112 : index
      %swap3A_89 = tpu.vector_load %arg11[%swap3A_87, %swap3A_88] {strides = array<i32>} : memref<128x128xf32, #tpu.memory_space<vmem>>, vector<1x16xf32>,
      %swap3A_90 = vector.shape_cast %swap3A_89 : vector<1x16xf32> to vector<1x16xf32>
      %swap3A_91 = vector.shape_cast %broadcast_in_dim3A_86 : vector<1x16xf32> to vector<1x16xf32>
      tpu.vector_store %arg11[%swap3A_87, %swap3A_88], %swap3A_91 {strides = array<i32>} : memref<128x128xf32, #tpu.memory_space<vmem>>, vector<1x16xf32>,
    }
    %scan3A_3 = arith.constant 128 : i32
    %mul3A = arith.constant 640 : i32
    %mul3A_4 = arith.muli %arg1, %mul3A : i32
    %add3A = arith.constant 0 : i32
    %add3A_5 = arith.addi %mul3A_4, %add3A : i32
    "tpu.region"() ({
      %run_scoped3A = tpu.sem_alloc : memref<!tpu.dma_semaphore, #tpu.memory_space<semaphore_mem>>
      %dma_start3A = arith.constant 0 : i32
      %dma_start3A_33 = tpu.memref_slice %arg6[%add3A_5, %dma_start3A] : memref<10240x128xf32, #tpu.memory_space<vmem_shared>> -> memref<128x128xf32, #tpu.memory_space<vmem_shared>>
      %dma_start3A_34 = arith.constant 0 : i32
      %dma_start3A_35 = tpu.memref_slice %arg6[%add3A_5, %dma_start3A_34] : memref<10240x128xf32, #tpu.memory_space<vmem_shared>> -> memref<128x128xf32, #tpu.memory_space<vmem_shared>>
      tpu.enqueue_dma source(%arg11 : memref<128x128xf32, #tpu.memory_space<vmem>>) target(%dma_start3A_35 : memref<128x128xf32, #tpu.memory_space<vmem_shared>>) target_semaphore(%run_scoped3A : memref<!tpu.dma_semaphore, #tpu.memory_space<semaphore_mem>>)
      %dma_wait3A = arith.constant 0 : i32
      %dma_wait3A_36 = tpu.memref_slice %arg6[%add3A_5, %dma_wait3A] : memref<10240x128xf32, #tpu.memory_space<vmem_shared>> -> memref<128x128xf32, #tpu.memory_space<vmem_shared>>
      %dma_wait3A_37 = arith.constant 0 : i32
      %dma_wait3A_38 = tpu.memref_slice %arg6[%add3A_5, %dma_wait3A_37] : memref<10240x128xf32, #tpu.memory_space<vmem_shared>> -> memref<128x128xf32, #tpu.memory_space<vmem_shared>>
      tpu.wait_dma2 semaphore(%run_scoped3A : memref<!tpu.dma_semaphore, #tpu.memory_space<semaphore_mem>>) src(%arg11 : memref<128x128xf32, #tpu.memory_space<vmem>>) dst(%dma_wait3A_38 : memref<128x128xf32, #tpu.memory_space<vmem_shared>>)
      tpu.yield
    }) : () -> ()
    %add3A_6 = arith.constant 128 : i32
    %add3A_7 = arith.addi %mul3A_4, %add3A_6 : i32
    "tpu.region"() ({
      %run_scoped3A = tpu.sem_alloc : memref<!tpu.dma_semaphore, #tpu.memory_space<semaphore_mem>>
      %dma_start3A = arith.constant 0 : i32
      %dma_start3A_33 = tpu.memref_slice %arg6[%add3A_7, %dma_start3A] : memref<10240x128xf32, #tpu.memory_space<vmem_shared>> -> memref<128x128xf32, #tpu.memory_space<vmem_shared>>
      %dma_start3A_34 = arith.constant 0 : i32
      %dma_start3A_35 = tpu.memref_slice %arg6[%add3A_7, %dma_start3A_34] : memref<10240x128xf32, #tpu.memory_space<vmem_shared>> -> memref<128x128xf32, #tpu.memory_space<vmem_shared>>
      tpu.enqueue_dma source(%arg11 : memref<128x128xf32, #tpu.memory_space<vmem>>) target(%dma_start3A_35 : memref<128x128xf32, #tpu.memory_space<vmem_shared>>) target_semaphore(%run_scoped3A : memref<!tpu.dma_semaphore, #tpu.memory_space<semaphore_mem>>)
      %dma_wait3A = arith.constant 0 : i32
      %dma_wait3A_36 = tpu.memref_slice %arg6[%add3A_7, %dma_wait3A] : memref<10240x128xf32, #tpu.memory_space<vmem_shared>> -> memref<128x128xf32, #tpu.memory_space<vmem_shared>>
      %dma_wait3A_37 = arith.constant 0 : i32
      %dma_wait3A_38 = tpu.memref_slice %arg6[%add3A_7, %dma_wait3A_37] : memref<10240x128xf32, #tpu.memory_space<vmem_shared>> -> memref<128x128xf32, #tpu.memory_space<vmem_shared>>
      tpu.wait_dma2 semaphore(%run_scoped3A : memref<!tpu.dma_semaphore, #tpu.memory_space<semaphore_mem>>) src(%arg11 : memref<128x128xf32, #tpu.memory_space<vmem>>) dst(%dma_wait3A_38 : memref<128x128xf32, #tpu.memory_space<vmem_shared>>)
      tpu.yield
    }) : () -> ()
    %add3A_8 = arith.constant 256 : i32
    %add3A_9 = arith.addi %mul3A_4, %add3A_8 : i32
    "tpu.region"() ({
      %run_scoped3A = tpu.sem_alloc : memref<!tpu.dma_semaphore, #tpu.memory_space<semaphore_mem>>
      %dma_start3A = arith.constant 0 : i32
      %dma_start3A_33 = tpu.memref_slice %arg6[%add3A_9, %dma_start3A] : memref<10240x128xf32, #tpu.memory_space<vmem_shared>> -> memref<128x128xf32, #tpu.memory_space<vmem_shared>>
      %dma_start3A_34 = arith.constant 0 : i32
      %dma_start3A_35 = tpu.memref_slice %arg6[%add3A_9, %dma_start3A_34] : memref<10240x128xf32, #tpu.memory_space<vmem_shared>> -> memref<128x128xf32, #tpu.memory_space<vmem_shared>>
      tpu.enqueue_dma source(%arg11 : memref<128x128xf32, #tpu.memory_space<vmem>>) target(%dma_start3A_35 : memref<128x128xf32, #tpu.memory_space<vmem_shared>>) target_semaphore(%run_scoped3A : memref<!tpu.dma_semaphore, #tpu.memory_space<semaphore_mem>>)
      %dma_wait3A = arith.constant 0 : i32
      %dma_wait3A_36 = tpu.memref_slice %arg6[%add3A_9, %dma_wait3A] : memref<10240x128xf32, #tpu.memory_space<vmem_shared>> -> memref<128x128xf32, #tpu.memory_space<vmem_shared>>
      %dma_wait3A_37 = arith.constant 0 : i32
      %dma_wait3A_38 = tpu.memref_slice %arg6[%add3A_9, %dma_wait3A_37] : memref<10240x128xf32, #tpu.memory_space<vmem_shared>> -> memref<128x128xf32, #tpu.memory_space<vmem_shared>>
      tpu.wait_dma2 semaphore(%run_scoped3A : memref<!tpu.dma_semaphore, #tpu.memory_space<semaphore_mem>>) src(%arg11 : memref<128x128xf32, #tpu.memory_space<vmem>>) dst(%dma_wait3A_38 : memref<128x128xf32, #tpu.memory_space<vmem_shared>>)
      tpu.yield
    }) : () -> ()
    %add3A_10 = arith.constant 384 : i32
    %add3A_11 = arith.addi %mul3A_4, %add3A_10 : i32
    "tpu.region"() ({
      %run_scoped3A = tpu.sem_alloc : memref<!tpu.dma_semaphore, #tpu.memory_space<semaphore_mem>>
      %dma_start3A = arith.constant 0 : i32
      %dma_start3A_33 = tpu.memref_slice %arg6[%add3A_11, %dma_start3A] : memref<10240x128xf32, #tpu.memory_space<vmem_shared>> -> memref<128x128xf32, #tpu.memory_space<vmem_shared>>
      %dma_start3A_34 = arith.constant 0 : i32
      %dma_start3A_35 = tpu.memref_slice %arg6[%add3A_11, %dma_start3A_34] : memref<10240x128xf32, #tpu.memory_space<vmem_shared>> -> memref<128x128xf32, #tpu.memory_space<vmem_shared>>
      tpu.enqueue_dma source(%arg11 : memref<128x128xf32, #tpu.memory_space<vmem>>) target(%dma_start3A_35 : memref<128x128xf32, #tpu.memory_space<vmem_shared>>) target_semaphore(%run_scoped3A : memref<!tpu.dma_semaphore, #tpu.memory_space<semaphore_mem>>)
      %dma_wait3A = arith.constant 0 : i32
      %dma_wait3A_36 = tpu.memref_slice %arg6[%add3A_11, %dma_wait3A] : memref<10240x128xf32, #tpu.memory_space<vmem_shared>> -> memref<128x128xf32, #tpu.memory_space<vmem_shared>>
      %dma_wait3A_37 = arith.constant 0 : i32
      %dma_wait3A_38 = tpu.memref_slice %arg6[%add3A_11, %dma_wait3A_37] : memref<10240x128xf32, #tpu.memory_space<vmem_shared>> -> memref<128x128xf32, #tpu.memory_space<vmem_shared>>
      tpu.wait_dma2 semaphore(%run_scoped3A : memref<!tpu.dma_semaphore, #tpu.memory_space<semaphore_mem>>) src(%arg11 : memref<128x128xf32, #tpu.memory_space<vmem>>) dst(%dma_wait3A_38 : memref<128x128xf32, #tpu.memory_space<vmem_shared>>)
      tpu.yield
    }) : () -> ()
    %add3A_12 = arith.constant 512 : i32
    %add3A_13 = arith.addi %mul3A_4, %add3A_12 : i32
    "tpu.region"() ({
      %run_scoped3A = tpu.sem_alloc : memref<!tpu.dma_semaphore, #tpu.memory_space<semaphore_mem>>
      %dma_start3A = arith.constant 0 : i32
      %dma_start3A_33 = tpu.memref_slice %arg6[%add3A_13, %dma_start3A] : memref<10240x128xf32, #tpu.memory_space<vmem_shared>> -> memref<128x128xf32, #tpu.memory_space<vmem_shared>>
      %dma_start3A_34 = arith.constant 0 : i32
      %dma_start3A_35 = tpu.memref_slice %arg6[%add3A_13, %dma_start3A_34] : memref<10240x128xf32, #tpu.memory_space<vmem_shared>> -> memref<128x128xf32, #tpu.memory_space<vmem_shared>>
      tpu.enqueue_dma source(%arg11 : memref<128x128xf32, #tpu.memory_space<vmem>>) target(%dma_start3A_35 : memref<128x128xf32, #tpu.memory_space<vmem_shared>>) target_semaphore(%run_scoped3A : memref<!tpu.dma_semaphore, #tpu.memory_space<semaphore_mem>>)
      %dma_wait3A = arith.constant 0 : i32
      %dma_wait3A_36 = tpu.memref_slice %arg6[%add3A_13, %dma_wait3A] : memref<10240x128xf32, #tpu.memory_space<vmem_shared>> -> memref<128x128xf32, #tpu.memory_space<vmem_shared>>
      %dma_wait3A_37 = arith.constant 0 : i32
      %dma_wait3A_38 = tpu.memref_slice %arg6[%add3A_13, %dma_wait3A_37] : memref<10240x128xf32, #tpu.memory_space<vmem_shared>> -> memref<128x128xf32, #tpu.memory_space<vmem_shared>>
      tpu.wait_dma2 semaphore(%run_scoped3A : memref<!tpu.dma_semaphore, #tpu.memory_space<semaphore_mem>>) src(%arg11 : memref<128x128xf32, #tpu.memory_space<vmem>>) dst(%dma_wait3A_38 : memref<128x128xf32, #tpu.memory_space<vmem_shared>>)
      tpu.yield
    }) : () -> ()
    %barrier3A = arith.constant 0 : index
    tpu.barrier barrier_id(%barrier3A)
    %eq3A = arith.constant 0 : i32
    %eq3A_14 = arith.cmpi eq, %arg0, %eq3A : i32
    %convert_element_type3A = arith.extui %eq3A_14 : i1 to i32
    %cond3A = arith.constant 0 : i32
    %cond3A_15 = arith.cmpi ne, %convert_element_type3A, %cond3A : i32
    scf.if %cond3A_15 {
      %mul3A_33 = arith.constant 138 : i32
      %mul3A_34 = arith.muli %arg1, %mul3A_33 : i32
      "tpu.region"() ({
        %run_scoped3A = tpu.sem_alloc : memref<!tpu.dma_semaphore, #tpu.memory_space<semaphore_mem>>
        %dma_start3A_82 = arith.constant 0 : i32
        %dma_start3A_83 = tpu.memref_slice %arg3[%mul3A_34, %dma_start3A_82] : memref<2528x128xi32, #tpu.memory_space<hbm>> -> memref<1x128xi32, #tpu.memory_space<hbm>>
        %dma_start3A_84 = tpu.memref_squeeze %dma_start3A_83 : memref<1x128xi32, #tpu.memory_space<hbm>> -> memref<128xi32, #tpu.memory_space<hbm>>
        %dma_start3A_85 = arith.constant 0 : i32
        %dma_start3A_86 = tpu.memref_slice %arg3[%mul3A_34, %dma_start3A_85] : memref<2528x128xi32, #tpu.memory_space<hbm>> -> memref<1x128xi32, #tpu.memory_space<hbm>>
        %dma_start3A_87 = tpu.memref_squeeze %dma_start3A_86 : memref<1x128xi32, #tpu.memory_space<hbm>> -> memref<128xi32, #tpu.memory_space<hbm>>
        tpu.enqueue_dma source(%dma_start3A_87 : memref<128xi32, #tpu.memory_space<hbm>>) target(%arg7 : memref<128xi32, #tpu.memory_space<vmem>>) target_semaphore(%run_scoped3A : memref<!tpu.dma_semaphore, #tpu.memory_space<semaphore_mem>>)
        %dma_wait3A_88 = arith.constant 0 : i32
        %dma_wait3A_89 = tpu.memref_slice %arg3[%mul3A_34, %dma_wait3A_88] : memref<2528x128xi32, #tpu.memory_space<hbm>> -> memref<1x128xi32, #tpu.memory_space<hbm>>
        %dma_wait3A_90 = tpu.memref_squeeze %dma_wait3A_89 : memref<1x128xi32, #tpu.memory_space<hbm>> -> memref<128xi32, #tpu.memory_space<hbm>>
        %dma_wait3A_91 = arith.constant 0 : i32
        %dma_wait3A_92 = tpu.memref_slice %arg3[%mul3A_34, %dma_wait3A_91] : memref<2528x128xi32, #tpu.memory_space<hbm>> -> memref<1x128xi32, #tpu.memory_space<hbm>>
        %dma_wait3A_93 = tpu.memref_squeeze %dma_wait3A_92 : memref<1x128xi32, #tpu.memory_space<hbm>> -> memref<128xi32, #tpu.memory_space<hbm>>
        tpu.wait_dma2 semaphore(%run_scoped3A : memref<!tpu.dma_semaphore, #tpu.memory_space<semaphore_mem>>) src(%dma_wait3A_93 : memref<128xi32, #tpu.memory_space<hbm>>) dst(%arg7 : memref<128xi32, #tpu.memory_space<vmem>>)
        tpu.yield
      }) : () -> ()
      "tpu.region"() ({
        %run_scoped3A = tpu.sem_alloc : memref<!tpu.dma_semaphore, #tpu.memory_space<semaphore_mem>>
        %dma_start3A_82 = arith.constant 0 : i32
        %dma_start3A_83 = tpu.memref_slice %arg4[%mul3A_34, %dma_start3A_82] : memref<2528x128xi32, #tpu.memory_space<hbm>> -> memref<1x128xi32, #tpu.memory_space<hbm>>
        %dma_start3A_84 = tpu.memref_squeeze %dma_start3A_83 : memref<1x128xi32, #tpu.memory_space<hbm>> -> memref<128xi32, #tpu.memory_space<hbm>>
        %dma_start3A_85 = arith.constant 0 : i32
        %dma_start3A_86 = tpu.memref_slice %arg4[%mul3A_34, %dma_start3A_85] : memref<2528x128xi32, #tpu.memory_space<hbm>> -> memref<1x128xi32, #tpu.memory_space<hbm>>
        %dma_start3A_87 = tpu.memref_squeeze %dma_start3A_86 : memref<1x128xi32, #tpu.memory_space<hbm>> -> memref<128xi32, #tpu.memory_space<hbm>>
        tpu.enqueue_dma source(%dma_start3A_87 : memref<128xi32, #tpu.memory_space<hbm>>) target(%arg9 : memref<128xi32, #tpu.memory_space<vmem>>) target_semaphore(%run_scoped3A : memref<!tpu.dma_semaphore, #tpu.memory_space<semaphore_mem>>)
        %dma_wait3A_88 = arith.constant 0 : i32
        %dma_wait3A_89 = tpu.memref_slice %arg4[%mul3A_34, %dma_wait3A_88] : memref<2528x128xi32, #tpu.memory_space<hbm>> -> memref<1x128xi32, #tpu.memory_space<hbm>>
        %dma_wait3A_90 = tpu.memref_squeeze %dma_wait3A_89 : memref<1x128xi32, #tpu.memory_space<hbm>> -> memref<128xi32, #tpu.memory_space<hbm>>
        %dma_wait3A_91 = arith.constant 0 : i32
        %dma_wait3A_92 = tpu.memref_slice %arg4[%mul3A_34, %dma_wait3A_91] : memref<2528x128xi32, #tpu.memory_space<hbm>> -> memref<1x128xi32, #tpu.memory_space<hbm>>
        %dma_wait3A_93 = tpu.memref_squeeze %dma_wait3A_92 : memref<1x128xi32, #tpu.memory_space<hbm>> -> memref<128xi32, #tpu.memory_space<hbm>>
        tpu.wait_dma2 semaphore(%run_scoped3A : memref<!tpu.dma_semaphore, #tpu.memory_space<semaphore_mem>>) src(%dma_wait3A_93 : memref<128xi32, #tpu.memory_space<hbm>>) dst(%arg9 : memref<128xi32, #tpu.memory_space<vmem>>)
        tpu.yield
      }) : () -> ()
      %dma_start3A = arith.constant 0 : i32
      %dma_start3A_35 = arith.constant 0 : i32
      %dma_start3A_36 = tpu.memref_slice %arg2[%dma_start3A, %dma_start3A_35] : memref<10000x128xf32, #tpu.memory_space<hbm>> -> memref<10000x128xf32, #tpu.memory_space<hbm>>
      tpu.enqueue_indirect_dma source(%dma_start3A_36 : memref<10000x128xf32, #tpu.memory_space<hbm>>) target(%arg11 : memref<128x128xf32, #tpu.memory_space<vmem>>) offsets(%arg7 : memref<128xi32, #tpu.memory_space<vmem>>) semaphore(%arg13 : memref<!tpu.dma_semaphore, #tpu.memory_space<semaphore_mem>>)
      %add3A_37 = arith.constant 1 : i32
      %add3A_38 = arith.addi %mul3A_34, %add3A_37 : i32
      %dma_start3A_39 = arith.constant 0 : i32
      %dma_start3A_40 = tpu.memref_slice %arg3[%add3A_38, %dma_start3A_39] : memref<2528x128xi32, #tpu.memory_space<hbm>> -> memref<1x128xi32, #tpu.memory_space<hbm>>
      %dma_start3A_41 = tpu.memref_squeeze %dma_start3A_40 : memref<1x128xi32, #tpu.memory_space<hbm>> -> memref<128xi32, #tpu.memory_space<hbm>>
      %dma_start3A_42 = arith.constant 0 : i32
      %dma_start3A_43 = tpu.memref_slice %arg3[%add3A_38, %dma_start3A_42] : memref<2528x128xi32, #tpu.memory_space<hbm>> -> memref<1x128xi32, #tpu.memory_space<hbm>>
      %dma_start3A_44 = tpu.memref_squeeze %dma_start3A_43 : memref<1x128xi32, #tpu.memory_space<hbm>> -> memref<128xi32, #tpu.memory_space<hbm>>
      tpu.enqueue_dma source(%dma_start3A_44 : memref<128xi32, #tpu.memory_space<hbm>>) target(%arg8 : memref<128xi32, #tpu.memory_space<vmem>>) target_semaphore(%arg16 : memref<!tpu.dma_semaphore, #tpu.memory_space<semaphore_mem>>)
      %add3A_45 = arith.constant 1 : i32
      %add3A_46 = arith.addi %mul3A_34, %add3A_45 : i32
      %dma_start3A_47 = arith.constant 0 : i32
      %dma_start3A_48 = tpu.memref_slice %arg4[%add3A_46, %dma_start3A_47] : memref<2528x128xi32, #tpu.memory_space<hbm>> -> memref<1x128xi32, #tpu.memory_space<hbm>>
      %dma_start3A_49 = tpu.memref_squeeze %dma_start3A_48 : memref<1x128xi32, #tpu.memory_space<hbm>> -> memref<128xi32, #tpu.memory_space<hbm>>
      %dma_start3A_50 = arith.constant 0 : i32
      %dma_start3A_51 = tpu.memref_slice %arg4[%add3A_46, %dma_start3A_50] : memref<2528x128xi32, #tpu.memory_space<hbm>> -> memref<1x128xi32, #tpu.memory_space<hbm>>
      %dma_start3A_52 = tpu.memref_squeeze %dma_start3A_51 : memref<1x128xi32, #tpu.memory_space<hbm>> -> memref<128xi32, #tpu.memory_space<hbm>>
      tpu.enqueue_dma source(%dma_start3A_52 : memref<128xi32, #tpu.memory_space<hbm>>) target(%arg10 : memref<128xi32, #tpu.memory_space<vmem>>) target_semaphore(%arg16 : memref<!tpu.dma_semaphore, #tpu.memory_space<semaphore_mem>>)
      %scan3A_53 = arith.constant 0 : i32
      %scan3A_54 = arith.constant 68 : i32
      %scan3A_55 = arith.addi %scan3A_53, %scan3A_54 : i32
      %scan3A_56 = arith.constant 1 : i32
      scf.for %scan3A_82 = %scan3A_53 to %scan3A_55 step %scan3A_56  : i32 {
        %mul3A_83 = arith.constant 1 : i32
        %mul3A_84 = arith.muli %scan3A_82, %mul3A_83 : i32
        %add3A_85 = arith.constant 0 : i32
        %add3A_86 = arith.addi %add3A_85, %mul3A_84 : i32
        %mul3A_87 = arith.constant 2 : i32
        %mul3A_88 = arith.muli %mul3A_87, %add3A_86 : i32
        %add3A_89 = arith.constant 1 : i32
        %add3A_90 = arith.addi %mul3A_88, %add3A_89 : i32
        %add3A_91 = arith.addi %mul3A_34, %add3A_90 : i32
        %dma_wait3A_92 = arith.constant 0 : i32
        %dma_wait3A_93 = tpu.memref_slice %arg3[%add3A_91, %dma_wait3A_92] : memref<2528x128xi32, #tpu.memory_space<hbm>> -> memref<1x128xi32, #tpu.memory_space<hbm>>
        %dma_wait3A_94 = tpu.memref_squeeze %dma_wait3A_93 : memref<1x128xi32, #tpu.memory_space<hbm>> -> memref<128xi32, #tpu.memory_space<hbm>>
        %dma_wait3A_95 = arith.constant 0 : i32
        %dma_wait3A_96 = tpu.memref_slice %arg3[%add3A_91, %dma_wait3A_95] : memref<2528x128xi32, #tpu.memory_space<hbm>> -> memref<1x128xi32, #tpu.memory_space<hbm>>
        %dma_wait3A_97 = tpu.memref_squeeze %dma_wait3A_96 : memref<1x128xi32, #tpu.memory_space<hbm>> -> memref<128xi32, #tpu.memory_space<hbm>>
        tpu.wait_dma2 semaphore(%arg16 : memref<!tpu.dma_semaphore, #tpu.memory_space<semaphore_mem>>) src(%dma_wait3A_97 : memref<128xi32, #tpu.memory_space<hbm>>) dst(%arg8 : memref<128xi32, #tpu.memory_space<vmem>>)
        %add3A_98 = arith.addi %mul3A_34, %add3A_90 : i32
        %dma_wait3A_99 = arith.constant 0 : i32
        %dma_wait3A_100 = tpu.memref_slice %arg4[%add3A_98, %dma_wait3A_99] : memref<2528x128xi32, #tpu.memory_space<hbm>> -> memref<1x128xi32, #tpu.memory_space<hbm>>
        %dma_wait3A_101 = tpu.memref_squeeze %dma_wait3A_100 : memref<1x128xi32, #tpu.memory_space<hbm>> -> memref<128xi32, #tpu.memory_space<hbm>>
        %dma_wait3A_102 = arith.constant 0 : i32
        %dma_wait3A_103 = tpu.memref_slice %arg4[%add3A_98, %dma_wait3A_102] : memref<2528x128xi32, #tpu.memory_space<hbm>> -> memref<1x128xi32, #tpu.memory_space<hbm>>
        %dma_wait3A_104 = tpu.memref_squeeze %dma_wait3A_103 : memref<1x128xi32, #tpu.memory_space<hbm>> -> memref<128xi32, #tpu.memory_space<hbm>>
        tpu.wait_dma2 semaphore(%arg16 : memref<!tpu.dma_semaphore, #tpu.memory_space<semaphore_mem>>) src(%dma_wait3A_104 : memref<128xi32, #tpu.memory_space<hbm>>) dst(%arg10 : memref<128xi32, #tpu.memory_space<vmem>>)
        %dma_start3A_105 = arith.constant 0 : i32
        %dma_start3A_106 = arith.constant 0 : i32
        %dma_start3A_107 = tpu.memref_slice %arg2[%dma_start3A_105, %dma_start3A_106] : memref<10000x128xf32, #tpu.memory_space<hbm>> -> memref<10000x128xf32, #tpu.memory_space<hbm>>
        tpu.enqueue_indirect_dma source(%dma_start3A_107 : memref<10000x128xf32, #tpu.memory_space<hbm>>) target(%arg12 : memref<128x128xf32, #tpu.memory_space<vmem>>) offsets(%arg8 : memref<128xi32, #tpu.memory_space<vmem>>) semaphore(%arg14 : memref<!tpu.dma_semaphore, #tpu.memory_space<semaphore_mem>>)
        %dma_wait3A_108 = arith.constant 0 : i32
        %dma_wait3A_109 = arith.constant 0 : i32
        %dma_wait3A_110 = tpu.memref_slice %arg2[%dma_wait3A_108, %dma_wait3A_109] : memref<10000x128xf32, #tpu.memory_space<hbm>> -> memref<10000x128xf32, #tpu.memory_space<hbm>>
        tpu.wait_indirect_dma semaphore(%arg13 : memref<!tpu.dma_semaphore, #tpu.memory_space<semaphore_mem>>) src(%dma_wait3A_110 : memref<10000x128xf32, #tpu.memory_space<hbm>>) dst(%arg11 : memref<128x128xf32, #tpu.memory_space<vmem>>)
        %add3A_111 = arith.addi %mul3A_34, %mul3A_88 : i32
        %add3A_112 = arith.constant 2 : i32
        %add3A_113 = arith.addi %add3A_111, %add3A_112 : i32
        %dma_start3A_114 = arith.constant 0 : i32
        %dma_start3A_115 = tpu.memref_slice %arg3[%add3A_113, %dma_start3A_114] : memref<2528x128xi32, #tpu.memory_space<hbm>> -> memref<1x128xi32, #tpu.memory_space<hbm>>
        %dma_start3A_116 = tpu.memref_squeeze %dma_start3A_115 : memref<1x128xi32, #tpu.memory_space<hbm>> -> memref<128xi32, #tpu.memory_space<hbm>>
        %dma_start3A_117 = arith.constant 0 : i32
        %dma_start3A_118 = tpu.memref_slice %arg3[%add3A_113, %dma_start3A_117] : memref<2528x128xi32, #tpu.memory_space<hbm>> -> memref<1x128xi32, #tpu.memory_space<hbm>>
        %dma_start3A_119 = tpu.memref_squeeze %dma_start3A_118 : memref<1x128xi32, #tpu.memory_space<hbm>> -> memref<128xi32, #tpu.memory_space<hbm>>
        tpu.enqueue_dma source(%dma_start3A_119 : memref<128xi32, #tpu.memory_space<hbm>>) target(%arg7 : memref<128xi32, #tpu.memory_space<vmem>>) target_semaphore(%arg15 : memref<!tpu.dma_semaphore, #tpu.memory_space<semaphore_mem>>)
        "tpu.region"() ({
          %run_scoped3A = tpu.sem_alloc : memref<!tpu.dma_semaphore, #tpu.memory_space<semaphore_mem>>
          %dma_start3A_169 = arith.constant 0 : i32
          %dma_start3A_170 = arith.constant 0 : i32
          %dma_start3A_171 = tpu.memref_slice %arg6[%dma_start3A_169, %dma_start3A_170] : memref<10240x128xf32, #tpu.memory_space<vmem_shared>> -> memref<10240x128xf32, #tpu.memory_space<vmem_shared>>
          tpu.enqueue_indirect_dma source(%arg11 : memref<128x128xf32, #tpu.memory_space<vmem>>) target(%dma_start3A_171 : memref<10240x128xf32, #tpu.memory_space<vmem_shared>>) offsets(%arg9 : memref<128xi32, #tpu.memory_space<vmem>>) semaphore(%run_scoped3A : memref<!tpu.dma_semaphore, #tpu.memory_space<semaphore_mem>>) {add = true}
          %dma_wait3A_172 = arith.constant 0 : i32
          %dma_wait3A_173 = arith.constant 0 : i32
          %dma_wait3A_174 = tpu.memref_slice %arg6[%dma_wait3A_172, %dma_wait3A_173] : memref<10240x128xf32, #tpu.memory_space<vmem_shared>> -> memref<10240x128xf32, #tpu.memory_space<vmem_shared>>
          tpu.wait_indirect_dma semaphore(%run_scoped3A : memref<!tpu.dma_semaphore, #tpu.memory_space<semaphore_mem>>) src(%arg11 : memref<128x128xf32, #tpu.memory_space<vmem>>) dst(%dma_wait3A_174 : memref<10240x128xf32, #tpu.memory_space<vmem_shared>>)
          tpu.yield
        }) : () -> ()
        %add3A_120 = arith.addi %mul3A_34, %mul3A_88 : i32
        %add3A_121 = arith.constant 2 : i32
        %add3A_122 = arith.addi %add3A_120, %add3A_121 : i32
        %dma_start3A_123 = arith.constant 0 : i32
        %dma_start3A_124 = tpu.memref_slice %arg4[%add3A_122, %dma_start3A_123] : memref<2528x128xi32, #tpu.memory_space<hbm>> -> memref<1x128xi32, #tpu.memory_space<hbm>>
        %dma_start3A_125 = tpu.memref_squeeze %dma_start3A_124 : memref<1x128xi32, #tpu.memory_space<hbm>> -> memref<128xi32, #tpu.memory_space<hbm>>
        %dma_start3A_126 = arith.constant 0 : i32
        %dma_start3A_127 = tpu.memref_slice %arg4[%add3A_122, %dma_start3A_126] : memref<2528x128xi32, #tpu.memory_space<hbm>> -> memref<1x128xi32, #tpu.memory_space<hbm>>
        %dma_start3A_128 = tpu.memref_squeeze %dma_start3A_127 : memref<1x128xi32, #tpu.memory_space<hbm>> -> memref<128xi32, #tpu.memory_space<hbm>>
        tpu.enqueue_dma source(%dma_start3A_128 : memref<128xi32, #tpu.memory_space<hbm>>) target(%arg9 : memref<128xi32, #tpu.memory_space<vmem>>) target_semaphore(%arg15 : memref<!tpu.dma_semaphore, #tpu.memory_space<semaphore_mem>>)
        %add3A_129 = arith.constant 2 : i32
        %add3A_130 = arith.addi %mul3A_88, %add3A_129 : i32
        %add3A_131 = arith.addi %mul3A_34, %add3A_130 : i32
        %dma_wait3A_132 = arith.constant 0 : i32
        %dma_wait3A_133 = tpu.memref_slice %arg3[%add3A_131, %dma_wait3A_132] : memref<2528x128xi32, #tpu.memory_space<hbm>> -> memref<1x128xi32, #tpu.memory_space<hbm>>
        %dma_wait3A_134 = tpu.memref_squeeze %dma_wait3A_133 : memref<1x128xi32, #tpu.memory_space<hbm>> -> memref<128xi32, #tpu.memory_space<hbm>>
        %dma_wait3A_135 = arith.constant 0 : i32
        %dma_wait3A_136 = tpu.memref_slice %arg3[%add3A_131, %dma_wait3A_135] : memref<2528x128xi32, #tpu.memory_space<hbm>> -> memref<1x128xi32, #tpu.memory_space<hbm>>
        %dma_wait3A_137 = tpu.memref_squeeze %dma_wait3A_136 : memref<1x128xi32, #tpu.memory_space<hbm>> -> memref<128xi32, #tpu.memory_space<hbm>>
        tpu.wait_dma2 semaphore(%arg15 : memref<!tpu.dma_semaphore, #tpu.memory_space<semaphore_mem>>) src(%dma_wait3A_137 : memref<128xi32, #tpu.memory_space<hbm>>) dst(%arg7 : memref<128xi32, #tpu.memory_space<vmem>>)
        %add3A_138 = arith.addi %mul3A_34, %add3A_130 : i32
        %dma_wait3A_139 = arith.constant 0 : i32
        %dma_wait3A_140 = tpu.memref_slice %arg4[%add3A_138, %dma_wait3A_139] : memref<2528x128xi32, #tpu.memory_space<hbm>> -> memref<1x128xi32, #tpu.memory_space<hbm>>
        %dma_wait3A_141 = tpu.memref_squeeze %dma_wait3A_140 : memref<1x128xi32, #tpu.memory_space<hbm>> -> memref<128xi32, #tpu.memory_space<hbm>>
        %dma_wait3A_142 = arith.constant 0 : i32
        %dma_wait3A_143 = tpu.memref_slice %arg4[%add3A_138, %dma_wait3A_142] : memref<2528x128xi32, #tpu.memory_space<hbm>> -> memref<1x128xi32, #tpu.memory_space<hbm>>
        %dma_wait3A_144 = tpu.memref_squeeze %dma_wait3A_143 : memref<1x128xi32, #tpu.memory_space<hbm>> -> memref<128xi32, #tpu.memory_space<hbm>>
        tpu.wait_dma2 semaphore(%arg15 : memref<!tpu.dma_semaphore, #tpu.memory_space<semaphore_mem>>) src(%dma_wait3A_144 : memref<128xi32, #tpu.memory_space<hbm>>) dst(%arg9 : memref<128xi32, #tpu.memory_space<vmem>>)
        %dma_start3A_145 = arith.constant 0 : i32
        %dma_start3A_146 = arith.constant 0 : i32
        %dma_start3A_147 = tpu.memref_slice %arg2[%dma_start3A_145, %dma_start3A_146] : memref<10000x128xf32, #tpu.memory_space<hbm>> -> memref<10000x128xf32, #tpu.memory_space<hbm>>
        tpu.enqueue_indirect_dma source(%dma_start3A_147 : memref<10000x128xf32, #tpu.memory_space<hbm>>) target(%arg11 : memref<128x128xf32, #tpu.memory_space<vmem>>) offsets(%arg7 : memref<128xi32, #tpu.memory_space<vmem>>) semaphore(%arg13 : memref<!tpu.dma_semaphore, #tpu.memory_space<semaphore_mem>>)
        %dma_wait3A_148 = arith.constant 0 : i32
        %dma_wait3A_149 = arith.constant 0 : i32
        %dma_wait3A_150 = tpu.memref_slice %arg2[%dma_wait3A_148, %dma_wait3A_149] : memref<10000x128xf32, #tpu.memory_space<hbm>> -> memref<10000x128xf32, #tpu.memory_space<hbm>>
        tpu.wait_indirect_dma semaphore(%arg14 : memref<!tpu.dma_semaphore, #tpu.memory_space<semaphore_mem>>) src(%dma_wait3A_150 : memref<10000x128xf32, #tpu.memory_space<hbm>>) dst(%arg12 : memref<128x128xf32, #tpu.memory_space<vmem>>)
        %add3A_151 = arith.addi %mul3A_34, %mul3A_88 : i32
        %add3A_152 = arith.constant 3 : i32
        %add3A_153 = arith.addi %add3A_151, %add3A_152 : i32
        %dma_start3A_154 = arith.constant 0 : i32
        %dma_start3A_155 = tpu.memref_slice %arg3[%add3A_153, %dma_start3A_154] : memref<2528x128xi32, #tpu.memory_space<hbm>> -> memref<1x128xi32, #tpu.memory_space<hbm>>
        %dma_start3A_156 = tpu.memref_squeeze %dma_start3A_155 : memref<1x128xi32, #tpu.memory_space<hbm>> -> memref<128xi32, #tpu.memory_space<hbm>>
        %dma_start3A_157 = arith.constant 0 : i32
        %dma_start3A_158 = tpu.memref_slice %arg3[%add3A_153, %dma_start3A_157] : memref<2528x128xi32, #tpu.memory_space<hbm>> -> memref<1x128xi32, #tpu.memory_space<hbm>>
        %dma_start3A_159 = tpu.memref_squeeze %dma_start3A_158 : memref<1x128xi32, #tpu.memory_space<hbm>> -> memref<128xi32, #tpu.memory_space<hbm>>
        tpu.enqueue_dma source(%dma_start3A_159 : memref<128xi32, #tpu.memory_space<hbm>>) target(%arg8 : memref<128xi32, #tpu.memory_space<vmem>>) target_semaphore(%arg16 : memref<!tpu.dma_semaphore, #tpu.memory_space<semaphore_mem>>)
        "tpu.region"() ({
          %run_scoped3A = tpu.sem_alloc : memref<!tpu.dma_semaphore, #tpu.memory_space<semaphore_mem>>
          %dma_start3A_169 = arith.constant 0 : i32
          %dma_start3A_170 = arith.constant 0 : i32
          %dma_start3A_171 = tpu.memref_slice %arg6[%dma_start3A_169, %dma_start3A_170] : memref<10240x128xf32, #tpu.memory_space<vmem_shared>> -> memref<10240x128xf32, #tpu.memory_space<vmem_shared>>
          tpu.enqueue_indirect_dma source(%arg12 : memref<128x128xf32, #tpu.memory_space<vmem>>) target(%dma_start3A_171 : memref<10240x128xf32, #tpu.memory_space<vmem_shared>>) offsets(%arg10 : memref<128xi32, #tpu.memory_space<vmem>>) semaphore(%run_scoped3A : memref<!tpu.dma_semaphore, #tpu.memory_space<semaphore_mem>>) {add = true}
          %dma_wait3A_172 = arith.constant 0 : i32
          %dma_wait3A_173 = arith.constant 0 : i32
          %dma_wait3A_174 = tpu.memref_slice %arg6[%dma_wait3A_172, %dma_wait3A_173] : memref<10240x128xf32, #tpu.memory_space<vmem_shared>> -> memref<10240x128xf32, #tpu.memory_space<vmem_shared>>
          tpu.wait_indirect_dma semaphore(%run_scoped3A : memref<!tpu.dma_semaphore, #tpu.memory_space<semaphore_mem>>) src(%arg12 : memref<128x128xf32, #tpu.memory_space<vmem>>) dst(%dma_wait3A_174 : memref<10240x128xf32, #tpu.memory_space<vmem_shared>>)
          tpu.yield
        }) : () -> ()
        %add3A_160 = arith.addi %mul3A_34, %mul3A_88 : i32
        %add3A_161 = arith.constant 3 : i32
        %add3A_162 = arith.addi %add3A_160, %add3A_161 : i32
        %dma_start3A_163 = arith.constant 0 : i32
        %dma_start3A_164 = tpu.memref_slice %arg4[%add3A_162, %dma_start3A_163] : memref<2528x128xi32, #tpu.memory_space<hbm>> -> memref<1x128xi32, #tpu.memory_space<hbm>>
        %dma_start3A_165 = tpu.memref_squeeze %dma_start3A_164 : memref<1x128xi32, #tpu.memory_space<hbm>> -> memref<128xi32, #tpu.memory_space<hbm>>
        %dma_start3A_166 = arith.constant 0 : i32
        %dma_start3A_167 = tpu.memref_slice %arg4[%add3A_162, %dma_start3A_166] : memref<2528x128xi32, #tpu.memory_space<hbm>> -> memref<1x128xi32, #tpu.memory_space<hbm>>
        %dma_start3A_168 = tpu.memref_squeeze %dma_start3A_167 : memref<1x128xi32, #tpu.memory_space<hbm>> -> memref<128xi32, #tpu.memory_space<hbm>>
        tpu.enqueue_dma source(%dma_start3A_168 : memref<128xi32, #tpu.memory_space<hbm>>) target(%arg10 : memref<128xi32, #tpu.memory_space<vmem>>) target_semaphore(%arg16 : memref<!tpu.dma_semaphore, #tpu.memory_space<semaphore_mem>>)
      }
      %scan3A_57 = arith.constant 68 : i32
      %add3A_58 = arith.constant 137 : i32
      %add3A_59 = arith.addi %mul3A_34, %add3A_58 : i32
      %dma_wait3A = arith.constant 0 : i32
      %dma_wait3A_60 = tpu.memref_slice %arg3[%add3A_59, %dma_wait3A] : memref<2528x128xi32, #tpu.memory_space<hbm>> -> memref<1x128xi32, #tpu.memory_space<hbm>>
      %dma_wait3A_61 = tpu.memref_squeeze %dma_wait3A_60 : memref<1x128xi32, #tpu.memory_space<hbm>> -> memref<128xi32, #tpu.memory_space<hbm>>
      %dma_wait3A_62 = arith.constant 0 : i32
      %dma_wait3A_63 = tpu.memref_slice %arg3[%add3A_59, %dma_wait3A_62] : memref<2528x128xi32, #tpu.memory_space<hbm>> -> memref<1x128xi32, #tpu.memory_space<hbm>>
      %dma_wait3A_64 = tpu.memref_squeeze %dma_wait3A_63 : memref<1x128xi32, #tpu.memory_space<hbm>> -> memref<128xi32, #tpu.memory_space<hbm>>
      tpu.wait_dma2 semaphore(%arg16 : memref<!tpu.dma_semaphore, #tpu.memory_space<semaphore_mem>>) src(%dma_wait3A_64 : memref<128xi32, #tpu.memory_space<hbm>>) dst(%arg8 : memref<128xi32, #tpu.memory_space<vmem>>)
      %add3A_65 = arith.constant 137 : i32
      %add3A_66 = arith.addi %mul3A_34, %add3A_65 : i32
      %dma_wait3A_67 = arith.constant 0 : i32
      %dma_wait3A_68 = tpu.memref_slice %arg4[%add3A_66, %dma_wait3A_67] : memref<2528x128xi32, #tpu.memory_space<hbm>> -> memref<1x128xi32, #tpu.memory_space<hbm>>
      %dma_wait3A_69 = tpu.memref_squeeze %dma_wait3A_68 : memref<1x128xi32, #tpu.memory_space<hbm>> -> memref<128xi32, #tpu.memory_space<hbm>>
      %dma_wait3A_70 = arith.constant 0 : i32
      %dma_wait3A_71 = tpu.memref_slice %arg4[%add3A_66, %dma_wait3A_70] : memref<2528x128xi32, #tpu.memory_space<hbm>> -> memref<1x128xi32, #tpu.memory_space<hbm>>
      %dma_wait3A_72 = tpu.memref_squeeze %dma_wait3A_71 : memref<1x128xi32, #tpu.memory_space<hbm>> -> memref<128xi32, #tpu.memory_space<hbm>>
      tpu.wait_dma2 semaphore(%arg16 : memref<!tpu.dma_semaphore, #tpu.memory_space<semaphore_mem>>) src(%dma_wait3A_72 : memref<128xi32, #tpu.memory_space<hbm>>) dst(%arg10 : memref<128xi32, #tpu.memory_space<vmem>>)
      %dma_start3A_73 = arith.constant 0 : i32
      %dma_start3A_74 = arith.constant 0 : i32
      %dma_start3A_75 = tpu.memref_slice %arg2[%dma_start3A_73, %dma_start3A_74] : memref<10000x128xf32, #tpu.memory_space<hbm>> -> memref<10000x128xf32, #tpu.memory_space<hbm>>
      tpu.enqueue_indirect_dma source(%dma_start3A_75 : memref<10000x128xf32, #tpu.memory_space<hbm>>) target(%arg12 : memref<128x128xf32, #tpu.memory_space<vmem>>) offsets(%arg8 : memref<128xi32, #tpu.memory_space<vmem>>) semaphore(%arg14 : memref<!tpu.dma_semaphore, #tpu.memory_space<semaphore_mem>>)
      %dma_wait3A_76 = arith.constant 0 : i32
      %dma_wait3A_77 = arith.constant 0 : i32
      %dma_wait3A_78 = tpu.memref_slice %arg2[%dma_wait3A_76, %dma_wait3A_77] : memref<10000x128xf32, #tpu.memory_space<hbm>> -> memref<10000x128xf32, #tpu.memory_space<hbm>>
      tpu.wait_indirect_dma semaphore(%arg13 : memref<!tpu.dma_semaphore, #tpu.memory_space<semaphore_mem>>) src(%dma_wait3A_78 : memref<10000x128xf32, #tpu.memory_space<hbm>>) dst(%arg11 : memref<128x128xf32, #tpu.memory_space<vmem>>)
      "tpu.region"() ({
        %run_scoped3A = tpu.sem_alloc : memref<!tpu.dma_semaphore, #tpu.memory_space<semaphore_mem>>
        %dma_start3A_82 = arith.constant 0 : i32
        %dma_start3A_83 = arith.constant 0 : i32
        %dma_start3A_84 = tpu.memref_slice %arg6[%dma_start3A_82, %dma_start3A_83] : memref<10240x128xf32, #tpu.memory_space<vmem_shared>> -> memref<10240x128xf32, #tpu.memory_space<vmem_shared>>
        tpu.enqueue_indirect_dma source(%arg11 : memref<128x128xf32, #tpu.memory_space<vmem>>) target(%dma_start3A_84 : memref<10240x128xf32, #tpu.memory_space<vmem_shared>>) offsets(%arg9 : memref<128xi32, #tpu.memory_space<vmem>>) semaphore(%run_scoped3A : memref<!tpu.dma_semaphore, #tpu.memory_space<semaphore_mem>>) {add = true}
        %dma_wait3A_85 = arith.constant 0 : i32
        %dma_wait3A_86 = arith.constant 0 : i32
        %dma_wait3A_87 = tpu.memref_slice %arg6[%dma_wait3A_85, %dma_wait3A_86] : memref<10240x128xf32, #tpu.memory_space<vmem_shared>> -> memref<10240x128xf32, #tpu.memory_space<vmem_shared>>
        tpu.wait_indirect_dma semaphore(%run_scoped3A : memref<!tpu.dma_semaphore, #tpu.memory_space<semaphore_mem>>) src(%arg11 : memref<128x128xf32, #tpu.memory_space<vmem>>) dst(%dma_wait3A_87 : memref<10240x128xf32, #tpu.memory_space<vmem_shared>>)
        tpu.yield
      }) : () -> ()
      %dma_wait3A_79 = arith.constant 0 : i32
      %dma_wait3A_80 = arith.constant 0 : i32
      %dma_wait3A_81 = tpu.memref_slice %arg2[%dma_wait3A_79, %dma_wait3A_80] : memref<10000x128xf32, #tpu.memory_space<hbm>> -> memref<10000x128xf32, #tpu.memory_space<hbm>>
      tpu.wait_indirect_dma semaphore(%arg14 : memref<!tpu.dma_semaphore, #tpu.memory_space<semaphore_mem>>) src(%dma_wait3A_81 : memref<10000x128xf32, #tpu.memory_space<hbm>>) dst(%arg12 : memref<128x128xf32, #tpu.memory_space<vmem>>)
      "tpu.region"() ({
        %run_scoped3A = tpu.sem_alloc : memref<!tpu.dma_semaphore, #tpu.memory_space<semaphore_mem>>
        %dma_start3A_82 = arith.constant 0 : i32
        %dma_start3A_83 = arith.constant 0 : i32
        %dma_start3A_84 = tpu.memref_slice %arg6[%dma_start3A_82, %dma_start3A_83] : memref<10240x128xf32, #tpu.memory_space<vmem_shared>> -> memref<10240x128xf32, #tpu.memory_space<vmem_shared>>
        tpu.enqueue_indirect_dma source(%arg12 : memref<128x128xf32, #tpu.memory_space<vmem>>) target(%dma_start3A_84 : memref<10240x128xf32, #tpu.memory_space<vmem_shared>>) offsets(%arg10 : memref<128xi32, #tpu.memory_space<vmem>>) semaphore(%run_scoped3A : memref<!tpu.dma_semaphore, #tpu.memory_space<semaphore_mem>>) {add = true}
        %dma_wait3A_85 = arith.constant 0 : i32
        %dma_wait3A_86 = arith.constant 0 : i32
        %dma_wait3A_87 = tpu.memref_slice %arg6[%dma_wait3A_85, %dma_wait3A_86] : memref<10240x128xf32, #tpu.memory_space<vmem_shared>> -> memref<10240x128xf32, #tpu.memory_space<vmem_shared>>
        tpu.wait_indirect_dma semaphore(%run_scoped3A : memref<!tpu.dma_semaphore, #tpu.memory_space<semaphore_mem>>) src(%arg12 : memref<128x128xf32, #tpu.memory_space<vmem>>) dst(%dma_wait3A_87 : memref<10240x128xf32, #tpu.memory_space<vmem_shared>>)
        tpu.yield
      }) : () -> ()
    } else {
    }
    %eq3A_16 = arith.constant 1 : i32
    %eq3A_17 = arith.cmpi eq, %arg0, %eq3A_16 : i32
    %convert_element_type3A_18 = arith.extui %eq3A_17 : i1 to i32
    %cond3A_19 = arith.constant 0 : i32
    %cond3A_20 = arith.cmpi ne, %convert_element_type3A_18, %cond3A_19 : i32
    scf.if %cond3A_20 {
      %mul3A_33 = arith.constant 20 : i32
      %mul3A_34 = arith.muli %arg1, %mul3A_33 : i32
      %add3A_35 = arith.constant 2208 : i32
      %add3A_36 = arith.addi %add3A_35, %mul3A_34 : i32
      "tpu.region"() ({
        %run_scoped3A = tpu.sem_alloc : memref<!tpu.dma_semaphore, #tpu.memory_space<semaphore_mem>>
        %dma_start3A_84 = arith.constant 0 : i32
        %dma_start3A_85 = tpu.memref_slice %arg3[%add3A_36, %dma_start3A_84] : memref<2528x128xi32, #tpu.memory_space<hbm>> -> memref<1x128xi32, #tpu.memory_space<hbm>>
        %dma_start3A_86 = tpu.memref_squeeze %dma_start3A_85 : memref<1x128xi32, #tpu.memory_space<hbm>> -> memref<128xi32, #tpu.memory_space<hbm>>
        %dma_start3A_87 = arith.constant 0 : i32
        %dma_start3A_88 = tpu.memref_slice %arg3[%add3A_36, %dma_start3A_87] : memref<2528x128xi32, #tpu.memory_space<hbm>> -> memref<1x128xi32, #tpu.memory_space<hbm>>
        %dma_start3A_89 = tpu.memref_squeeze %dma_start3A_88 : memref<1x128xi32, #tpu.memory_space<hbm>> -> memref<128xi32, #tpu.memory_space<hbm>>
        tpu.enqueue_dma source(%dma_start3A_89 : memref<128xi32, #tpu.memory_space<hbm>>) target(%arg7 : memref<128xi32, #tpu.memory_space<vmem>>) target_semaphore(%run_scoped3A : memref<!tpu.dma_semaphore, #tpu.memory_space<semaphore_mem>>)
        %dma_wait3A_90 = arith.constant 0 : i32
        %dma_wait3A_91 = tpu.memref_slice %arg3[%add3A_36, %dma_wait3A_90] : memref<2528x128xi32, #tpu.memory_space<hbm>> -> memref<1x128xi32, #tpu.memory_space<hbm>>
        %dma_wait3A_92 = tpu.memref_squeeze %dma_wait3A_91 : memref<1x128xi32, #tpu.memory_space<hbm>> -> memref<128xi32, #tpu.memory_space<hbm>>
        %dma_wait3A_93 = arith.constant 0 : i32
        %dma_wait3A_94 = tpu.memref_slice %arg3[%add3A_36, %dma_wait3A_93] : memref<2528x128xi32, #tpu.memory_space<hbm>> -> memref<1x128xi32, #tpu.memory_space<hbm>>
        %dma_wait3A_95 = tpu.memref_squeeze %dma_wait3A_94 : memref<1x128xi32, #tpu.memory_space<hbm>> -> memref<128xi32, #tpu.memory_space<hbm>>
        tpu.wait_dma2 semaphore(%run_scoped3A : memref<!tpu.dma_semaphore, #tpu.memory_space<semaphore_mem>>) src(%dma_wait3A_95 : memref<128xi32, #tpu.memory_space<hbm>>) dst(%arg7 : memref<128xi32, #tpu.memory_space<vmem>>)
        tpu.yield
      }) : () -> ()
      "tpu.region"() ({
        %run_scoped3A = tpu.sem_alloc : memref<!tpu.dma_semaphore, #tpu.memory_space<semaphore_mem>>
        %dma_start3A_84 = arith.constant 0 : i32
        %dma_start3A_85 = tpu.memref_slice %arg4[%add3A_36, %dma_start3A_84] : memref<2528x128xi32, #tpu.memory_space<hbm>> -> memref<1x128xi32, #tpu.memory_space<hbm>>
        %dma_start3A_86 = tpu.memref_squeeze %dma_start3A_85 : memref<1x128xi32, #tpu.memory_space<hbm>> -> memref<128xi32, #tpu.memory_space<hbm>>
        %dma_start3A_87 = arith.constant 0 : i32
        %dma_start3A_88 = tpu.memref_slice %arg4[%add3A_36, %dma_start3A_87] : memref<2528x128xi32, #tpu.memory_space<hbm>> -> memref<1x128xi32, #tpu.memory_space<hbm>>
        %dma_start3A_89 = tpu.memref_squeeze %dma_start3A_88 : memref<1x128xi32, #tpu.memory_space<hbm>> -> memref<128xi32, #tpu.memory_space<hbm>>
        tpu.enqueue_dma source(%dma_start3A_89 : memref<128xi32, #tpu.memory_space<hbm>>) target(%arg9 : memref<128xi32, #tpu.memory_space<vmem>>) target_semaphore(%run_scoped3A : memref<!tpu.dma_semaphore, #tpu.memory_space<semaphore_mem>>)
        %dma_wait3A_90 = arith.constant 0 : i32
        %dma_wait3A_91 = tpu.memref_slice %arg4[%add3A_36, %dma_wait3A_90] : memref<2528x128xi32, #tpu.memory_space<hbm>> -> memref<1x128xi32, #tpu.memory_space<hbm>>
        %dma_wait3A_92 = tpu.memref_squeeze %dma_wait3A_91 : memref<1x128xi32, #tpu.memory_space<hbm>> -> memref<128xi32, #tpu.memory_space<hbm>>
        %dma_wait3A_93 = arith.constant 0 : i32
        %dma_wait3A_94 = tpu.memref_slice %arg4[%add3A_36, %dma_wait3A_93] : memref<2528x128xi32, #tpu.memory_space<hbm>> -> memref<1x128xi32, #tpu.memory_space<hbm>>
        %dma_wait3A_95 = tpu.memref_squeeze %dma_wait3A_94 : memref<1x128xi32, #tpu.memory_space<hbm>> -> memref<128xi32, #tpu.memory_space<hbm>>
        tpu.wait_dma2 semaphore(%run_scoped3A : memref<!tpu.dma_semaphore, #tpu.memory_space<semaphore_mem>>) src(%dma_wait3A_95 : memref<128xi32, #tpu.memory_space<hbm>>) dst(%arg9 : memref<128xi32, #tpu.memory_space<vmem>>)
        tpu.yield
      }) : () -> ()
      %dma_start3A = arith.constant 0 : i32
      %dma_start3A_37 = arith.constant 0 : i32
      %dma_start3A_38 = tpu.memref_slice %arg2[%dma_start3A, %dma_start3A_37] : memref<10000x128xf32, #tpu.memory_space<hbm>> -> memref<10000x128xf32, #tpu.memory_space<hbm>>
      tpu.enqueue_indirect_dma source(%dma_start3A_38 : memref<10000x128xf32, #tpu.memory_space<hbm>>) target(%arg11 : memref<128x128xf32, #tpu.memory_space<vmem>>) offsets(%arg7 : memref<128xi32, #tpu.memory_space<vmem>>) semaphore(%arg13 : memref<!tpu.dma_semaphore, #tpu.memory_space<semaphore_mem>>)
      %add3A_39 = arith.constant 1 : i32
      %add3A_40 = arith.addi %add3A_36, %add3A_39 : i32
      %dma_start3A_41 = arith.constant 0 : i32
      %dma_start3A_42 = tpu.memref_slice %arg3[%add3A_40, %dma_start3A_41] : memref<2528x128xi32, #tpu.memory_space<hbm>> -> memref<1x128xi32, #tpu.memory_space<hbm>>
      %dma_start3A_43 = tpu.memref_squeeze %dma_start3A_42 : memref<1x128xi32, #tpu.memory_space<hbm>> -> memref<128xi32, #tpu.memory_space<hbm>>
      %dma_start3A_44 = arith.constant 0 : i32
      %dma_start3A_45 = tpu.memref_slice %arg3[%add3A_40, %dma_start3A_44] : memref<2528x128xi32, #tpu.memory_space<hbm>> -> memref<1x128xi32, #tpu.memory_space<hbm>>
      %dma_start3A_46 = tpu.memref_squeeze %dma_start3A_45 : memref<1x128xi32, #tpu.memory_space<hbm>> -> memref<128xi32, #tpu.memory_space<hbm>>
      tpu.enqueue_dma source(%dma_start3A_46 : memref<128xi32, #tpu.memory_space<hbm>>) target(%arg8 : memref<128xi32, #tpu.memory_space<vmem>>) target_semaphore(%arg16 : memref<!tpu.dma_semaphore, #tpu.memory_space<semaphore_mem>>)
      %add3A_47 = arith.constant 1 : i32
      %add3A_48 = arith.addi %add3A_36, %add3A_47 : i32
      %dma_start3A_49 = arith.constant 0 : i32
      %dma_start3A_50 = tpu.memref_slice %arg4[%add3A_48, %dma_start3A_49] : memref<2528x128xi32, #tpu.memory_space<hbm>> -> memref<1x128xi32, #tpu.memory_space<hbm>>
      %dma_start3A_51 = tpu.memref_squeeze %dma_start3A_50 : memref<1x128xi32, #tpu.memory_space<hbm>> -> memref<128xi32, #tpu.memory_space<hbm>>
      %dma_start3A_52 = arith.constant 0 : i32
      %dma_start3A_53 = tpu.memref_slice %arg4[%add3A_48, %dma_start3A_52] : memref<2528x128xi32, #tpu.memory_space<hbm>> -> memref<1x128xi32, #tpu.memory_space<hbm>>
      %dma_start3A_54 = tpu.memref_squeeze %dma_start3A_53 : memref<1x128xi32, #tpu.memory_space<hbm>> -> memref<128xi32, #tpu.memory_space<hbm>>
      tpu.enqueue_dma source(%dma_start3A_54 : memref<128xi32, #tpu.memory_space<hbm>>) target(%arg10 : memref<128xi32, #tpu.memory_space<vmem>>) target_semaphore(%arg16 : memref<!tpu.dma_semaphore, #tpu.memory_space<semaphore_mem>>)
      %scan3A_55 = arith.constant 0 : i32
      %scan3A_56 = arith.constant 9 : i32
      %scan3A_57 = arith.addi %scan3A_55, %scan3A_56 : i32
      %scan3A_58 = arith.constant 1 : i32
      scf.for %scan3A_84 = %scan3A_55 to %scan3A_57 step %scan3A_58  : i32 {
        %mul3A_85 = arith.constant 1 : i32
        %mul3A_86 = arith.muli %scan3A_84, %mul3A_85 : i32
        %add3A_87 = arith.constant 0 : i32
        %add3A_88 = arith.addi %add3A_87, %mul3A_86 : i32
        %mul3A_89 = arith.constant 2 : i32
        %mul3A_90 = arith.muli %mul3A_89, %add3A_88 : i32
        %add3A_91 = arith.constant 1 : i32
        %add3A_92 = arith.addi %mul3A_90, %add3A_91 : i32
        %add3A_93 = arith.addi %add3A_36, %add3A_92 : i32
        %dma_wait3A_94 = arith.constant 0 : i32
        %dma_wait3A_95 = tpu.memref_slice %arg3[%add3A_93, %dma_wait3A_94] : memref<2528x128xi32, #tpu.memory_space<hbm>> -> memref<1x128xi32, #tpu.memory_space<hbm>>
        %dma_wait3A_96 = tpu.memref_squeeze %dma_wait3A_95 : memref<1x128xi32, #tpu.memory_space<hbm>> -> memref<128xi32, #tpu.memory_space<hbm>>
        %dma_wait3A_97 = arith.constant 0 : i32
        %dma_wait3A_98 = tpu.memref_slice %arg3[%add3A_93, %dma_wait3A_97] : memref<2528x128xi32, #tpu.memory_space<hbm>> -> memref<1x128xi32, #tpu.memory_space<hbm>>
        %dma_wait3A_99 = tpu.memref_squeeze %dma_wait3A_98 : memref<1x128xi32, #tpu.memory_space<hbm>> -> memref<128xi32, #tpu.memory_space<hbm>>
        tpu.wait_dma2 semaphore(%arg16 : memref<!tpu.dma_semaphore, #tpu.memory_space<semaphore_mem>>) src(%dma_wait3A_99 : memref<128xi32, #tpu.memory_space<hbm>>) dst(%arg8 : memref<128xi32, #tpu.memory_space<vmem>>)
        %add3A_100 = arith.addi %add3A_36, %add3A_92 : i32
        %dma_wait3A_101 = arith.constant 0 : i32
        %dma_wait3A_102 = tpu.memref_slice %arg4[%add3A_100, %dma_wait3A_101] : memref<2528x128xi32, #tpu.memory_space<hbm>> -> memref<1x128xi32, #tpu.memory_space<hbm>>
        %dma_wait3A_103 = tpu.memref_squeeze %dma_wait3A_102 : memref<1x128xi32, #tpu.memory_space<hbm>> -> memref<128xi32, #tpu.memory_space<hbm>>
        %dma_wait3A_104 = arith.constant 0 : i32
        %dma_wait3A_105 = tpu.memref_slice %arg4[%add3A_100, %dma_wait3A_104] : memref<2528x128xi32, #tpu.memory_space<hbm>> -> memref<1x128xi32, #tpu.memory_space<hbm>>
        %dma_wait3A_106 = tpu.memref_squeeze %dma_wait3A_105 : memref<1x128xi32, #tpu.memory_space<hbm>> -> memref<128xi32, #tpu.memory_space<hbm>>
        tpu.wait_dma2 semaphore(%arg16 : memref<!tpu.dma_semaphore, #tpu.memory_space<semaphore_mem>>) src(%dma_wait3A_106 : memref<128xi32, #tpu.memory_space<hbm>>) dst(%arg10 : memref<128xi32, #tpu.memory_space<vmem>>)
        %dma_start3A_107 = arith.constant 0 : i32
        %dma_start3A_108 = arith.constant 0 : i32
        %dma_start3A_109 = tpu.memref_slice %arg2[%dma_start3A_107, %dma_start3A_108] : memref<10000x128xf32, #tpu.memory_space<hbm>> -> memref<10000x128xf32, #tpu.memory_space<hbm>>
        tpu.enqueue_indirect_dma source(%dma_start3A_109 : memref<10000x128xf32, #tpu.memory_space<hbm>>) target(%arg12 : memref<128x128xf32, #tpu.memory_space<vmem>>) offsets(%arg8 : memref<128xi32, #tpu.memory_space<vmem>>) semaphore(%arg14 : memref<!tpu.dma_semaphore, #tpu.memory_space<semaphore_mem>>)
        %dma_wait3A_110 = arith.constant 0 : i32
        %dma_wait3A_111 = arith.constant 0 : i32
        %dma_wait3A_112 = tpu.memref_slice %arg2[%dma_wait3A_110, %dma_wait3A_111] : memref<10000x128xf32, #tpu.memory_space<hbm>> -> memref<10000x128xf32, #tpu.memory_space<hbm>>
        tpu.wait_indirect_dma semaphore(%arg13 : memref<!tpu.dma_semaphore, #tpu.memory_space<semaphore_mem>>) src(%dma_wait3A_112 : memref<10000x128xf32, #tpu.memory_space<hbm>>) dst(%arg11 : memref<128x128xf32, #tpu.memory_space<vmem>>)
        %add3A_113 = arith.addi %add3A_36, %mul3A_90 : i32
        %add3A_114 = arith.constant 2 : i32
        %add3A_115 = arith.addi %add3A_113, %add3A_114 : i32
        %dma_start3A_116 = arith.constant 0 : i32
        %dma_start3A_117 = tpu.memref_slice %arg3[%add3A_115, %dma_start3A_116] : memref<2528x128xi32, #tpu.memory_space<hbm>> -> memref<1x128xi32, #tpu.memory_space<hbm>>
        %dma_start3A_118 = tpu.memref_squeeze %dma_start3A_117 : memref<1x128xi32, #tpu.memory_space<hbm>> -> memref<128xi32, #tpu.memory_space<hbm>>
        %dma_start3A_119 = arith.constant 0 : i32
        %dma_start3A_120 = tpu.memref_slice %arg3[%add3A_115, %dma_start3A_119] : memref<2528x128xi32, #tpu.memory_space<hbm>> -> memref<1x128xi32, #tpu.memory_space<hbm>>
        %dma_start3A_121 = tpu.memref_squeeze %dma_start3A_120 : memref<1x128xi32, #tpu.memory_space<hbm>> -> memref<128xi32, #tpu.memory_space<hbm>>
        tpu.enqueue_dma source(%dma_start3A_121 : memref<128xi32, #tpu.memory_space<hbm>>) target(%arg7 : memref<128xi32, #tpu.memory_space<vmem>>) target_semaphore(%arg15 : memref<!tpu.dma_semaphore, #tpu.memory_space<semaphore_mem>>)
        "tpu.region"() ({
          %run_scoped3A = tpu.sem_alloc : memref<!tpu.dma_semaphore, #tpu.memory_space<semaphore_mem>>
          %dma_start3A_171 = arith.constant 0 : i32
          %dma_start3A_172 = arith.constant 0 : i32
          %dma_start3A_173 = tpu.memref_slice %arg6[%dma_start3A_171, %dma_start3A_172] : memref<10240x128xf32, #tpu.memory_space<vmem_shared>> -> memref<10240x128xf32, #tpu.memory_space<vmem_shared>>
          tpu.enqueue_indirect_dma source(%arg11 : memref<128x128xf32, #tpu.memory_space<vmem>>) target(%dma_start3A_173 : memref<10240x128xf32, #tpu.memory_space<vmem_shared>>) offsets(%arg9 : memref<128xi32, #tpu.memory_space<vmem>>) semaphore(%run_scoped3A : memref<!tpu.dma_semaphore, #tpu.memory_space<semaphore_mem>>) {add = true}
          %dma_wait3A_174 = arith.constant 0 : i32
          %dma_wait3A_175 = arith.constant 0 : i32
          %dma_wait3A_176 = tpu.memref_slice %arg6[%dma_wait3A_174, %dma_wait3A_175] : memref<10240x128xf32, #tpu.memory_space<vmem_shared>> -> memref<10240x128xf32, #tpu.memory_space<vmem_shared>>
          tpu.wait_indirect_dma semaphore(%run_scoped3A : memref<!tpu.dma_semaphore, #tpu.memory_space<semaphore_mem>>) src(%arg11 : memref<128x128xf32, #tpu.memory_space<vmem>>) dst(%dma_wait3A_176 : memref<10240x128xf32, #tpu.memory_space<vmem_shared>>)
          tpu.yield
        }) : () -> ()
        %add3A_122 = arith.addi %add3A_36, %mul3A_90 : i32
        %add3A_123 = arith.constant 2 : i32
        %add3A_124 = arith.addi %add3A_122, %add3A_123 : i32
        %dma_start3A_125 = arith.constant 0 : i32
        %dma_start3A_126 = tpu.memref_slice %arg4[%add3A_124, %dma_start3A_125] : memref<2528x128xi32, #tpu.memory_space<hbm>> -> memref<1x128xi32, #tpu.memory_space<hbm>>
        %dma_start3A_127 = tpu.memref_squeeze %dma_start3A_126 : memref<1x128xi32, #tpu.memory_space<hbm>> -> memref<128xi32, #tpu.memory_space<hbm>>
        %dma_start3A_128 = arith.constant 0 : i32
        %dma_start3A_129 = tpu.memref_slice %arg4[%add3A_124, %dma_start3A_128] : memref<2528x128xi32, #tpu.memory_space<hbm>> -> memref<1x128xi32, #tpu.memory_space<hbm>>
        %dma_start3A_130 = tpu.memref_squeeze %dma_start3A_129 : memref<1x128xi32, #tpu.memory_space<hbm>> -> memref<128xi32, #tpu.memory_space<hbm>>
        tpu.enqueue_dma source(%dma_start3A_130 : memref<128xi32, #tpu.memory_space<hbm>>) target(%arg9 : memref<128xi32, #tpu.memory_space<vmem>>) target_semaphore(%arg15 : memref<!tpu.dma_semaphore, #tpu.memory_space<semaphore_mem>>)
        %add3A_131 = arith.constant 2 : i32
        %add3A_132 = arith.addi %mul3A_90, %add3A_131 : i32
        %add3A_133 = arith.addi %add3A_36, %add3A_132 : i32
        %dma_wait3A_134 = arith.constant 0 : i32
        %dma_wait3A_135 = tpu.memref_slice %arg3[%add3A_133, %dma_wait3A_134] : memref<2528x128xi32, #tpu.memory_space<hbm>> -> memref<1x128xi32, #tpu.memory_space<hbm>>
        %dma_wait3A_136 = tpu.memref_squeeze %dma_wait3A_135 : memref<1x128xi32, #tpu.memory_space<hbm>> -> memref<128xi32, #tpu.memory_space<hbm>>
        %dma_wait3A_137 = arith.constant 0 : i32
        %dma_wait3A_138 = tpu.memref_slice %arg3[%add3A_133, %dma_wait3A_137] : memref<2528x128xi32, #tpu.memory_space<hbm>> -> memref<1x128xi32, #tpu.memory_space<hbm>>
        %dma_wait3A_139 = tpu.memref_squeeze %dma_wait3A_138 : memref<1x128xi32, #tpu.memory_space<hbm>> -> memref<128xi32, #tpu.memory_space<hbm>>
        tpu.wait_dma2 semaphore(%arg15 : memref<!tpu.dma_semaphore, #tpu.memory_space<semaphore_mem>>) src(%dma_wait3A_139 : memref<128xi32, #tpu.memory_space<hbm>>) dst(%arg7 : memref<128xi32, #tpu.memory_space<vmem>>)
        %add3A_140 = arith.addi %add3A_36, %add3A_132 : i32
        %dma_wait3A_141 = arith.constant 0 : i32
        %dma_wait3A_142 = tpu.memref_slice %arg4[%add3A_140, %dma_wait3A_141] : memref<2528x128xi32, #tpu.memory_space<hbm>> -> memref<1x128xi32, #tpu.memory_space<hbm>>
        %dma_wait3A_143 = tpu.memref_squeeze %dma_wait3A_142 : memref<1x128xi32, #tpu.memory_space<hbm>> -> memref<128xi32, #tpu.memory_space<hbm>>
        %dma_wait3A_144 = arith.constant 0 : i32
        %dma_wait3A_145 = tpu.memref_slice %arg4[%add3A_140, %dma_wait3A_144] : memref<2528x128xi32, #tpu.memory_space<hbm>> -> memref<1x128xi32, #tpu.memory_space<hbm>>
        %dma_wait3A_146 = tpu.memref_squeeze %dma_wait3A_145 : memref<1x128xi32, #tpu.memory_space<hbm>> -> memref<128xi32, #tpu.memory_space<hbm>>
        tpu.wait_dma2 semaphore(%arg15 : memref<!tpu.dma_semaphore, #tpu.memory_space<semaphore_mem>>) src(%dma_wait3A_146 : memref<128xi32, #tpu.memory_space<hbm>>) dst(%arg9 : memref<128xi32, #tpu.memory_space<vmem>>)
        %dma_start3A_147 = arith.constant 0 : i32
        %dma_start3A_148 = arith.constant 0 : i32
        %dma_start3A_149 = tpu.memref_slice %arg2[%dma_start3A_147, %dma_start3A_148] : memref<10000x128xf32, #tpu.memory_space<hbm>> -> memref<10000x128xf32, #tpu.memory_space<hbm>>
        tpu.enqueue_indirect_dma source(%dma_start3A_149 : memref<10000x128xf32, #tpu.memory_space<hbm>>) target(%arg11 : memref<128x128xf32, #tpu.memory_space<vmem>>) offsets(%arg7 : memref<128xi32, #tpu.memory_space<vmem>>) semaphore(%arg13 : memref<!tpu.dma_semaphore, #tpu.memory_space<semaphore_mem>>)
        %dma_wait3A_150 = arith.constant 0 : i32
        %dma_wait3A_151 = arith.constant 0 : i32
        %dma_wait3A_152 = tpu.memref_slice %arg2[%dma_wait3A_150, %dma_wait3A_151] : memref<10000x128xf32, #tpu.memory_space<hbm>> -> memref<10000x128xf32, #tpu.memory_space<hbm>>
        tpu.wait_indirect_dma semaphore(%arg14 : memref<!tpu.dma_semaphore, #tpu.memory_space<semaphore_mem>>) src(%dma_wait3A_152 : memref<10000x128xf32, #tpu.memory_space<hbm>>) dst(%arg12 : memref<128x128xf32, #tpu.memory_space<vmem>>)
        %add3A_153 = arith.addi %add3A_36, %mul3A_90 : i32
        %add3A_154 = arith.constant 3 : i32
        %add3A_155 = arith.addi %add3A_153, %add3A_154 : i32
        %dma_start3A_156 = arith.constant 0 : i32
        %dma_start3A_157 = tpu.memref_slice %arg3[%add3A_155, %dma_start3A_156] : memref<2528x128xi32, #tpu.memory_space<hbm>> -> memref<1x128xi32, #tpu.memory_space<hbm>>
        %dma_start3A_158 = tpu.memref_squeeze %dma_start3A_157 : memref<1x128xi32, #tpu.memory_space<hbm>> -> memref<128xi32, #tpu.memory_space<hbm>>
        %dma_start3A_159 = arith.constant 0 : i32
        %dma_start3A_160 = tpu.memref_slice %arg3[%add3A_155, %dma_start3A_159] : memref<2528x128xi32, #tpu.memory_space<hbm>> -> memref<1x128xi32, #tpu.memory_space<hbm>>
        %dma_start3A_161 = tpu.memref_squeeze %dma_start3A_160 : memref<1x128xi32, #tpu.memory_space<hbm>> -> memref<128xi32, #tpu.memory_space<hbm>>
        tpu.enqueue_dma source(%dma_start3A_161 : memref<128xi32, #tpu.memory_space<hbm>>) target(%arg8 : memref<128xi32, #tpu.memory_space<vmem>>) target_semaphore(%arg16 : memref<!tpu.dma_semaphore, #tpu.memory_space<semaphore_mem>>)
        "tpu.region"() ({
          %run_scoped3A = tpu.sem_alloc : memref<!tpu.dma_semaphore, #tpu.memory_space<semaphore_mem>>
          %dma_start3A_171 = arith.constant 0 : i32
          %dma_start3A_172 = arith.constant 0 : i32
          %dma_start3A_173 = tpu.memref_slice %arg6[%dma_start3A_171, %dma_start3A_172] : memref<10240x128xf32, #tpu.memory_space<vmem_shared>> -> memref<10240x128xf32, #tpu.memory_space<vmem_shared>>
          tpu.enqueue_indirect_dma source(%arg12 : memref<128x128xf32, #tpu.memory_space<vmem>>) target(%dma_start3A_173 : memref<10240x128xf32, #tpu.memory_space<vmem_shared>>) offsets(%arg10 : memref<128xi32, #tpu.memory_space<vmem>>) semaphore(%run_scoped3A : memref<!tpu.dma_semaphore, #tpu.memory_space<semaphore_mem>>) {add = true}
          %dma_wait3A_174 = arith.constant 0 : i32
          %dma_wait3A_175 = arith.constant 0 : i32
          %dma_wait3A_176 = tpu.memref_slice %arg6[%dma_wait3A_174, %dma_wait3A_175] : memref<10240x128xf32, #tpu.memory_space<vmem_shared>> -> memref<10240x128xf32, #tpu.memory_space<vmem_shared>>
          tpu.wait_indirect_dma semaphore(%run_scoped3A : memref<!tpu.dma_semaphore, #tpu.memory_space<semaphore_mem>>) src(%arg12 : memref<128x128xf32, #tpu.memory_space<vmem>>) dst(%dma_wait3A_176 : memref<10240x128xf32, #tpu.memory_space<vmem_shared>>)
          tpu.yield
        }) : () -> ()
        %add3A_162 = arith.addi %add3A_36, %mul3A_90 : i32
        %add3A_163 = arith.constant 3 : i32
        %add3A_164 = arith.addi %add3A_162, %add3A_163 : i32
        %dma_start3A_165 = arith.constant 0 : i32
        %dma_start3A_166 = tpu.memref_slice %arg4[%add3A_164, %dma_start3A_165] : memref<2528x128xi32, #tpu.memory_space<hbm>> -> memref<1x128xi32, #tpu.memory_space<hbm>>
        %dma_start3A_167 = tpu.memref_squeeze %dma_start3A_166 : memref<1x128xi32, #tpu.memory_space<hbm>> -> memref<128xi32, #tpu.memory_space<hbm>>
        %dma_start3A_168 = arith.constant 0 : i32
        %dma_start3A_169 = tpu.memref_slice %arg4[%add3A_164, %dma_start3A_168] : memref<2528x128xi32, #tpu.memory_space<hbm>> -> memref<1x128xi32, #tpu.memory_space<hbm>>
        %dma_start3A_170 = tpu.memref_squeeze %dma_start3A_169 : memref<1x128xi32, #tpu.memory_space<hbm>> -> memref<128xi32, #tpu.memory_space<hbm>>
        tpu.enqueue_dma source(%dma_start3A_170 : memref<128xi32, #tpu.memory_space<hbm>>) target(%arg10 : memref<128xi32, #tpu.memory_space<vmem>>) target_semaphore(%arg16 : memref<!tpu.dma_semaphore, #tpu.memory_space<semaphore_mem>>)
      }
      %scan3A_59 = arith.constant 9 : i32
      %add3A_60 = arith.constant 19 : i32
      %add3A_61 = arith.addi %add3A_36, %add3A_60 : i32
      %dma_wait3A = arith.constant 0 : i32
      %dma_wait3A_62 = tpu.memref_slice %arg3[%add3A_61, %dma_wait3A] : memref<2528x128xi32, #tpu.memory_space<hbm>> -> memref<1x128xi32, #tpu.memory_space<hbm>>
      %dma_wait3A_63 = tpu.memref_squeeze %dma_wait3A_62 : memref<1x128xi32, #tpu.memory_space<hbm>> -> memref<128xi32, #tpu.memory_space<hbm>>
      %dma_wait3A_64 = arith.constant 0 : i32
      %dma_wait3A_65 = tpu.memref_slice %arg3[%add3A_61, %dma_wait3A_64] : memref<2528x128xi32, #tpu.memory_space<hbm>> -> memref<1x128xi32, #tpu.memory_space<hbm>>
      %dma_wait3A_66 = tpu.memref_squeeze %dma_wait3A_65 : memref<1x128xi32, #tpu.memory_space<hbm>> -> memref<128xi32, #tpu.memory_space<hbm>>
      tpu.wait_dma2 semaphore(%arg16 : memref<!tpu.dma_semaphore, #tpu.memory_space<semaphore_mem>>) src(%dma_wait3A_66 : memref<128xi32, #tpu.memory_space<hbm>>) dst(%arg8 : memref<128xi32, #tpu.memory_space<vmem>>)
      %add3A_67 = arith.constant 19 : i32
      %add3A_68 = arith.addi %add3A_36, %add3A_67 : i32
      %dma_wait3A_69 = arith.constant 0 : i32
      %dma_wait3A_70 = tpu.memref_slice %arg4[%add3A_68, %dma_wait3A_69] : memref<2528x128xi32, #tpu.memory_space<hbm>> -> memref<1x128xi32, #tpu.memory_space<hbm>>
      %dma_wait3A_71 = tpu.memref_squeeze %dma_wait3A_70 : memref<1x128xi32, #tpu.memory_space<hbm>> -> memref<128xi32, #tpu.memory_space<hbm>>
      %dma_wait3A_72 = arith.constant 0 : i32
      %dma_wait3A_73 = tpu.memref_slice %arg4[%add3A_68, %dma_wait3A_72] : memref<2528x128xi32, #tpu.memory_space<hbm>> -> memref<1x128xi32, #tpu.memory_space<hbm>>
      %dma_wait3A_74 = tpu.memref_squeeze %dma_wait3A_73 : memref<1x128xi32, #tpu.memory_space<hbm>> -> memref<128xi32, #tpu.memory_space<hbm>>
      tpu.wait_dma2 semaphore(%arg16 : memref<!tpu.dma_semaphore, #tpu.memory_space<semaphore_mem>>) src(%dma_wait3A_74 : memref<128xi32, #tpu.memory_space<hbm>>) dst(%arg10 : memref<128xi32, #tpu.memory_space<vmem>>)
      %dma_start3A_75 = arith.constant 0 : i32
      %dma_start3A_76 = arith.constant 0 : i32
      %dma_start3A_77 = tpu.memref_slice %arg2[%dma_start3A_75, %dma_start3A_76] : memref<10000x128xf32, #tpu.memory_space<hbm>> -> memref<10000x128xf32, #tpu.memory_space<hbm>>
      tpu.enqueue_indirect_dma source(%dma_start3A_77 : memref<10000x128xf32, #tpu.memory_space<hbm>>) target(%arg12 : memref<128x128xf32, #tpu.memory_space<vmem>>) offsets(%arg8 : memref<128xi32, #tpu.memory_space<vmem>>) semaphore(%arg14 : memref<!tpu.dma_semaphore, #tpu.memory_space<semaphore_mem>>)
      %dma_wait3A_78 = arith.constant 0 : i32
      %dma_wait3A_79 = arith.constant 0 : i32
      %dma_wait3A_80 = tpu.memref_slice %arg2[%dma_wait3A_78, %dma_wait3A_79] : memref<10000x128xf32, #tpu.memory_space<hbm>> -> memref<10000x128xf32, #tpu.memory_space<hbm>>
      tpu.wait_indirect_dma semaphore(%arg13 : memref<!tpu.dma_semaphore, #tpu.memory_space<semaphore_mem>>) src(%dma_wait3A_80 : memref<10000x128xf32, #tpu.memory_space<hbm>>) dst(%arg11 : memref<128x128xf32, #tpu.memory_space<vmem>>)
      "tpu.region"() ({
        %run_scoped3A = tpu.sem_alloc : memref<!tpu.dma_semaphore, #tpu.memory_space<semaphore_mem>>
        %dma_start3A_84 = arith.constant 0 : i32
        %dma_start3A_85 = arith.constant 0 : i32
        %dma_start3A_86 = tpu.memref_slice %arg6[%dma_start3A_84, %dma_start3A_85] : memref<10240x128xf32, #tpu.memory_space<vmem_shared>> -> memref<10240x128xf32, #tpu.memory_space<vmem_shared>>
        tpu.enqueue_indirect_dma source(%arg11 : memref<128x128xf32, #tpu.memory_space<vmem>>) target(%dma_start3A_86 : memref<10240x128xf32, #tpu.memory_space<vmem_shared>>) offsets(%arg9 : memref<128xi32, #tpu.memory_space<vmem>>) semaphore(%run_scoped3A : memref<!tpu.dma_semaphore, #tpu.memory_space<semaphore_mem>>) {add = true}
        %dma_wait3A_87 = arith.constant 0 : i32
        %dma_wait3A_88 = arith.constant 0 : i32
        %dma_wait3A_89 = tpu.memref_slice %arg6[%dma_wait3A_87, %dma_wait3A_88] : memref<10240x128xf32, #tpu.memory_space<vmem_shared>> -> memref<10240x128xf32, #tpu.memory_space<vmem_shared>>
        tpu.wait_indirect_dma semaphore(%run_scoped3A : memref<!tpu.dma_semaphore, #tpu.memory_space<semaphore_mem>>) src(%arg11 : memref<128x128xf32, #tpu.memory_space<vmem>>) dst(%dma_wait3A_89 : memref<10240x128xf32, #tpu.memory_space<vmem_shared>>)
        tpu.yield
      }) : () -> ()
      %dma_wait3A_81 = arith.constant 0 : i32
      %dma_wait3A_82 = arith.constant 0 : i32
      %dma_wait3A_83 = tpu.memref_slice %arg2[%dma_wait3A_81, %dma_wait3A_82] : memref<10000x128xf32, #tpu.memory_space<hbm>> -> memref<10000x128xf32, #tpu.memory_space<hbm>>
      tpu.wait_indirect_dma semaphore(%arg14 : memref<!tpu.dma_semaphore, #tpu.memory_space<semaphore_mem>>) src(%dma_wait3A_83 : memref<10000x128xf32, #tpu.memory_space<hbm>>) dst(%arg12 : memref<128x128xf32, #tpu.memory_space<vmem>>)
      "tpu.region"() ({
        %run_scoped3A = tpu.sem_alloc : memref<!tpu.dma_semaphore, #tpu.memory_space<semaphore_mem>>
        %dma_start3A_84 = arith.constant 0 : i32
        %dma_start3A_85 = arith.constant 0 : i32
        %dma_start3A_86 = tpu.memref_slice %arg6[%dma_start3A_84, %dma_start3A_85] : memref<10240x128xf32, #tpu.memory_space<vmem_shared>> -> memref<10240x128xf32, #tpu.memory_space<vmem_shared>>
        tpu.enqueue_indirect_dma source(%arg12 : memref<128x128xf32, #tpu.memory_space<vmem>>) target(%dma_start3A_86 : memref<10240x128xf32, #tpu.memory_space<vmem_shared>>) offsets(%arg10 : memref<128xi32, #tpu.memory_space<vmem>>) semaphore(%run_scoped3A : memref<!tpu.dma_semaphore, #tpu.memory_space<semaphore_mem>>) {add = true}
        %dma_wait3A_87 = arith.constant 0 : i32
        %dma_wait3A_88 = arith.constant 0 : i32
        %dma_wait3A_89 = tpu.memref_slice %arg6[%dma_wait3A_87, %dma_wait3A_88] : memref<10240x128xf32, #tpu.memory_space<vmem_shared>> -> memref<10240x128xf32, #tpu.memory_space<vmem_shared>>
        tpu.wait_indirect_dma semaphore(%run_scoped3A : memref<!tpu.dma_semaphore, #tpu.memory_space<semaphore_mem>>) src(%arg12 : memref<128x128xf32, #tpu.memory_space<vmem>>) dst(%dma_wait3A_89 : memref<10240x128xf32, #tpu.memory_space<vmem_shared>>)
        tpu.yield
      }) : () -> ()
    } else {
    }
    %barrier3A_21 = arith.constant 0 : index
    tpu.barrier barrier_id(%barrier3A_21)
    %mul3A_22 = arith.constant 632 : i32
    %mul3A_23 = arith.muli %arg1, %mul3A_22 : i32
    %lt3A = arith.constant 15 : i32
    %lt3A_24 = arith.cmpi slt, %arg1, %lt3A : i32
    %convert_element_type3A_25 = arith.extui %lt3A_24 : i1 to i32
    %cond3A_26 = arith.constant 0 : i32
    %cond3A_27 = arith.cmpi ne, %convert_element_type3A_25, %cond3A_26 : i32
    scf.if %cond3A_27 {
      "tpu.region"() ({
        %run_scoped3A = tpu.sem_alloc : memref<!tpu.dma_semaphore, #tpu.memory_space<semaphore_mem>>
        %dma_start3A = arith.constant 0 : i32
        %dma_start3A_33 = arith.constant 0 : i32
        %dma_start3A_34 = tpu.memref_slice %arg5[%arg0, %dma_start3A, %dma_start3A_33] : memref<2x10000x128xf32, #tpu.memory_space<hbm>> -> memref<1x10000x128xf32, #tpu.memory_space<hbm>>
        %dma_start3A_35 = tpu.memref_squeeze %dma_start3A_34 : memref<1x10000x128xf32, #tpu.memory_space<hbm>> -> memref<10000x128xf32, #tpu.memory_space<hbm>>
        %dma_start3A_36 = arith.constant 0 : i32
        %dma_start3A_37 = tpu.memref_slice %dma_start3A_35[%mul3A_23, %dma_start3A_36] : memref<10000x128xf32, #tpu.memory_space<hbm>> -> memref<632x128xf32, #tpu.memory_space<hbm>>
        %dma_start3A_38 = arith.constant 0 : i32
        %dma_start3A_39 = tpu.memref_slice %arg6[%mul3A_23, %dma_start3A_38] : memref<10240x128xf32, #tpu.memory_space<vmem_shared>> -> memref<632x128xf32, #tpu.memory_space<vmem_shared>>
        tpu.enqueue_dma source(%dma_start3A_39 : memref<632x128xf32, #tpu.memory_space<vmem_shared>>) target(%dma_start3A_37 : memref<632x128xf32, #tpu.memory_space<hbm>>) target_semaphore(%run_scoped3A : memref<!tpu.dma_semaphore, #tpu.memory_space<semaphore_mem>>)
        %dma_wait3A = arith.constant 0 : i32
        %dma_wait3A_40 = arith.constant 0 : i32
        %dma_wait3A_41 = tpu.memref_slice %arg5[%arg0, %dma_wait3A, %dma_wait3A_40] : memref<2x10000x128xf32, #tpu.memory_space<hbm>> -> memref<1x10000x128xf32, #tpu.memory_space<hbm>>
        %dma_wait3A_42 = tpu.memref_squeeze %dma_wait3A_41 : memref<1x10000x128xf32, #tpu.memory_space<hbm>> -> memref<10000x128xf32, #tpu.memory_space<hbm>>
        %dma_wait3A_43 = arith.constant 0 : i32
        %dma_wait3A_44 = tpu.memref_slice %dma_wait3A_42[%mul3A_23, %dma_wait3A_43] : memref<10000x128xf32, #tpu.memory_space<hbm>> -> memref<632x128xf32, #tpu.memory_space<hbm>>
        %dma_wait3A_45 = arith.constant 0 : i32
        %dma_wait3A_46 = tpu.memref_slice %arg6[%mul3A_23, %dma_wait3A_45] : memref<10240x128xf32, #tpu.memory_space<vmem_shared>> -> memref<632x128xf32, #tpu.memory_space<vmem_shared>>
        tpu.wait_dma2 semaphore(%run_scoped3A : memref<!tpu.dma_semaphore, #tpu.memory_space<semaphore_mem>>) src(%dma_wait3A_46 : memref<632x128xf32, #tpu.memory_space<vmem_shared>>) dst(%dma_wait3A_44 : memref<632x128xf32, #tpu.memory_space<hbm>>)
        tpu.yield
      }) : () -> ()
    } else {
    }
    %eq3A_28 = arith.constant 15 : i32
    %eq3A_29 = arith.cmpi eq, %arg1, %eq3A_28 : i32
    %convert_element_type3A_30 = arith.extui %eq3A_29 : i1 to i32
    %cond3A_31 = arith.constant 0 : i32
    %cond3A_32 = arith.cmpi ne, %convert_element_type3A_30, %cond3A_31 : i32
    scf.if %cond3A_32 {
      "tpu.region"() ({
        %run_scoped3A = tpu.sem_alloc : memref<!tpu.dma_semaphore, #tpu.memory_space<semaphore_mem>>
        %dma_start3A = arith.constant 0 : i32
        %dma_start3A_33 = arith.constant 0 : i32
        %dma_start3A_34 = tpu.memref_slice %arg5[%arg0, %dma_start3A, %dma_start3A_33] : memref<2x10000x128xf32, #tpu.memory_space<hbm>> -> memref<1x10000x128xf32, #tpu.memory_space<hbm>>
        %dma_start3A_35 = tpu.memref_squeeze %dma_start3A_34 : memref<1x10000x128xf32, #tpu.memory_space<hbm>> -> memref<10000x128xf32, #tpu.memory_space<hbm>>
        %dma_start3A_36 = arith.constant 9480 : i32
        %dma_start3A_37 = arith.constant 0 : i32
        %dma_start3A_38 = tpu.memref_slice %dma_start3A_35[%dma_start3A_36, %dma_start3A_37] : memref<10000x128xf32, #tpu.memory_space<hbm>> -> memref<520x128xf32, #tpu.memory_space<hbm>>
        %dma_start3A_39 = arith.constant 9480 : i32
        %dma_start3A_40 = arith.constant 0 : i32
        %dma_start3A_41 = tpu.memref_slice %arg6[%dma_start3A_39, %dma_start3A_40] : memref<10240x128xf32, #tpu.memory_space<vmem_shared>> -> memref<520x128xf32, #tpu.memory_space<vmem_shared>>
        tpu.enqueue_dma source(%dma_start3A_41 : memref<520x128xf32, #tpu.memory_space<vmem_shared>>) target(%dma_start3A_38 : memref<520x128xf32, #tpu.memory_space<hbm>>) target_semaphore(%run_scoped3A : memref<!tpu.dma_semaphore, #tpu.memory_space<semaphore_mem>>)
        %dma_wait3A = arith.constant 0 : i32
        %dma_wait3A_42 = arith.constant 0 : i32
        %dma_wait3A_43 = tpu.memref_slice %arg5[%arg0, %dma_wait3A, %dma_wait3A_42] : memref<2x10000x128xf32, #tpu.memory_space<hbm>> -> memref<1x10000x128xf32, #tpu.memory_space<hbm>>
        %dma_wait3A_44 = tpu.memref_squeeze %dma_wait3A_43 : memref<1x10000x128xf32, #tpu.memory_space<hbm>> -> memref<10000x128xf32, #tpu.memory_space<hbm>>
        %dma_wait3A_45 = arith.constant 9480 : i32
        %dma_wait3A_46 = arith.constant 0 : i32
        %dma_wait3A_47 = tpu.memref_slice %dma_wait3A_44[%dma_wait3A_45, %dma_wait3A_46] : memref<10000x128xf32, #tpu.memory_space<hbm>> -> memref<520x128xf32, #tpu.memory_space<hbm>>
        %dma_wait3A_48 = arith.constant 9480 : i32
        %dma_wait3A_49 = arith.constant 0 : i32
        %dma_wait3A_50 = tpu.memref_slice %arg6[%dma_wait3A_48, %dma_wait3A_49] : memref<10240x128xf32, #tpu.memory_space<vmem_shared>> -> memref<520x128xf32, #tpu.memory_space<vmem_shared>>
        tpu.wait_dma2 semaphore(%run_scoped3A : memref<!tpu.dma_semaphore, #tpu.memory_space<semaphore_mem>>) src(%dma_wait3A_50 : memref<520x128xf32, #tpu.memory_space<vmem_shared>>) dst(%dma_wait3A_47 : memref<520x128xf32, #tpu.memory_space<hbm>>)
        tpu.yield
      }) : () -> ()
    } else {
    }
    return
  }
}

#map = affine_map<(d0, d1) -> (0, 0)>
#map1 = affine_map<(d0, d1) -> (0)>
module attributes {stable_mosaic.version = 14 : i64} {
  func.func @body(%arg0: i32, %arg1: i32, %arg2: memref<4x10000xf32, #tpu.memory_space<hbm>>, %arg3: memref<200704xi32, #tpu.memory_space<hbm>>, %arg4: memref<200704xi32, #tpu.memory_space<hbm>>, %arg5: memref<200704xf32, #tpu.memory_space<hbm>>, %arg6: memref<200704xf32, #tpu.memory_space<hbm>>, %arg7: memref<4x10000xf32, #tpu.memory_space<vmem>>, %arg8: memref<6272xi32, #tpu.memory_space<vmem>>, %arg9: memref<6272xi32, #tpu.memory_space<vmem>>, %arg10: memref<6272xf32, #tpu.memory_space<vmem>>, %arg11: memref<6272xf32, #tpu.memory_space<vmem>>, %arg12: memref<!tpu.dma_semaphore, #tpu.memory_space<semaphore_mem>>) attributes {dimension_semantics = [#tpu.dimension_semantics<core_parallel>, #tpu.dimension_semantics<subcore_parallel>], iteration_bounds = array<i64: 2, 16>, scalar_prefetch = 0 : i64, scratch_operands = 6 : i64, tpu.core_type = #tpu.core_type<sc_vector_subcore>, window_params = [{transform_indices = #map}, {transform_indices = #map1}, {transform_indices = #map1}, {transform_indices = #map1}, {transform_indices = #map1}]} {
    %mul3A = arith.constant 16 : i32
    %mul3A_0 = arith.muli %arg0, %mul3A : i32
    %add3A = arith.addi %mul3A_0, %arg1 : i32
    %mul3A_1 = arith.constant 6272 : i32
    %mul3A_2 = arith.muli %add3A, %mul3A_1 : i32
    tpu.enqueue_dma source(%arg2 : memref<4x10000xf32, #tpu.memory_space<hbm>>) target(%arg7 : memref<4x10000xf32, #tpu.memory_space<vmem>>) target_semaphore(%arg12 : memref<!tpu.dma_semaphore, #tpu.memory_space<semaphore_mem>>)
    tpu.wait_dma2 semaphore(%arg12 : memref<!tpu.dma_semaphore, #tpu.memory_space<semaphore_mem>>) src(%arg2 : memref<4x10000xf32, #tpu.memory_space<hbm>>) dst(%arg7 : memref<4x10000xf32, #tpu.memory_space<vmem>>)
    "tpu.region"() ({
      %run_scoped3A = tpu.sem_alloc : memref<!tpu.dma_semaphore, #tpu.memory_space<semaphore_mem>>
      %dma_start3A = tpu.memref_slice %arg3[%mul3A_2] : memref<200704xi32, #tpu.memory_space<hbm>> -> memref<6272xi32, #tpu.memory_space<hbm>>
      %dma_start3A_14 = tpu.memref_slice %arg3[%mul3A_2] : memref<200704xi32, #tpu.memory_space<hbm>> -> memref<6272xi32, #tpu.memory_space<hbm>>
      tpu.enqueue_dma source(%dma_start3A_14 : memref<6272xi32, #tpu.memory_space<hbm>>) target(%arg8 : memref<6272xi32, #tpu.memory_space<vmem>>) target_semaphore(%run_scoped3A : memref<!tpu.dma_semaphore, #tpu.memory_space<semaphore_mem>>)
      %dma_wait3A = tpu.memref_slice %arg3[%mul3A_2] : memref<200704xi32, #tpu.memory_space<hbm>> -> memref<6272xi32, #tpu.memory_space<hbm>>
      %dma_wait3A_15 = tpu.memref_slice %arg3[%mul3A_2] : memref<200704xi32, #tpu.memory_space<hbm>> -> memref<6272xi32, #tpu.memory_space<hbm>>
      tpu.wait_dma2 semaphore(%run_scoped3A : memref<!tpu.dma_semaphore, #tpu.memory_space<semaphore_mem>>) src(%dma_wait3A_15 : memref<6272xi32, #tpu.memory_space<hbm>>) dst(%arg8 : memref<6272xi32, #tpu.memory_space<vmem>>)
      tpu.yield
    }) : () -> ()
    "tpu.region"() ({
      %run_scoped3A = tpu.sem_alloc : memref<!tpu.dma_semaphore, #tpu.memory_space<semaphore_mem>>
      %dma_start3A = tpu.memref_slice %arg4[%mul3A_2] : memref<200704xi32, #tpu.memory_space<hbm>> -> memref<6272xi32, #tpu.memory_space<hbm>>
      %dma_start3A_14 = tpu.memref_slice %arg4[%mul3A_2] : memref<200704xi32, #tpu.memory_space<hbm>> -> memref<6272xi32, #tpu.memory_space<hbm>>
      tpu.enqueue_dma source(%dma_start3A_14 : memref<6272xi32, #tpu.memory_space<hbm>>) target(%arg9 : memref<6272xi32, #tpu.memory_space<vmem>>) target_semaphore(%run_scoped3A : memref<!tpu.dma_semaphore, #tpu.memory_space<semaphore_mem>>)
      %dma_wait3A = tpu.memref_slice %arg4[%mul3A_2] : memref<200704xi32, #tpu.memory_space<hbm>> -> memref<6272xi32, #tpu.memory_space<hbm>>
      %dma_wait3A_15 = tpu.memref_slice %arg4[%mul3A_2] : memref<200704xi32, #tpu.memory_space<hbm>> -> memref<6272xi32, #tpu.memory_space<hbm>>
      tpu.wait_dma2 semaphore(%run_scoped3A : memref<!tpu.dma_semaphore, #tpu.memory_space<semaphore_mem>>) src(%dma_wait3A_15 : memref<6272xi32, #tpu.memory_space<hbm>>) dst(%arg9 : memref<6272xi32, #tpu.memory_space<vmem>>)
      tpu.yield
    }) : () -> ()
    %broadcast_in_dim3A = arith.constant 0 : i32
    %broadcast_in_dim3A_3 = vector.broadcast %broadcast_in_dim3A : i32 to vector<16xi32>
    %broadcast_in_dim3A_4 = arith.constant 1 : i32
    %broadcast_in_dim3A_5 = vector.broadcast %broadcast_in_dim3A_4 : i32 to vector<16xi32>
    %broadcast_in_dim3A_6 = arith.constant 2 : i32
    %broadcast_in_dim3A_7 = vector.broadcast %broadcast_in_dim3A_6 : i32 to vector<16xi32>
    %broadcast_in_dim3A_8 = arith.constant 3 : i32
    %broadcast_in_dim3A_9 = vector.broadcast %broadcast_in_dim3A_8 : i32 to vector<16xi32>
    %scan3A = arith.constant 0 : i32
    %scan3A_10 = arith.constant 392 : i32
    %scan3A_11 = arith.addi %scan3A, %scan3A_10 : i32
    %scan3A_12 = arith.constant 1 : i32
    scf.for %scan3A_14 = %scan3A to %scan3A_11 step %scan3A_12  : i32 {
      %mul3A_15 = arith.constant 16 : i32
      %mul3A_16 = arith.muli %scan3A_14, %mul3A_15 : i32
      %add3A_17 = arith.constant 0 : i32
      %add3A_18 = arith.addi %add3A_17, %mul3A_16 : i32
      %get3A = arith.index_cast %add3A_18 : i32 to index
      %get3A_19 = tpu.vector_load %arg8[%get3A] {strides = array<i32>} : memref<6272xi32, #tpu.memory_space<vmem>>, vector<16xi32>,
      %get3A_20 = arith.index_cast %add3A_18 : i32 to index
      %get3A_21 = tpu.vector_load %arg9[%get3A_20] {strides = array<i32>} : memref<6272xi32, #tpu.memory_space<vmem>>, vector<16xi32>,
      %gather3A = tpu.vector_load_idx %arg7[%broadcast_in_dim3A_3, %get3A_19] : memref<4x10000xf32, #tpu.memory_space<vmem>>[vector<16xi32>, vector<16xi32>], vector<16xf32>,
      %gather3A_22 = tpu.vector_load_idx %arg7[%broadcast_in_dim3A_5, %get3A_19] : memref<4x10000xf32, #tpu.memory_space<vmem>>[vector<16xi32>, vector<16xi32>], vector<16xf32>,
      %gather3A_23 = tpu.vector_load_idx %arg7[%broadcast_in_dim3A_7, %get3A_21] : memref<4x10000xf32, #tpu.memory_space<vmem>>[vector<16xi32>, vector<16xi32>], vector<16xf32>,
      %gather3A_24 = tpu.vector_load_idx %arg7[%broadcast_in_dim3A_9, %get3A_21] : memref<4x10000xf32, #tpu.memory_space<vmem>>[vector<16xi32>, vector<16xi32>], vector<16xf32>,
      %add3A_25 = arith.addf %gather3A, %gather3A_23 : vector<16xf32>
      %swap3A = arith.index_cast %add3A_18 : i32 to index
      %swap3A_26 = tpu.vector_load %arg10[%swap3A] {strides = array<i32>} : memref<6272xf32, #tpu.memory_space<vmem>>, vector<16xf32>,
      tpu.vector_store %arg10[%swap3A], %add3A_25 {strides = array<i32>} : memref<6272xf32, #tpu.memory_space<vmem>>, vector<16xf32>,
      %add3A_27 = arith.addf %gather3A_22, %gather3A_24 : vector<16xf32>
      %swap3A_28 = arith.index_cast %add3A_18 : i32 to index
      %swap3A_29 = tpu.vector_load %arg11[%swap3A_28] {strides = array<i32>} : memref<6272xf32, #tpu.memory_space<vmem>>, vector<16xf32>,
      tpu.vector_store %arg11[%swap3A_28], %add3A_27 {strides = array<i32>} : memref<6272xf32, #tpu.memory_space<vmem>>, vector<16xf32>,
    }
    %scan3A_13 = arith.constant 392 : i32
    "tpu.region"() ({
      %run_scoped3A = tpu.sem_alloc : memref<!tpu.dma_semaphore, #tpu.memory_space<semaphore_mem>>
      %dma_start3A = tpu.memref_slice %arg5[%mul3A_2] : memref<200704xf32, #tpu.memory_space<hbm>> -> memref<6272xf32, #tpu.memory_space<hbm>>
      %dma_start3A_14 = tpu.memref_slice %arg5[%mul3A_2] : memref<200704xf32, #tpu.memory_space<hbm>> -> memref<6272xf32, #tpu.memory_space<hbm>>
      tpu.enqueue_dma source(%arg10 : memref<6272xf32, #tpu.memory_space<vmem>>) target(%dma_start3A_14 : memref<6272xf32, #tpu.memory_space<hbm>>) target_semaphore(%run_scoped3A : memref<!tpu.dma_semaphore, #tpu.memory_space<semaphore_mem>>)
      %dma_wait3A = tpu.memref_slice %arg5[%mul3A_2] : memref<200704xf32, #tpu.memory_space<hbm>> -> memref<6272xf32, #tpu.memory_space<hbm>>
      %dma_wait3A_15 = tpu.memref_slice %arg5[%mul3A_2] : memref<200704xf32, #tpu.memory_space<hbm>> -> memref<6272xf32, #tpu.memory_space<hbm>>
      tpu.wait_dma2 semaphore(%run_scoped3A : memref<!tpu.dma_semaphore, #tpu.memory_space<semaphore_mem>>) src(%arg10 : memref<6272xf32, #tpu.memory_space<vmem>>) dst(%dma_wait3A_15 : memref<6272xf32, #tpu.memory_space<hbm>>)
      tpu.yield
    }) : () -> ()
    "tpu.region"() ({
      %run_scoped3A = tpu.sem_alloc : memref<!tpu.dma_semaphore, #tpu.memory_space<semaphore_mem>>
      %dma_start3A = tpu.memref_slice %arg6[%mul3A_2] : memref<200704xf32, #tpu.memory_space<hbm>> -> memref<6272xf32, #tpu.memory_space<hbm>>
      %dma_start3A_14 = tpu.memref_slice %arg6[%mul3A_2] : memref<200704xf32, #tpu.memory_space<hbm>> -> memref<6272xf32, #tpu.memory_space<hbm>>
      tpu.enqueue_dma source(%arg11 : memref<6272xf32, #tpu.memory_space<vmem>>) target(%dma_start3A_14 : memref<6272xf32, #tpu.memory_space<hbm>>) target_semaphore(%run_scoped3A : memref<!tpu.dma_semaphore, #tpu.memory_space<semaphore_mem>>)
      %dma_wait3A = tpu.memref_slice %arg6[%mul3A_2] : memref<200704xf32, #tpu.memory_space<hbm>> -> memref<6272xf32, #tpu.memory_space<hbm>>
      %dma_wait3A_15 = tpu.memref_slice %arg6[%mul3A_2] : memref<200704xf32, #tpu.memory_space<hbm>> -> memref<6272xf32, #tpu.memory_space<hbm>>
      tpu.wait_dma2 semaphore(%run_scoped3A : memref<!tpu.dma_semaphore, #tpu.memory_space<semaphore_mem>>) src(%arg11 : memref<6272xf32, #tpu.memory_space<vmem>>) dst(%dma_wait3A_15 : memref<6272xf32, #tpu.memory_space<hbm>>)
      tpu.yield
    }) : () -> ()
    return
  }
}

#map = affine_map<(d0, d1) -> (0, 0)>
#map1 = affine_map<(d0, d1) -> (0, 0, 0)>
module attributes {stable_mosaic.version = 14 : i64} {
  func.func @body(%arg0: i32, %arg1: i32, %arg2: memref<10000x128xf32, #tpu.memory_space<hbm>>, %arg3: memref<2528x128xi32, #tpu.memory_space<hbm>>, %arg4: memref<2528x128xi32, #tpu.memory_space<hbm>>, %arg5: memref<2x10000x128xf32, #tpu.memory_space<hbm>>, %arg6: memref<10240x128xf32, #tpu.memory_space<vmem_shared>>, %arg7: memref<128xi32, #tpu.memory_space<vmem>>, %arg8: memref<128xi32, #tpu.memory_space<vmem>>, %arg9: memref<128xi32, #tpu.memory_space<vmem>>, %arg10: memref<128xi32, #tpu.memory_space<vmem>>, %arg11: memref<128x128xf32, #tpu.memory_space<vmem>>, %arg12: memref<128x128xf32, #tpu.memory_space<vmem>>, %arg13: memref<!tpu.dma_semaphore, #tpu.memory_space<semaphore_mem>>, %arg14: memref<!tpu.dma_semaphore, #tpu.memory_space<semaphore_mem>>, %arg15: memref<!tpu.dma_semaphore, #tpu.memory_space<semaphore_mem>>, %arg16: memref<!tpu.dma_semaphore, #tpu.memory_space<semaphore_mem>>) attributes {dimension_semantics = [#tpu.dimension_semantics<core_parallel>, #tpu.dimension_semantics<subcore_parallel>], iteration_bounds = array<i64: 2, 16>, scalar_prefetch = 0 : i64, scratch_operands = 11 : i64, tpu.core_type = #tpu.core_type<sc_vector_subcore>, window_params = [{transform_indices = #map}, {transform_indices = #map}, {transform_indices = #map}, {transform_indices = #map1}]} {
    %scan3A = arith.constant 0 : i32
    %scan3A_0 = arith.constant 128 : i32
    %scan3A_1 = arith.addi %scan3A, %scan3A_0 : i32
    %scan3A_2 = arith.constant 1 : i32
    scf.for %scan3A_33 = %scan3A to %scan3A_1 step %scan3A_2  : i32 {
      %mul3A_34 = arith.constant 1 : i32
      %mul3A_35 = arith.muli %scan3A_33, %mul3A_34 : i32
      %add3A_36 = arith.constant 0 : i32
      %add3A_37 = arith.addi %add3A_36, %mul3A_35 : i32
      %broadcast_in_dim3A = arith.constant 0.000000e+00 : f32
      %broadcast_in_dim3A_38 = vector.broadcast %broadcast_in_dim3A : f32 to vector<1x16xf32>
      %swap3A = arith.index_cast %add3A_37 : i32 to index
      %swap3A_39 = arith.constant 0 : index
      %swap3A_40 = tpu.vector_load %arg11[%swap3A, %swap3A_39] {strides = array<i32>} : memref<128x128xf32, #tpu.memory_space<vmem>>, vector<1x16xf32>,
      %swap3A_41 = vector.shape_cast %swap3A_40 : vector<1x16xf32> to vector<1x16xf32>
      %swap3A_42 = vector.shape_cast %broadcast_in_dim3A_38 : vector<1x16xf32> to vector<1x16xf32>
      tpu.vector_store %arg11[%swap3A, %swap3A_39], %swap3A_42 {strides = array<i32>} : memref<128x128xf32, #tpu.memory_space<vmem>>, vector<1x16xf32>,
      %broadcast_in_dim3A_43 = arith.constant 0.000000e+00 : f32
      %broadcast_in_dim3A_44 = vector.broadcast %broadcast_in_dim3A_43 : f32 to vector<1x16xf32>
      %swap3A_45 = arith.index_cast %add3A_37 : i32 to index
      %swap3A_46 = arith.constant 16 : index
      %swap3A_47 = tpu.vector_load %arg11[%swap3A_45, %swap3A_46] {strides = array<i32>} : memref<128x128xf32, #tpu.memory_space<vmem>>, vector<1x16xf32>,
      %swap3A_48 = vector.shape_cast %swap3A_47 : vector<1x16xf32> to vector<1x16xf32>
      %swap3A_49 = vector.shape_cast %broadcast_in_dim3A_44 : vector<1x16xf32> to vector<1x16xf32>
      tpu.vector_store %arg11[%swap3A_45, %swap3A_46], %swap3A_49 {strides = array<i32>} : memref<128x128xf32, #tpu.memory_space<vmem>>, vector<1x16xf32>,
      %broadcast_in_dim3A_50 = arith.constant 0.000000e+00 : f32
      %broadcast_in_dim3A_51 = vector.broadcast %broadcast_in_dim3A_50 : f32 to vector<1x16xf32>
      %swap3A_52 = arith.index_cast %add3A_37 : i32 to index
      %swap3A_53 = arith.constant 32 : index
      %swap3A_54 = tpu.vector_load %arg11[%swap3A_52, %swap3A_53] {strides = array<i32>} : memref<128x128xf32, #tpu.memory_space<vmem>>, vector<1x16xf32>,
      %swap3A_55 = vector.shape_cast %swap3A_54 : vector<1x16xf32> to vector<1x16xf32>
      %swap3A_56 = vector.shape_cast %broadcast_in_dim3A_51 : vector<1x16xf32> to vector<1x16xf32>
      tpu.vector_store %arg11[%swap3A_52, %swap3A_53], %swap3A_56 {strides = array<i32>} : memref<128x128xf32, #tpu.memory_space<vmem>>, vector<1x16xf32>,
      %broadcast_in_dim3A_57 = arith.constant 0.000000e+00 : f32
      %broadcast_in_dim3A_58 = vector.broadcast %broadcast_in_dim3A_57 : f32 to vector<1x16xf32>
      %swap3A_59 = arith.index_cast %add3A_37 : i32 to index
      %swap3A_60 = arith.constant 48 : index
      %swap3A_61 = tpu.vector_load %arg11[%swap3A_59, %swap3A_60] {strides = array<i32>} : memref<128x128xf32, #tpu.memory_space<vmem>>, vector<1x16xf32>,
      %swap3A_62 = vector.shape_cast %swap3A_61 : vector<1x16xf32> to vector<1x16xf32>
      %swap3A_63 = vector.shape_cast %broadcast_in_dim3A_58 : vector<1x16xf32> to vector<1x16xf32>
      tpu.vector_store %arg11[%swap3A_59, %swap3A_60], %swap3A_63 {strides = array<i32>} : memref<128x128xf32, #tpu.memory_space<vmem>>, vector<1x16xf32>,
      %broadcast_in_dim3A_64 = arith.constant 0.000000e+00 : f32
      %broadcast_in_dim3A_65 = vector.broadcast %broadcast_in_dim3A_64 : f32 to vector<1x16xf32>
      %swap3A_66 = arith.index_cast %add3A_37 : i32 to index
      %swap3A_67 = arith.constant 64 : index
      %swap3A_68 = tpu.vector_load %arg11[%swap3A_66, %swap3A_67] {strides = array<i32>} : memref<128x128xf32, #tpu.memory_space<vmem>>, vector<1x16xf32>,
      %swap3A_69 = vector.shape_cast %swap3A_68 : vector<1x16xf32> to vector<1x16xf32>
      %swap3A_70 = vector.shape_cast %broadcast_in_dim3A_65 : vector<1x16xf32> to vector<1x16xf32>
      tpu.vector_store %arg11[%swap3A_66, %swap3A_67], %swap3A_70 {strides = array<i32>} : memref<128x128xf32, #tpu.memory_space<vmem>>, vector<1x16xf32>,
      %broadcast_in_dim3A_71 = arith.constant 0.000000e+00 : f32
      %broadcast_in_dim3A_72 = vector.broadcast %broadcast_in_dim3A_71 : f32 to vector<1x16xf32>
      %swap3A_73 = arith.index_cast %add3A_37 : i32 to index
      %swap3A_74 = arith.constant 80 : index
      %swap3A_75 = tpu.vector_load %arg11[%swap3A_73, %swap3A_74] {strides = array<i32>} : memref<128x128xf32, #tpu.memory_space<vmem>>, vector<1x16xf32>,
      %swap3A_76 = vector.shape_cast %swap3A_75 : vector<1x16xf32> to vector<1x16xf32>
      %swap3A_77 = vector.shape_cast %broadcast_in_dim3A_72 : vector<1x16xf32> to vector<1x16xf32>
      tpu.vector_store %arg11[%swap3A_73, %swap3A_74], %swap3A_77 {strides = array<i32>} : memref<128x128xf32, #tpu.memory_space<vmem>>, vector<1x16xf32>,
      %broadcast_in_dim3A_78 = arith.constant 0.000000e+00 : f32
      %broadcast_in_dim3A_79 = vector.broadcast %broadcast_in_dim3A_78 : f32 to vector<1x16xf32>
      %swap3A_80 = arith.index_cast %add3A_37 : i32 to index
      %swap3A_81 = arith.constant 96 : index
      %swap3A_82 = tpu.vector_load %arg11[%swap3A_80, %swap3A_81] {strides = array<i32>} : memref<128x128xf32, #tpu.memory_space<vmem>>, vector<1x16xf32>,
      %swap3A_83 = vector.shape_cast %swap3A_82 : vector<1x16xf32> to vector<1x16xf32>
      %swap3A_84 = vector.shape_cast %broadcast_in_dim3A_79 : vector<1x16xf32> to vector<1x16xf32>
      tpu.vector_store %arg11[%swap3A_80, %swap3A_81], %swap3A_84 {strides = array<i32>} : memref<128x128xf32, #tpu.memory_space<vmem>>, vector<1x16xf32>,
      %broadcast_in_dim3A_85 = arith.constant 0.000000e+00 : f32
      %broadcast_in_dim3A_86 = vector.broadcast %broadcast_in_dim3A_85 : f32 to vector<1x16xf32>
      %swap3A_87 = arith.index_cast %add3A_37 : i32 to index
      %swap3A_88 = arith.constant 112 : index
      %swap3A_89 = tpu.vector_load %arg11[%swap3A_87, %swap3A_88] {strides = array<i32>} : memref<128x128xf32, #tpu.memory_space<vmem>>, vector<1x16xf32>,
      %swap3A_90 = vector.shape_cast %swap3A_89 : vector<1x16xf32> to vector<1x16xf32>
      %swap3A_91 = vector.shape_cast %broadcast_in_dim3A_86 : vector<1x16xf32> to vector<1x16xf32>
      tpu.vector_store %arg11[%swap3A_87, %swap3A_88], %swap3A_91 {strides = array<i32>} : memref<128x128xf32, #tpu.memory_space<vmem>>, vector<1x16xf32>,
    }
    %scan3A_3 = arith.constant 128 : i32
    %mul3A = arith.constant 640 : i32
    %mul3A_4 = arith.muli %arg1, %mul3A : i32
    %add3A = arith.constant 0 : i32
    %add3A_5 = arith.addi %mul3A_4, %add3A : i32
    "tpu.region"() ({
      %run_scoped3A = tpu.sem_alloc : memref<!tpu.dma_semaphore, #tpu.memory_space<semaphore_mem>>
      %dma_start3A = arith.constant 0 : i32
      %dma_start3A_33 = tpu.memref_slice %arg6[%add3A_5, %dma_start3A] : memref<10240x128xf32, #tpu.memory_space<vmem_shared>> -> memref<128x128xf32, #tpu.memory_space<vmem_shared>>
      %dma_start3A_34 = arith.constant 0 : i32
      %dma_start3A_35 = tpu.memref_slice %arg6[%add3A_5, %dma_start3A_34] : memref<10240x128xf32, #tpu.memory_space<vmem_shared>> -> memref<128x128xf32, #tpu.memory_space<vmem_shared>>
      tpu.enqueue_dma source(%arg11 : memref<128x128xf32, #tpu.memory_space<vmem>>) target(%dma_start3A_35 : memref<128x128xf32, #tpu.memory_space<vmem_shared>>) target_semaphore(%run_scoped3A : memref<!tpu.dma_semaphore, #tpu.memory_space<semaphore_mem>>)
      %dma_wait3A = arith.constant 0 : i32
      %dma_wait3A_36 = tpu.memref_slice %arg6[%add3A_5, %dma_wait3A] : memref<10240x128xf32, #tpu.memory_space<vmem_shared>> -> memref<128x128xf32, #tpu.memory_space<vmem_shared>>
      %dma_wait3A_37 = arith.constant 0 : i32
      %dma_wait3A_38 = tpu.memref_slice %arg6[%add3A_5, %dma_wait3A_37] : memref<10240x128xf32, #tpu.memory_space<vmem_shared>> -> memref<128x128xf32, #tpu.memory_space<vmem_shared>>
      tpu.wait_dma2 semaphore(%run_scoped3A : memref<!tpu.dma_semaphore, #tpu.memory_space<semaphore_mem>>) src(%arg11 : memref<128x128xf32, #tpu.memory_space<vmem>>) dst(%dma_wait3A_38 : memref<128x128xf32, #tpu.memory_space<vmem_shared>>)
      tpu.yield
    }) : () -> ()
    %add3A_6 = arith.constant 128 : i32
    %add3A_7 = arith.addi %mul3A_4, %add3A_6 : i32
    "tpu.region"() ({
      %run_scoped3A = tpu.sem_alloc : memref<!tpu.dma_semaphore, #tpu.memory_space<semaphore_mem>>
      %dma_start3A = arith.constant 0 : i32
      %dma_start3A_33 = tpu.memref_slice %arg6[%add3A_7, %dma_start3A] : memref<10240x128xf32, #tpu.memory_space<vmem_shared>> -> memref<128x128xf32, #tpu.memory_space<vmem_shared>>
      %dma_start3A_34 = arith.constant 0 : i32
      %dma_start3A_35 = tpu.memref_slice %arg6[%add3A_7, %dma_start3A_34] : memref<10240x128xf32, #tpu.memory_space<vmem_shared>> -> memref<128x128xf32, #tpu.memory_space<vmem_shared>>
      tpu.enqueue_dma source(%arg11 : memref<128x128xf32, #tpu.memory_space<vmem>>) target(%dma_start3A_35 : memref<128x128xf32, #tpu.memory_space<vmem_shared>>) target_semaphore(%run_scoped3A : memref<!tpu.dma_semaphore, #tpu.memory_space<semaphore_mem>>)
      %dma_wait3A = arith.constant 0 : i32
      %dma_wait3A_36 = tpu.memref_slice %arg6[%add3A_7, %dma_wait3A] : memref<10240x128xf32, #tpu.memory_space<vmem_shared>> -> memref<128x128xf32, #tpu.memory_space<vmem_shared>>
      %dma_wait3A_37 = arith.constant 0 : i32
      %dma_wait3A_38 = tpu.memref_slice %arg6[%add3A_7, %dma_wait3A_37] : memref<10240x128xf32, #tpu.memory_space<vmem_shared>> -> memref<128x128xf32, #tpu.memory_space<vmem_shared>>
      tpu.wait_dma2 semaphore(%run_scoped3A : memref<!tpu.dma_semaphore, #tpu.memory_space<semaphore_mem>>) src(%arg11 : memref<128x128xf32, #tpu.memory_space<vmem>>) dst(%dma_wait3A_38 : memref<128x128xf32, #tpu.memory_space<vmem_shared>>)
      tpu.yield
    }) : () -> ()
    %add3A_8 = arith.constant 256 : i32
    %add3A_9 = arith.addi %mul3A_4, %add3A_8 : i32
    "tpu.region"() ({
      %run_scoped3A = tpu.sem_alloc : memref<!tpu.dma_semaphore, #tpu.memory_space<semaphore_mem>>
      %dma_start3A = arith.constant 0 : i32
      %dma_start3A_33 = tpu.memref_slice %arg6[%add3A_9, %dma_start3A] : memref<10240x128xf32, #tpu.memory_space<vmem_shared>> -> memref<128x128xf32, #tpu.memory_space<vmem_shared>>
      %dma_start3A_34 = arith.constant 0 : i32
      %dma_start3A_35 = tpu.memref_slice %arg6[%add3A_9, %dma_start3A_34] : memref<10240x128xf32, #tpu.memory_space<vmem_shared>> -> memref<128x128xf32, #tpu.memory_space<vmem_shared>>
      tpu.enqueue_dma source(%arg11 : memref<128x128xf32, #tpu.memory_space<vmem>>) target(%dma_start3A_35 : memref<128x128xf32, #tpu.memory_space<vmem_shared>>) target_semaphore(%run_scoped3A : memref<!tpu.dma_semaphore, #tpu.memory_space<semaphore_mem>>)
      %dma_wait3A = arith.constant 0 : i32
      %dma_wait3A_36 = tpu.memref_slice %arg6[%add3A_9, %dma_wait3A] : memref<10240x128xf32, #tpu.memory_space<vmem_shared>> -> memref<128x128xf32, #tpu.memory_space<vmem_shared>>
      %dma_wait3A_37 = arith.constant 0 : i32
      %dma_wait3A_38 = tpu.memref_slice %arg6[%add3A_9, %dma_wait3A_37] : memref<10240x128xf32, #tpu.memory_space<vmem_shared>> -> memref<128x128xf32, #tpu.memory_space<vmem_shared>>
      tpu.wait_dma2 semaphore(%run_scoped3A : memref<!tpu.dma_semaphore, #tpu.memory_space<semaphore_mem>>) src(%arg11 : memref<128x128xf32, #tpu.memory_space<vmem>>) dst(%dma_wait3A_38 : memref<128x128xf32, #tpu.memory_space<vmem_shared>>)
      tpu.yield
    }) : () -> ()
    %add3A_10 = arith.constant 384 : i32
    %add3A_11 = arith.addi %mul3A_4, %add3A_10 : i32
    "tpu.region"() ({
      %run_scoped3A = tpu.sem_alloc : memref<!tpu.dma_semaphore, #tpu.memory_space<semaphore_mem>>
      %dma_start3A = arith.constant 0 : i32
      %dma_start3A_33 = tpu.memref_slice %arg6[%add3A_11, %dma_start3A] : memref<10240x128xf32, #tpu.memory_space<vmem_shared>> -> memref<128x128xf32, #tpu.memory_space<vmem_shared>>
      %dma_start3A_34 = arith.constant 0 : i32
      %dma_start3A_35 = tpu.memref_slice %arg6[%add3A_11, %dma_start3A_34] : memref<10240x128xf32, #tpu.memory_space<vmem_shared>> -> memref<128x128xf32, #tpu.memory_space<vmem_shared>>
      tpu.enqueue_dma source(%arg11 : memref<128x128xf32, #tpu.memory_space<vmem>>) target(%dma_start3A_35 : memref<128x128xf32, #tpu.memory_space<vmem_shared>>) target_semaphore(%run_scoped3A : memref<!tpu.dma_semaphore, #tpu.memory_space<semaphore_mem>>)
      %dma_wait3A = arith.constant 0 : i32
      %dma_wait3A_36 = tpu.memref_slice %arg6[%add3A_11, %dma_wait3A] : memref<10240x128xf32, #tpu.memory_space<vmem_shared>> -> memref<128x128xf32, #tpu.memory_space<vmem_shared>>
      %dma_wait3A_37 = arith.constant 0 : i32
      %dma_wait3A_38 = tpu.memref_slice %arg6[%add3A_11, %dma_wait3A_37] : memref<10240x128xf32, #tpu.memory_space<vmem_shared>> -> memref<128x128xf32, #tpu.memory_space<vmem_shared>>
      tpu.wait_dma2 semaphore(%run_scoped3A : memref<!tpu.dma_semaphore, #tpu.memory_space<semaphore_mem>>) src(%arg11 : memref<128x128xf32, #tpu.memory_space<vmem>>) dst(%dma_wait3A_38 : memref<128x128xf32, #tpu.memory_space<vmem_shared>>)
      tpu.yield
    }) : () -> ()
    %add3A_12 = arith.constant 512 : i32
    %add3A_13 = arith.addi %mul3A_4, %add3A_12 : i32
    "tpu.region"() ({
      %run_scoped3A = tpu.sem_alloc : memref<!tpu.dma_semaphore, #tpu.memory_space<semaphore_mem>>
      %dma_start3A = arith.constant 0 : i32
      %dma_start3A_33 = tpu.memref_slice %arg6[%add3A_13, %dma_start3A] : memref<10240x128xf32, #tpu.memory_space<vmem_shared>> -> memref<128x128xf32, #tpu.memory_space<vmem_shared>>
      %dma_start3A_34 = arith.constant 0 : i32
      %dma_start3A_35 = tpu.memref_slice %arg6[%add3A_13, %dma_start3A_34] : memref<10240x128xf32, #tpu.memory_space<vmem_shared>> -> memref<128x128xf32, #tpu.memory_space<vmem_shared>>
      tpu.enqueue_dma source(%arg11 : memref<128x128xf32, #tpu.memory_space<vmem>>) target(%dma_start3A_35 : memref<128x128xf32, #tpu.memory_space<vmem_shared>>) target_semaphore(%run_scoped3A : memref<!tpu.dma_semaphore, #tpu.memory_space<semaphore_mem>>)
      %dma_wait3A = arith.constant 0 : i32
      %dma_wait3A_36 = tpu.memref_slice %arg6[%add3A_13, %dma_wait3A] : memref<10240x128xf32, #tpu.memory_space<vmem_shared>> -> memref<128x128xf32, #tpu.memory_space<vmem_shared>>
      %dma_wait3A_37 = arith.constant 0 : i32
      %dma_wait3A_38 = tpu.memref_slice %arg6[%add3A_13, %dma_wait3A_37] : memref<10240x128xf32, #tpu.memory_space<vmem_shared>> -> memref<128x128xf32, #tpu.memory_space<vmem_shared>>
      tpu.wait_dma2 semaphore(%run_scoped3A : memref<!tpu.dma_semaphore, #tpu.memory_space<semaphore_mem>>) src(%arg11 : memref<128x128xf32, #tpu.memory_space<vmem>>) dst(%dma_wait3A_38 : memref<128x128xf32, #tpu.memory_space<vmem_shared>>)
      tpu.yield
    }) : () -> ()
    %barrier3A = arith.constant 0 : index
    tpu.barrier barrier_id(%barrier3A)
    %eq3A = arith.constant 0 : i32
    %eq3A_14 = arith.cmpi eq, %arg0, %eq3A : i32
    %convert_element_type3A = arith.extui %eq3A_14 : i1 to i32
    %cond3A = arith.constant 0 : i32
    %cond3A_15 = arith.cmpi ne, %convert_element_type3A, %cond3A : i32
    scf.if %cond3A_15 {
      %mul3A_33 = arith.constant 138 : i32
      %mul3A_34 = arith.muli %arg1, %mul3A_33 : i32
      "tpu.region"() ({
        %run_scoped3A = tpu.sem_alloc : memref<!tpu.dma_semaphore, #tpu.memory_space<semaphore_mem>>
        %dma_start3A_82 = arith.constant 0 : i32
        %dma_start3A_83 = tpu.memref_slice %arg3[%mul3A_34, %dma_start3A_82] : memref<2528x128xi32, #tpu.memory_space<hbm>> -> memref<1x128xi32, #tpu.memory_space<hbm>>
        %dma_start3A_84 = tpu.memref_squeeze %dma_start3A_83 : memref<1x128xi32, #tpu.memory_space<hbm>> -> memref<128xi32, #tpu.memory_space<hbm>>
        %dma_start3A_85 = arith.constant 0 : i32
        %dma_start3A_86 = tpu.memref_slice %arg3[%mul3A_34, %dma_start3A_85] : memref<2528x128xi32, #tpu.memory_space<hbm>> -> memref<1x128xi32, #tpu.memory_space<hbm>>
        %dma_start3A_87 = tpu.memref_squeeze %dma_start3A_86 : memref<1x128xi32, #tpu.memory_space<hbm>> -> memref<128xi32, #tpu.memory_space<hbm>>
        tpu.enqueue_dma source(%dma_start3A_87 : memref<128xi32, #tpu.memory_space<hbm>>) target(%arg7 : memref<128xi32, #tpu.memory_space<vmem>>) target_semaphore(%run_scoped3A : memref<!tpu.dma_semaphore, #tpu.memory_space<semaphore_mem>>)
        %dma_wait3A_88 = arith.constant 0 : i32
        %dma_wait3A_89 = tpu.memref_slice %arg3[%mul3A_34, %dma_wait3A_88] : memref<2528x128xi32, #tpu.memory_space<hbm>> -> memref<1x128xi32, #tpu.memory_space<hbm>>
        %dma_wait3A_90 = tpu.memref_squeeze %dma_wait3A_89 : memref<1x128xi32, #tpu.memory_space<hbm>> -> memref<128xi32, #tpu.memory_space<hbm>>
        %dma_wait3A_91 = arith.constant 0 : i32
        %dma_wait3A_92 = tpu.memref_slice %arg3[%mul3A_34, %dma_wait3A_91] : memref<2528x128xi32, #tpu.memory_space<hbm>> -> memref<1x128xi32, #tpu.memory_space<hbm>>
        %dma_wait3A_93 = tpu.memref_squeeze %dma_wait3A_92 : memref<1x128xi32, #tpu.memory_space<hbm>> -> memref<128xi32, #tpu.memory_space<hbm>>
        tpu.wait_dma2 semaphore(%run_scoped3A : memref<!tpu.dma_semaphore, #tpu.memory_space<semaphore_mem>>) src(%dma_wait3A_93 : memref<128xi32, #tpu.memory_space<hbm>>) dst(%arg7 : memref<128xi32, #tpu.memory_space<vmem>>)
        tpu.yield
      }) : () -> ()
      "tpu.region"() ({
        %run_scoped3A = tpu.sem_alloc : memref<!tpu.dma_semaphore, #tpu.memory_space<semaphore_mem>>
        %dma_start3A_82 = arith.constant 0 : i32
        %dma_start3A_83 = tpu.memref_slice %arg4[%mul3A_34, %dma_start3A_82] : memref<2528x128xi32, #tpu.memory_space<hbm>> -> memref<1x128xi32, #tpu.memory_space<hbm>>
        %dma_start3A_84 = tpu.memref_squeeze %dma_start3A_83 : memref<1x128xi32, #tpu.memory_space<hbm>> -> memref<128xi32, #tpu.memory_space<hbm>>
        %dma_start3A_85 = arith.constant 0 : i32
        %dma_start3A_86 = tpu.memref_slice %arg4[%mul3A_34, %dma_start3A_85] : memref<2528x128xi32, #tpu.memory_space<hbm>> -> memref<1x128xi32, #tpu.memory_space<hbm>>
        %dma_start3A_87 = tpu.memref_squeeze %dma_start3A_86 : memref<1x128xi32, #tpu.memory_space<hbm>> -> memref<128xi32, #tpu.memory_space<hbm>>
        tpu.enqueue_dma source(%dma_start3A_87 : memref<128xi32, #tpu.memory_space<hbm>>) target(%arg9 : memref<128xi32, #tpu.memory_space<vmem>>) target_semaphore(%run_scoped3A : memref<!tpu.dma_semaphore, #tpu.memory_space<semaphore_mem>>)
        %dma_wait3A_88 = arith.constant 0 : i32
        %dma_wait3A_89 = tpu.memref_slice %arg4[%mul3A_34, %dma_wait3A_88] : memref<2528x128xi32, #tpu.memory_space<hbm>> -> memref<1x128xi32, #tpu.memory_space<hbm>>
        %dma_wait3A_90 = tpu.memref_squeeze %dma_wait3A_89 : memref<1x128xi32, #tpu.memory_space<hbm>> -> memref<128xi32, #tpu.memory_space<hbm>>
        %dma_wait3A_91 = arith.constant 0 : i32
        %dma_wait3A_92 = tpu.memref_slice %arg4[%mul3A_34, %dma_wait3A_91] : memref<2528x128xi32, #tpu.memory_space<hbm>> -> memref<1x128xi32, #tpu.memory_space<hbm>>
        %dma_wait3A_93 = tpu.memref_squeeze %dma_wait3A_92 : memref<1x128xi32, #tpu.memory_space<hbm>> -> memref<128xi32, #tpu.memory_space<hbm>>
        tpu.wait_dma2 semaphore(%run_scoped3A : memref<!tpu.dma_semaphore, #tpu.memory_space<semaphore_mem>>) src(%dma_wait3A_93 : memref<128xi32, #tpu.memory_space<hbm>>) dst(%arg9 : memref<128xi32, #tpu.memory_space<vmem>>)
        tpu.yield
      }) : () -> ()
      %dma_start3A = arith.constant 0 : i32
      %dma_start3A_35 = arith.constant 0 : i32
      %dma_start3A_36 = tpu.memref_slice %arg2[%dma_start3A, %dma_start3A_35] : memref<10000x128xf32, #tpu.memory_space<hbm>> -> memref<10000x128xf32, #tpu.memory_space<hbm>>
      tpu.enqueue_indirect_dma source(%dma_start3A_36 : memref<10000x128xf32, #tpu.memory_space<hbm>>) target(%arg11 : memref<128x128xf32, #tpu.memory_space<vmem>>) offsets(%arg7 : memref<128xi32, #tpu.memory_space<vmem>>) semaphore(%arg13 : memref<!tpu.dma_semaphore, #tpu.memory_space<semaphore_mem>>)
      %add3A_37 = arith.constant 1 : i32
      %add3A_38 = arith.addi %mul3A_34, %add3A_37 : i32
      %dma_start3A_39 = arith.constant 0 : i32
      %dma_start3A_40 = tpu.memref_slice %arg3[%add3A_38, %dma_start3A_39] : memref<2528x128xi32, #tpu.memory_space<hbm>> -> memref<1x128xi32, #tpu.memory_space<hbm>>
      %dma_start3A_41 = tpu.memref_squeeze %dma_start3A_40 : memref<1x128xi32, #tpu.memory_space<hbm>> -> memref<128xi32, #tpu.memory_space<hbm>>
      %dma_start3A_42 = arith.constant 0 : i32
      %dma_start3A_43 = tpu.memref_slice %arg3[%add3A_38, %dma_start3A_42] : memref<2528x128xi32, #tpu.memory_space<hbm>> -> memref<1x128xi32, #tpu.memory_space<hbm>>
      %dma_start3A_44 = tpu.memref_squeeze %dma_start3A_43 : memref<1x128xi32, #tpu.memory_space<hbm>> -> memref<128xi32, #tpu.memory_space<hbm>>
      tpu.enqueue_dma source(%dma_start3A_44 : memref<128xi32, #tpu.memory_space<hbm>>) target(%arg8 : memref<128xi32, #tpu.memory_space<vmem>>) target_semaphore(%arg16 : memref<!tpu.dma_semaphore, #tpu.memory_space<semaphore_mem>>)
      %add3A_45 = arith.constant 1 : i32
      %add3A_46 = arith.addi %mul3A_34, %add3A_45 : i32
      %dma_start3A_47 = arith.constant 0 : i32
      %dma_start3A_48 = tpu.memref_slice %arg4[%add3A_46, %dma_start3A_47] : memref<2528x128xi32, #tpu.memory_space<hbm>> -> memref<1x128xi32, #tpu.memory_space<hbm>>
      %dma_start3A_49 = tpu.memref_squeeze %dma_start3A_48 : memref<1x128xi32, #tpu.memory_space<hbm>> -> memref<128xi32, #tpu.memory_space<hbm>>
      %dma_start3A_50 = arith.constant 0 : i32
      %dma_start3A_51 = tpu.memref_slice %arg4[%add3A_46, %dma_start3A_50] : memref<2528x128xi32, #tpu.memory_space<hbm>> -> memref<1x128xi32, #tpu.memory_space<hbm>>
      %dma_start3A_52 = tpu.memref_squeeze %dma_start3A_51 : memref<1x128xi32, #tpu.memory_space<hbm>> -> memref<128xi32, #tpu.memory_space<hbm>>
      tpu.enqueue_dma source(%dma_start3A_52 : memref<128xi32, #tpu.memory_space<hbm>>) target(%arg10 : memref<128xi32, #tpu.memory_space<vmem>>) target_semaphore(%arg16 : memref<!tpu.dma_semaphore, #tpu.memory_space<semaphore_mem>>)
      %scan3A_53 = arith.constant 0 : i32
      %scan3A_54 = arith.constant 68 : i32
      %scan3A_55 = arith.addi %scan3A_53, %scan3A_54 : i32
      %scan3A_56 = arith.constant 1 : i32
      scf.for %scan3A_82 = %scan3A_53 to %scan3A_55 step %scan3A_56  : i32 {
        %mul3A_83 = arith.constant 1 : i32
        %mul3A_84 = arith.muli %scan3A_82, %mul3A_83 : i32
        %add3A_85 = arith.constant 0 : i32
        %add3A_86 = arith.addi %add3A_85, %mul3A_84 : i32
        %mul3A_87 = arith.constant 2 : i32
        %mul3A_88 = arith.muli %mul3A_87, %add3A_86 : i32
        %add3A_89 = arith.constant 1 : i32
        %add3A_90 = arith.addi %mul3A_88, %add3A_89 : i32
        %add3A_91 = arith.addi %mul3A_34, %add3A_90 : i32
        %dma_wait3A_92 = arith.constant 0 : i32
        %dma_wait3A_93 = tpu.memref_slice %arg3[%add3A_91, %dma_wait3A_92] : memref<2528x128xi32, #tpu.memory_space<hbm>> -> memref<1x128xi32, #tpu.memory_space<hbm>>
        %dma_wait3A_94 = tpu.memref_squeeze %dma_wait3A_93 : memref<1x128xi32, #tpu.memory_space<hbm>> -> memref<128xi32, #tpu.memory_space<hbm>>
        %dma_wait3A_95 = arith.constant 0 : i32
        %dma_wait3A_96 = tpu.memref_slice %arg3[%add3A_91, %dma_wait3A_95] : memref<2528x128xi32, #tpu.memory_space<hbm>> -> memref<1x128xi32, #tpu.memory_space<hbm>>
        %dma_wait3A_97 = tpu.memref_squeeze %dma_wait3A_96 : memref<1x128xi32, #tpu.memory_space<hbm>> -> memref<128xi32, #tpu.memory_space<hbm>>
        tpu.wait_dma2 semaphore(%arg16 : memref<!tpu.dma_semaphore, #tpu.memory_space<semaphore_mem>>) src(%dma_wait3A_97 : memref<128xi32, #tpu.memory_space<hbm>>) dst(%arg8 : memref<128xi32, #tpu.memory_space<vmem>>)
        %add3A_98 = arith.addi %mul3A_34, %add3A_90 : i32
        %dma_wait3A_99 = arith.constant 0 : i32
        %dma_wait3A_100 = tpu.memref_slice %arg4[%add3A_98, %dma_wait3A_99] : memref<2528x128xi32, #tpu.memory_space<hbm>> -> memref<1x128xi32, #tpu.memory_space<hbm>>
        %dma_wait3A_101 = tpu.memref_squeeze %dma_wait3A_100 : memref<1x128xi32, #tpu.memory_space<hbm>> -> memref<128xi32, #tpu.memory_space<hbm>>
        %dma_wait3A_102 = arith.constant 0 : i32
        %dma_wait3A_103 = tpu.memref_slice %arg4[%add3A_98, %dma_wait3A_102] : memref<2528x128xi32, #tpu.memory_space<hbm>> -> memref<1x128xi32, #tpu.memory_space<hbm>>
        %dma_wait3A_104 = tpu.memref_squeeze %dma_wait3A_103 : memref<1x128xi32, #tpu.memory_space<hbm>> -> memref<128xi32, #tpu.memory_space<hbm>>
        tpu.wait_dma2 semaphore(%arg16 : memref<!tpu.dma_semaphore, #tpu.memory_space<semaphore_mem>>) src(%dma_wait3A_104 : memref<128xi32, #tpu.memory_space<hbm>>) dst(%arg10 : memref<128xi32, #tpu.memory_space<vmem>>)
        %dma_start3A_105 = arith.constant 0 : i32
        %dma_start3A_106 = arith.constant 0 : i32
        %dma_start3A_107 = tpu.memref_slice %arg2[%dma_start3A_105, %dma_start3A_106] : memref<10000x128xf32, #tpu.memory_space<hbm>> -> memref<10000x128xf32, #tpu.memory_space<hbm>>
        tpu.enqueue_indirect_dma source(%dma_start3A_107 : memref<10000x128xf32, #tpu.memory_space<hbm>>) target(%arg12 : memref<128x128xf32, #tpu.memory_space<vmem>>) offsets(%arg8 : memref<128xi32, #tpu.memory_space<vmem>>) semaphore(%arg14 : memref<!tpu.dma_semaphore, #tpu.memory_space<semaphore_mem>>)
        %dma_wait3A_108 = arith.constant 0 : i32
        %dma_wait3A_109 = arith.constant 0 : i32
        %dma_wait3A_110 = tpu.memref_slice %arg2[%dma_wait3A_108, %dma_wait3A_109] : memref<10000x128xf32, #tpu.memory_space<hbm>> -> memref<10000x128xf32, #tpu.memory_space<hbm>>
        tpu.wait_indirect_dma semaphore(%arg13 : memref<!tpu.dma_semaphore, #tpu.memory_space<semaphore_mem>>) src(%dma_wait3A_110 : memref<10000x128xf32, #tpu.memory_space<hbm>>) dst(%arg11 : memref<128x128xf32, #tpu.memory_space<vmem>>)
        %add3A_111 = arith.addi %mul3A_34, %mul3A_88 : i32
        %add3A_112 = arith.constant 2 : i32
        %add3A_113 = arith.addi %add3A_111, %add3A_112 : i32
        %dma_start3A_114 = arith.constant 0 : i32
        %dma_start3A_115 = tpu.memref_slice %arg3[%add3A_113, %dma_start3A_114] : memref<2528x128xi32, #tpu.memory_space<hbm>> -> memref<1x128xi32, #tpu.memory_space<hbm>>
        %dma_start3A_116 = tpu.memref_squeeze %dma_start3A_115 : memref<1x128xi32, #tpu.memory_space<hbm>> -> memref<128xi32, #tpu.memory_space<hbm>>
        %dma_start3A_117 = arith.constant 0 : i32
        %dma_start3A_118 = tpu.memref_slice %arg3[%add3A_113, %dma_start3A_117] : memref<2528x128xi32, #tpu.memory_space<hbm>> -> memref<1x128xi32, #tpu.memory_space<hbm>>
        %dma_start3A_119 = tpu.memref_squeeze %dma_start3A_118 : memref<1x128xi32, #tpu.memory_space<hbm>> -> memref<128xi32, #tpu.memory_space<hbm>>
        tpu.enqueue_dma source(%dma_start3A_119 : memref<128xi32, #tpu.memory_space<hbm>>) target(%arg7 : memref<128xi32, #tpu.memory_space<vmem>>) target_semaphore(%arg15 : memref<!tpu.dma_semaphore, #tpu.memory_space<semaphore_mem>>)
        "tpu.region"() ({
          %run_scoped3A = tpu.sem_alloc : memref<!tpu.dma_semaphore, #tpu.memory_space<semaphore_mem>>
          %dma_start3A_169 = arith.constant 0 : i32
          %dma_start3A_170 = arith.constant 0 : i32
          %dma_start3A_171 = tpu.memref_slice %arg6[%dma_start3A_169, %dma_start3A_170] : memref<10240x128xf32, #tpu.memory_space<vmem_shared>> -> memref<10240x128xf32, #tpu.memory_space<vmem_shared>>
          tpu.enqueue_indirect_dma source(%arg11 : memref<128x128xf32, #tpu.memory_space<vmem>>) target(%dma_start3A_171 : memref<10240x128xf32, #tpu.memory_space<vmem_shared>>) offsets(%arg9 : memref<128xi32, #tpu.memory_space<vmem>>) semaphore(%run_scoped3A : memref<!tpu.dma_semaphore, #tpu.memory_space<semaphore_mem>>) {add = true}
          %dma_wait3A_172 = arith.constant 0 : i32
          %dma_wait3A_173 = arith.constant 0 : i32
          %dma_wait3A_174 = tpu.memref_slice %arg6[%dma_wait3A_172, %dma_wait3A_173] : memref<10240x128xf32, #tpu.memory_space<vmem_shared>> -> memref<10240x128xf32, #tpu.memory_space<vmem_shared>>
          tpu.wait_indirect_dma semaphore(%run_scoped3A : memref<!tpu.dma_semaphore, #tpu.memory_space<semaphore_mem>>) src(%arg11 : memref<128x128xf32, #tpu.memory_space<vmem>>) dst(%dma_wait3A_174 : memref<10240x128xf32, #tpu.memory_space<vmem_shared>>)
          tpu.yield
        }) : () -> ()
        %add3A_120 = arith.addi %mul3A_34, %mul3A_88 : i32
        %add3A_121 = arith.constant 2 : i32
        %add3A_122 = arith.addi %add3A_120, %add3A_121 : i32
        %dma_start3A_123 = arith.constant 0 : i32
        %dma_start3A_124 = tpu.memref_slice %arg4[%add3A_122, %dma_start3A_123] : memref<2528x128xi32, #tpu.memory_space<hbm>> -> memref<1x128xi32, #tpu.memory_space<hbm>>
        %dma_start3A_125 = tpu.memref_squeeze %dma_start3A_124 : memref<1x128xi32, #tpu.memory_space<hbm>> -> memref<128xi32, #tpu.memory_space<hbm>>
        %dma_start3A_126 = arith.constant 0 : i32
        %dma_start3A_127 = tpu.memref_slice %arg4[%add3A_122, %dma_start3A_126] : memref<2528x128xi32, #tpu.memory_space<hbm>> -> memref<1x128xi32, #tpu.memory_space<hbm>>
        %dma_start3A_128 = tpu.memref_squeeze %dma_start3A_127 : memref<1x128xi32, #tpu.memory_space<hbm>> -> memref<128xi32, #tpu.memory_space<hbm>>
        tpu.enqueue_dma source(%dma_start3A_128 : memref<128xi32, #tpu.memory_space<hbm>>) target(%arg9 : memref<128xi32, #tpu.memory_space<vmem>>) target_semaphore(%arg15 : memref<!tpu.dma_semaphore, #tpu.memory_space<semaphore_mem>>)
        %add3A_129 = arith.constant 2 : i32
        %add3A_130 = arith.addi %mul3A_88, %add3A_129 : i32
        %add3A_131 = arith.addi %mul3A_34, %add3A_130 : i32
        %dma_wait3A_132 = arith.constant 0 : i32
        %dma_wait3A_133 = tpu.memref_slice %arg3[%add3A_131, %dma_wait3A_132] : memref<2528x128xi32, #tpu.memory_space<hbm>> -> memref<1x128xi32, #tpu.memory_space<hbm>>
        %dma_wait3A_134 = tpu.memref_squeeze %dma_wait3A_133 : memref<1x128xi32, #tpu.memory_space<hbm>> -> memref<128xi32, #tpu.memory_space<hbm>>
        %dma_wait3A_135 = arith.constant 0 : i32
        %dma_wait3A_136 = tpu.memref_slice %arg3[%add3A_131, %dma_wait3A_135] : memref<2528x128xi32, #tpu.memory_space<hbm>> -> memref<1x128xi32, #tpu.memory_space<hbm>>
        %dma_wait3A_137 = tpu.memref_squeeze %dma_wait3A_136 : memref<1x128xi32, #tpu.memory_space<hbm>> -> memref<128xi32, #tpu.memory_space<hbm>>
        tpu.wait_dma2 semaphore(%arg15 : memref<!tpu.dma_semaphore, #tpu.memory_space<semaphore_mem>>) src(%dma_wait3A_137 : memref<128xi32, #tpu.memory_space<hbm>>) dst(%arg7 : memref<128xi32, #tpu.memory_space<vmem>>)
        %add3A_138 = arith.addi %mul3A_34, %add3A_130 : i32
        %dma_wait3A_139 = arith.constant 0 : i32
        %dma_wait3A_140 = tpu.memref_slice %arg4[%add3A_138, %dma_wait3A_139] : memref<2528x128xi32, #tpu.memory_space<hbm>> -> memref<1x128xi32, #tpu.memory_space<hbm>>
        %dma_wait3A_141 = tpu.memref_squeeze %dma_wait3A_140 : memref<1x128xi32, #tpu.memory_space<hbm>> -> memref<128xi32, #tpu.memory_space<hbm>>
        %dma_wait3A_142 = arith.constant 0 : i32
        %dma_wait3A_143 = tpu.memref_slice %arg4[%add3A_138, %dma_wait3A_142] : memref<2528x128xi32, #tpu.memory_space<hbm>> -> memref<1x128xi32, #tpu.memory_space<hbm>>
        %dma_wait3A_144 = tpu.memref_squeeze %dma_wait3A_143 : memref<1x128xi32, #tpu.memory_space<hbm>> -> memref<128xi32, #tpu.memory_space<hbm>>
        tpu.wait_dma2 semaphore(%arg15 : memref<!tpu.dma_semaphore, #tpu.memory_space<semaphore_mem>>) src(%dma_wait3A_144 : memref<128xi32, #tpu.memory_space<hbm>>) dst(%arg9 : memref<128xi32, #tpu.memory_space<vmem>>)
        %dma_start3A_145 = arith.constant 0 : i32
        %dma_start3A_146 = arith.constant 0 : i32
        %dma_start3A_147 = tpu.memref_slice %arg2[%dma_start3A_145, %dma_start3A_146] : memref<10000x128xf32, #tpu.memory_space<hbm>> -> memref<10000x128xf32, #tpu.memory_space<hbm>>
        tpu.enqueue_indirect_dma source(%dma_start3A_147 : memref<10000x128xf32, #tpu.memory_space<hbm>>) target(%arg11 : memref<128x128xf32, #tpu.memory_space<vmem>>) offsets(%arg7 : memref<128xi32, #tpu.memory_space<vmem>>) semaphore(%arg13 : memref<!tpu.dma_semaphore, #tpu.memory_space<semaphore_mem>>)
        %dma_wait3A_148 = arith.constant 0 : i32
        %dma_wait3A_149 = arith.constant 0 : i32
        %dma_wait3A_150 = tpu.memref_slice %arg2[%dma_wait3A_148, %dma_wait3A_149] : memref<10000x128xf32, #tpu.memory_space<hbm>> -> memref<10000x128xf32, #tpu.memory_space<hbm>>
        tpu.wait_indirect_dma semaphore(%arg14 : memref<!tpu.dma_semaphore, #tpu.memory_space<semaphore_mem>>) src(%dma_wait3A_150 : memref<10000x128xf32, #tpu.memory_space<hbm>>) dst(%arg12 : memref<128x128xf32, #tpu.memory_space<vmem>>)
        %add3A_151 = arith.addi %mul3A_34, %mul3A_88 : i32
        %add3A_152 = arith.constant 3 : i32
        %add3A_153 = arith.addi %add3A_151, %add3A_152 : i32
        %dma_start3A_154 = arith.constant 0 : i32
        %dma_start3A_155 = tpu.memref_slice %arg3[%add3A_153, %dma_start3A_154] : memref<2528x128xi32, #tpu.memory_space<hbm>> -> memref<1x128xi32, #tpu.memory_space<hbm>>
        %dma_start3A_156 = tpu.memref_squeeze %dma_start3A_155 : memref<1x128xi32, #tpu.memory_space<hbm>> -> memref<128xi32, #tpu.memory_space<hbm>>
        %dma_start3A_157 = arith.constant 0 : i32
        %dma_start3A_158 = tpu.memref_slice %arg3[%add3A_153, %dma_start3A_157] : memref<2528x128xi32, #tpu.memory_space<hbm>> -> memref<1x128xi32, #tpu.memory_space<hbm>>
        %dma_start3A_159 = tpu.memref_squeeze %dma_start3A_158 : memref<1x128xi32, #tpu.memory_space<hbm>> -> memref<128xi32, #tpu.memory_space<hbm>>
        tpu.enqueue_dma source(%dma_start3A_159 : memref<128xi32, #tpu.memory_space<hbm>>) target(%arg8 : memref<128xi32, #tpu.memory_space<vmem>>) target_semaphore(%arg16 : memref<!tpu.dma_semaphore, #tpu.memory_space<semaphore_mem>>)
        "tpu.region"() ({
          %run_scoped3A = tpu.sem_alloc : memref<!tpu.dma_semaphore, #tpu.memory_space<semaphore_mem>>
          %dma_start3A_169 = arith.constant 0 : i32
          %dma_start3A_170 = arith.constant 0 : i32
          %dma_start3A_171 = tpu.memref_slice %arg6[%dma_start3A_169, %dma_start3A_170] : memref<10240x128xf32, #tpu.memory_space<vmem_shared>> -> memref<10240x128xf32, #tpu.memory_space<vmem_shared>>
          tpu.enqueue_indirect_dma source(%arg12 : memref<128x128xf32, #tpu.memory_space<vmem>>) target(%dma_start3A_171 : memref<10240x128xf32, #tpu.memory_space<vmem_shared>>) offsets(%arg10 : memref<128xi32, #tpu.memory_space<vmem>>) semaphore(%run_scoped3A : memref<!tpu.dma_semaphore, #tpu.memory_space<semaphore_mem>>) {add = true}
          %dma_wait3A_172 = arith.constant 0 : i32
          %dma_wait3A_173 = arith.constant 0 : i32
          %dma_wait3A_174 = tpu.memref_slice %arg6[%dma_wait3A_172, %dma_wait3A_173] : memref<10240x128xf32, #tpu.memory_space<vmem_shared>> -> memref<10240x128xf32, #tpu.memory_space<vmem_shared>>
          tpu.wait_indirect_dma semaphore(%run_scoped3A : memref<!tpu.dma_semaphore, #tpu.memory_space<semaphore_mem>>) src(%arg12 : memref<128x128xf32, #tpu.memory_space<vmem>>) dst(%dma_wait3A_174 : memref<10240x128xf32, #tpu.memory_space<vmem_shared>>)
          tpu.yield
        }) : () -> ()
        %add3A_160 = arith.addi %mul3A_34, %mul3A_88 : i32
        %add3A_161 = arith.constant 3 : i32
        %add3A_162 = arith.addi %add3A_160, %add3A_161 : i32
        %dma_start3A_163 = arith.constant 0 : i32
        %dma_start3A_164 = tpu.memref_slice %arg4[%add3A_162, %dma_start3A_163] : memref<2528x128xi32, #tpu.memory_space<hbm>> -> memref<1x128xi32, #tpu.memory_space<hbm>>
        %dma_start3A_165 = tpu.memref_squeeze %dma_start3A_164 : memref<1x128xi32, #tpu.memory_space<hbm>> -> memref<128xi32, #tpu.memory_space<hbm>>
        %dma_start3A_166 = arith.constant 0 : i32
        %dma_start3A_167 = tpu.memref_slice %arg4[%add3A_162, %dma_start3A_166] : memref<2528x128xi32, #tpu.memory_space<hbm>> -> memref<1x128xi32, #tpu.memory_space<hbm>>
        %dma_start3A_168 = tpu.memref_squeeze %dma_start3A_167 : memref<1x128xi32, #tpu.memory_space<hbm>> -> memref<128xi32, #tpu.memory_space<hbm>>
        tpu.enqueue_dma source(%dma_start3A_168 : memref<128xi32, #tpu.memory_space<hbm>>) target(%arg10 : memref<128xi32, #tpu.memory_space<vmem>>) target_semaphore(%arg16 : memref<!tpu.dma_semaphore, #tpu.memory_space<semaphore_mem>>)
      }
      %scan3A_57 = arith.constant 68 : i32
      %add3A_58 = arith.constant 137 : i32
      %add3A_59 = arith.addi %mul3A_34, %add3A_58 : i32
      %dma_wait3A = arith.constant 0 : i32
      %dma_wait3A_60 = tpu.memref_slice %arg3[%add3A_59, %dma_wait3A] : memref<2528x128xi32, #tpu.memory_space<hbm>> -> memref<1x128xi32, #tpu.memory_space<hbm>>
      %dma_wait3A_61 = tpu.memref_squeeze %dma_wait3A_60 : memref<1x128xi32, #tpu.memory_space<hbm>> -> memref<128xi32, #tpu.memory_space<hbm>>
      %dma_wait3A_62 = arith.constant 0 : i32
      %dma_wait3A_63 = tpu.memref_slice %arg3[%add3A_59, %dma_wait3A_62] : memref<2528x128xi32, #tpu.memory_space<hbm>> -> memref<1x128xi32, #tpu.memory_space<hbm>>
      %dma_wait3A_64 = tpu.memref_squeeze %dma_wait3A_63 : memref<1x128xi32, #tpu.memory_space<hbm>> -> memref<128xi32, #tpu.memory_space<hbm>>
      tpu.wait_dma2 semaphore(%arg16 : memref<!tpu.dma_semaphore, #tpu.memory_space<semaphore_mem>>) src(%dma_wait3A_64 : memref<128xi32, #tpu.memory_space<hbm>>) dst(%arg8 : memref<128xi32, #tpu.memory_space<vmem>>)
      %add3A_65 = arith.constant 137 : i32
      %add3A_66 = arith.addi %mul3A_34, %add3A_65 : i32
      %dma_wait3A_67 = arith.constant 0 : i32
      %dma_wait3A_68 = tpu.memref_slice %arg4[%add3A_66, %dma_wait3A_67] : memref<2528x128xi32, #tpu.memory_space<hbm>> -> memref<1x128xi32, #tpu.memory_space<hbm>>
      %dma_wait3A_69 = tpu.memref_squeeze %dma_wait3A_68 : memref<1x128xi32, #tpu.memory_space<hbm>> -> memref<128xi32, #tpu.memory_space<hbm>>
      %dma_wait3A_70 = arith.constant 0 : i32
      %dma_wait3A_71 = tpu.memref_slice %arg4[%add3A_66, %dma_wait3A_70] : memref<2528x128xi32, #tpu.memory_space<hbm>> -> memref<1x128xi32, #tpu.memory_space<hbm>>
      %dma_wait3A_72 = tpu.memref_squeeze %dma_wait3A_71 : memref<1x128xi32, #tpu.memory_space<hbm>> -> memref<128xi32, #tpu.memory_space<hbm>>
      tpu.wait_dma2 semaphore(%arg16 : memref<!tpu.dma_semaphore, #tpu.memory_space<semaphore_mem>>) src(%dma_wait3A_72 : memref<128xi32, #tpu.memory_space<hbm>>) dst(%arg10 : memref<128xi32, #tpu.memory_space<vmem>>)
      %dma_start3A_73 = arith.constant 0 : i32
      %dma_start3A_74 = arith.constant 0 : i32
      %dma_start3A_75 = tpu.memref_slice %arg2[%dma_start3A_73, %dma_start3A_74] : memref<10000x128xf32, #tpu.memory_space<hbm>> -> memref<10000x128xf32, #tpu.memory_space<hbm>>
      tpu.enqueue_indirect_dma source(%dma_start3A_75 : memref<10000x128xf32, #tpu.memory_space<hbm>>) target(%arg12 : memref<128x128xf32, #tpu.memory_space<vmem>>) offsets(%arg8 : memref<128xi32, #tpu.memory_space<vmem>>) semaphore(%arg14 : memref<!tpu.dma_semaphore, #tpu.memory_space<semaphore_mem>>)
      %dma_wait3A_76 = arith.constant 0 : i32
      %dma_wait3A_77 = arith.constant 0 : i32
      %dma_wait3A_78 = tpu.memref_slice %arg2[%dma_wait3A_76, %dma_wait3A_77] : memref<10000x128xf32, #tpu.memory_space<hbm>> -> memref<10000x128xf32, #tpu.memory_space<hbm>>
      tpu.wait_indirect_dma semaphore(%arg13 : memref<!tpu.dma_semaphore, #tpu.memory_space<semaphore_mem>>) src(%dma_wait3A_78 : memref<10000x128xf32, #tpu.memory_space<hbm>>) dst(%arg11 : memref<128x128xf32, #tpu.memory_space<vmem>>)
      "tpu.region"() ({
        %run_scoped3A = tpu.sem_alloc : memref<!tpu.dma_semaphore, #tpu.memory_space<semaphore_mem>>
        %dma_start3A_82 = arith.constant 0 : i32
        %dma_start3A_83 = arith.constant 0 : i32
        %dma_start3A_84 = tpu.memref_slice %arg6[%dma_start3A_82, %dma_start3A_83] : memref<10240x128xf32, #tpu.memory_space<vmem_shared>> -> memref<10240x128xf32, #tpu.memory_space<vmem_shared>>
        tpu.enqueue_indirect_dma source(%arg11 : memref<128x128xf32, #tpu.memory_space<vmem>>) target(%dma_start3A_84 : memref<10240x128xf32, #tpu.memory_space<vmem_shared>>) offsets(%arg9 : memref<128xi32, #tpu.memory_space<vmem>>) semaphore(%run_scoped3A : memref<!tpu.dma_semaphore, #tpu.memory_space<semaphore_mem>>) {add = true}
        %dma_wait3A_85 = arith.constant 0 : i32
        %dma_wait3A_86 = arith.constant 0 : i32
        %dma_wait3A_87 = tpu.memref_slice %arg6[%dma_wait3A_85, %dma_wait3A_86] : memref<10240x128xf32, #tpu.memory_space<vmem_shared>> -> memref<10240x128xf32, #tpu.memory_space<vmem_shared>>
        tpu.wait_indirect_dma semaphore(%run_scoped3A : memref<!tpu.dma_semaphore, #tpu.memory_space<semaphore_mem>>) src(%arg11 : memref<128x128xf32, #tpu.memory_space<vmem>>) dst(%dma_wait3A_87 : memref<10240x128xf32, #tpu.memory_space<vmem_shared>>)
        tpu.yield
      }) : () -> ()
      %dma_wait3A_79 = arith.constant 0 : i32
      %dma_wait3A_80 = arith.constant 0 : i32
      %dma_wait3A_81 = tpu.memref_slice %arg2[%dma_wait3A_79, %dma_wait3A_80] : memref<10000x128xf32, #tpu.memory_space<hbm>> -> memref<10000x128xf32, #tpu.memory_space<hbm>>
      tpu.wait_indirect_dma semaphore(%arg14 : memref<!tpu.dma_semaphore, #tpu.memory_space<semaphore_mem>>) src(%dma_wait3A_81 : memref<10000x128xf32, #tpu.memory_space<hbm>>) dst(%arg12 : memref<128x128xf32, #tpu.memory_space<vmem>>)
      "tpu.region"() ({
        %run_scoped3A = tpu.sem_alloc : memref<!tpu.dma_semaphore, #tpu.memory_space<semaphore_mem>>
        %dma_start3A_82 = arith.constant 0 : i32
        %dma_start3A_83 = arith.constant 0 : i32
        %dma_start3A_84 = tpu.memref_slice %arg6[%dma_start3A_82, %dma_start3A_83] : memref<10240x128xf32, #tpu.memory_space<vmem_shared>> -> memref<10240x128xf32, #tpu.memory_space<vmem_shared>>
        tpu.enqueue_indirect_dma source(%arg12 : memref<128x128xf32, #tpu.memory_space<vmem>>) target(%dma_start3A_84 : memref<10240x128xf32, #tpu.memory_space<vmem_shared>>) offsets(%arg10 : memref<128xi32, #tpu.memory_space<vmem>>) semaphore(%run_scoped3A : memref<!tpu.dma_semaphore, #tpu.memory_space<semaphore_mem>>) {add = true}
        %dma_wait3A_85 = arith.constant 0 : i32
        %dma_wait3A_86 = arith.constant 0 : i32
        %dma_wait3A_87 = tpu.memref_slice %arg6[%dma_wait3A_85, %dma_wait3A_86] : memref<10240x128xf32, #tpu.memory_space<vmem_shared>> -> memref<10240x128xf32, #tpu.memory_space<vmem_shared>>
        tpu.wait_indirect_dma semaphore(%run_scoped3A : memref<!tpu.dma_semaphore, #tpu.memory_space<semaphore_mem>>) src(%arg12 : memref<128x128xf32, #tpu.memory_space<vmem>>) dst(%dma_wait3A_87 : memref<10240x128xf32, #tpu.memory_space<vmem_shared>>)
        tpu.yield
      }) : () -> ()
    } else {
    }
    %eq3A_16 = arith.constant 1 : i32
    %eq3A_17 = arith.cmpi eq, %arg0, %eq3A_16 : i32
    %convert_element_type3A_18 = arith.extui %eq3A_17 : i1 to i32
    %cond3A_19 = arith.constant 0 : i32
    %cond3A_20 = arith.cmpi ne, %convert_element_type3A_18, %cond3A_19 : i32
    scf.if %cond3A_20 {
      %mul3A_33 = arith.constant 20 : i32
      %mul3A_34 = arith.muli %arg1, %mul3A_33 : i32
      %add3A_35 = arith.constant 2208 : i32
      %add3A_36 = arith.addi %add3A_35, %mul3A_34 : i32
      "tpu.region"() ({
        %run_scoped3A = tpu.sem_alloc : memref<!tpu.dma_semaphore, #tpu.memory_space<semaphore_mem>>
        %dma_start3A_84 = arith.constant 0 : i32
        %dma_start3A_85 = tpu.memref_slice %arg3[%add3A_36, %dma_start3A_84] : memref<2528x128xi32, #tpu.memory_space<hbm>> -> memref<1x128xi32, #tpu.memory_space<hbm>>
        %dma_start3A_86 = tpu.memref_squeeze %dma_start3A_85 : memref<1x128xi32, #tpu.memory_space<hbm>> -> memref<128xi32, #tpu.memory_space<hbm>>
        %dma_start3A_87 = arith.constant 0 : i32
        %dma_start3A_88 = tpu.memref_slice %arg3[%add3A_36, %dma_start3A_87] : memref<2528x128xi32, #tpu.memory_space<hbm>> -> memref<1x128xi32, #tpu.memory_space<hbm>>
        %dma_start3A_89 = tpu.memref_squeeze %dma_start3A_88 : memref<1x128xi32, #tpu.memory_space<hbm>> -> memref<128xi32, #tpu.memory_space<hbm>>
        tpu.enqueue_dma source(%dma_start3A_89 : memref<128xi32, #tpu.memory_space<hbm>>) target(%arg7 : memref<128xi32, #tpu.memory_space<vmem>>) target_semaphore(%run_scoped3A : memref<!tpu.dma_semaphore, #tpu.memory_space<semaphore_mem>>)
        %dma_wait3A_90 = arith.constant 0 : i32
        %dma_wait3A_91 = tpu.memref_slice %arg3[%add3A_36, %dma_wait3A_90] : memref<2528x128xi32, #tpu.memory_space<hbm>> -> memref<1x128xi32, #tpu.memory_space<hbm>>
        %dma_wait3A_92 = tpu.memref_squeeze %dma_wait3A_91 : memref<1x128xi32, #tpu.memory_space<hbm>> -> memref<128xi32, #tpu.memory_space<hbm>>
        %dma_wait3A_93 = arith.constant 0 : i32
        %dma_wait3A_94 = tpu.memref_slice %arg3[%add3A_36, %dma_wait3A_93] : memref<2528x128xi32, #tpu.memory_space<hbm>> -> memref<1x128xi32, #tpu.memory_space<hbm>>
        %dma_wait3A_95 = tpu.memref_squeeze %dma_wait3A_94 : memref<1x128xi32, #tpu.memory_space<hbm>> -> memref<128xi32, #tpu.memory_space<hbm>>
        tpu.wait_dma2 semaphore(%run_scoped3A : memref<!tpu.dma_semaphore, #tpu.memory_space<semaphore_mem>>) src(%dma_wait3A_95 : memref<128xi32, #tpu.memory_space<hbm>>) dst(%arg7 : memref<128xi32, #tpu.memory_space<vmem>>)
        tpu.yield
      }) : () -> ()
      "tpu.region"() ({
        %run_scoped3A = tpu.sem_alloc : memref<!tpu.dma_semaphore, #tpu.memory_space<semaphore_mem>>
        %dma_start3A_84 = arith.constant 0 : i32
        %dma_start3A_85 = tpu.memref_slice %arg4[%add3A_36, %dma_start3A_84] : memref<2528x128xi32, #tpu.memory_space<hbm>> -> memref<1x128xi32, #tpu.memory_space<hbm>>
        %dma_start3A_86 = tpu.memref_squeeze %dma_start3A_85 : memref<1x128xi32, #tpu.memory_space<hbm>> -> memref<128xi32, #tpu.memory_space<hbm>>
        %dma_start3A_87 = arith.constant 0 : i32
        %dma_start3A_88 = tpu.memref_slice %arg4[%add3A_36, %dma_start3A_87] : memref<2528x128xi32, #tpu.memory_space<hbm>> -> memref<1x128xi32, #tpu.memory_space<hbm>>
        %dma_start3A_89 = tpu.memref_squeeze %dma_start3A_88 : memref<1x128xi32, #tpu.memory_space<hbm>> -> memref<128xi32, #tpu.memory_space<hbm>>
        tpu.enqueue_dma source(%dma_start3A_89 : memref<128xi32, #tpu.memory_space<hbm>>) target(%arg9 : memref<128xi32, #tpu.memory_space<vmem>>) target_semaphore(%run_scoped3A : memref<!tpu.dma_semaphore, #tpu.memory_space<semaphore_mem>>)
        %dma_wait3A_90 = arith.constant 0 : i32
        %dma_wait3A_91 = tpu.memref_slice %arg4[%add3A_36, %dma_wait3A_90] : memref<2528x128xi32, #tpu.memory_space<hbm>> -> memref<1x128xi32, #tpu.memory_space<hbm>>
        %dma_wait3A_92 = tpu.memref_squeeze %dma_wait3A_91 : memref<1x128xi32, #tpu.memory_space<hbm>> -> memref<128xi32, #tpu.memory_space<hbm>>
        %dma_wait3A_93 = arith.constant 0 : i32
        %dma_wait3A_94 = tpu.memref_slice %arg4[%add3A_36, %dma_wait3A_93] : memref<2528x128xi32, #tpu.memory_space<hbm>> -> memref<1x128xi32, #tpu.memory_space<hbm>>
        %dma_wait3A_95 = tpu.memref_squeeze %dma_wait3A_94 : memref<1x128xi32, #tpu.memory_space<hbm>> -> memref<128xi32, #tpu.memory_space<hbm>>
        tpu.wait_dma2 semaphore(%run_scoped3A : memref<!tpu.dma_semaphore, #tpu.memory_space<semaphore_mem>>) src(%dma_wait3A_95 : memref<128xi32, #tpu.memory_space<hbm>>) dst(%arg9 : memref<128xi32, #tpu.memory_space<vmem>>)
        tpu.yield
      }) : () -> ()
      %dma_start3A = arith.constant 0 : i32
      %dma_start3A_37 = arith.constant 0 : i32
      %dma_start3A_38 = tpu.memref_slice %arg2[%dma_start3A, %dma_start3A_37] : memref<10000x128xf32, #tpu.memory_space<hbm>> -> memref<10000x128xf32, #tpu.memory_space<hbm>>
      tpu.enqueue_indirect_dma source(%dma_start3A_38 : memref<10000x128xf32, #tpu.memory_space<hbm>>) target(%arg11 : memref<128x128xf32, #tpu.memory_space<vmem>>) offsets(%arg7 : memref<128xi32, #tpu.memory_space<vmem>>) semaphore(%arg13 : memref<!tpu.dma_semaphore, #tpu.memory_space<semaphore_mem>>)
      %add3A_39 = arith.constant 1 : i32
      %add3A_40 = arith.addi %add3A_36, %add3A_39 : i32
      %dma_start3A_41 = arith.constant 0 : i32
      %dma_start3A_42 = tpu.memref_slice %arg3[%add3A_40, %dma_start3A_41] : memref<2528x128xi32, #tpu.memory_space<hbm>> -> memref<1x128xi32, #tpu.memory_space<hbm>>
      %dma_start3A_43 = tpu.memref_squeeze %dma_start3A_42 : memref<1x128xi32, #tpu.memory_space<hbm>> -> memref<128xi32, #tpu.memory_space<hbm>>
      %dma_start3A_44 = arith.constant 0 : i32
      %dma_start3A_45 = tpu.memref_slice %arg3[%add3A_40, %dma_start3A_44] : memref<2528x128xi32, #tpu.memory_space<hbm>> -> memref<1x128xi32, #tpu.memory_space<hbm>>
      %dma_start3A_46 = tpu.memref_squeeze %dma_start3A_45 : memref<1x128xi32, #tpu.memory_space<hbm>> -> memref<128xi32, #tpu.memory_space<hbm>>
      tpu.enqueue_dma source(%dma_start3A_46 : memref<128xi32, #tpu.memory_space<hbm>>) target(%arg8 : memref<128xi32, #tpu.memory_space<vmem>>) target_semaphore(%arg16 : memref<!tpu.dma_semaphore, #tpu.memory_space<semaphore_mem>>)
      %add3A_47 = arith.constant 1 : i32
      %add3A_48 = arith.addi %add3A_36, %add3A_47 : i32
      %dma_start3A_49 = arith.constant 0 : i32
      %dma_start3A_50 = tpu.memref_slice %arg4[%add3A_48, %dma_start3A_49] : memref<2528x128xi32, #tpu.memory_space<hbm>> -> memref<1x128xi32, #tpu.memory_space<hbm>>
      %dma_start3A_51 = tpu.memref_squeeze %dma_start3A_50 : memref<1x128xi32, #tpu.memory_space<hbm>> -> memref<128xi32, #tpu.memory_space<hbm>>
      %dma_start3A_52 = arith.constant 0 : i32
      %dma_start3A_53 = tpu.memref_slice %arg4[%add3A_48, %dma_start3A_52] : memref<2528x128xi32, #tpu.memory_space<hbm>> -> memref<1x128xi32, #tpu.memory_space<hbm>>
      %dma_start3A_54 = tpu.memref_squeeze %dma_start3A_53 : memref<1x128xi32, #tpu.memory_space<hbm>> -> memref<128xi32, #tpu.memory_space<hbm>>
      tpu.enqueue_dma source(%dma_start3A_54 : memref<128xi32, #tpu.memory_space<hbm>>) target(%arg10 : memref<128xi32, #tpu.memory_space<vmem>>) target_semaphore(%arg16 : memref<!tpu.dma_semaphore, #tpu.memory_space<semaphore_mem>>)
      %scan3A_55 = arith.constant 0 : i32
      %scan3A_56 = arith.constant 9 : i32
      %scan3A_57 = arith.addi %scan3A_55, %scan3A_56 : i32
      %scan3A_58 = arith.constant 1 : i32
      scf.for %scan3A_84 = %scan3A_55 to %scan3A_57 step %scan3A_58  : i32 {
        %mul3A_85 = arith.constant 1 : i32
        %mul3A_86 = arith.muli %scan3A_84, %mul3A_85 : i32
        %add3A_87 = arith.constant 0 : i32
        %add3A_88 = arith.addi %add3A_87, %mul3A_86 : i32
        %mul3A_89 = arith.constant 2 : i32
        %mul3A_90 = arith.muli %mul3A_89, %add3A_88 : i32
        %add3A_91 = arith.constant 1 : i32
        %add3A_92 = arith.addi %mul3A_90, %add3A_91 : i32
        %add3A_93 = arith.addi %add3A_36, %add3A_92 : i32
        %dma_wait3A_94 = arith.constant 0 : i32
        %dma_wait3A_95 = tpu.memref_slice %arg3[%add3A_93, %dma_wait3A_94] : memref<2528x128xi32, #tpu.memory_space<hbm>> -> memref<1x128xi32, #tpu.memory_space<hbm>>
        %dma_wait3A_96 = tpu.memref_squeeze %dma_wait3A_95 : memref<1x128xi32, #tpu.memory_space<hbm>> -> memref<128xi32, #tpu.memory_space<hbm>>
        %dma_wait3A_97 = arith.constant 0 : i32
        %dma_wait3A_98 = tpu.memref_slice %arg3[%add3A_93, %dma_wait3A_97] : memref<2528x128xi32, #tpu.memory_space<hbm>> -> memref<1x128xi32, #tpu.memory_space<hbm>>
        %dma_wait3A_99 = tpu.memref_squeeze %dma_wait3A_98 : memref<1x128xi32, #tpu.memory_space<hbm>> -> memref<128xi32, #tpu.memory_space<hbm>>
        tpu.wait_dma2 semaphore(%arg16 : memref<!tpu.dma_semaphore, #tpu.memory_space<semaphore_mem>>) src(%dma_wait3A_99 : memref<128xi32, #tpu.memory_space<hbm>>) dst(%arg8 : memref<128xi32, #tpu.memory_space<vmem>>)
        %add3A_100 = arith.addi %add3A_36, %add3A_92 : i32
        %dma_wait3A_101 = arith.constant 0 : i32
        %dma_wait3A_102 = tpu.memref_slice %arg4[%add3A_100, %dma_wait3A_101] : memref<2528x128xi32, #tpu.memory_space<hbm>> -> memref<1x128xi32, #tpu.memory_space<hbm>>
        %dma_wait3A_103 = tpu.memref_squeeze %dma_wait3A_102 : memref<1x128xi32, #tpu.memory_space<hbm>> -> memref<128xi32, #tpu.memory_space<hbm>>
        %dma_wait3A_104 = arith.constant 0 : i32
        %dma_wait3A_105 = tpu.memref_slice %arg4[%add3A_100, %dma_wait3A_104] : memref<2528x128xi32, #tpu.memory_space<hbm>> -> memref<1x128xi32, #tpu.memory_space<hbm>>
        %dma_wait3A_106 = tpu.memref_squeeze %dma_wait3A_105 : memref<1x128xi32, #tpu.memory_space<hbm>> -> memref<128xi32, #tpu.memory_space<hbm>>
        tpu.wait_dma2 semaphore(%arg16 : memref<!tpu.dma_semaphore, #tpu.memory_space<semaphore_mem>>) src(%dma_wait3A_106 : memref<128xi32, #tpu.memory_space<hbm>>) dst(%arg10 : memref<128xi32, #tpu.memory_space<vmem>>)
        %dma_start3A_107 = arith.constant 0 : i32
        %dma_start3A_108 = arith.constant 0 : i32
        %dma_start3A_109 = tpu.memref_slice %arg2[%dma_start3A_107, %dma_start3A_108] : memref<10000x128xf32, #tpu.memory_space<hbm>> -> memref<10000x128xf32, #tpu.memory_space<hbm>>
        tpu.enqueue_indirect_dma source(%dma_start3A_109 : memref<10000x128xf32, #tpu.memory_space<hbm>>) target(%arg12 : memref<128x128xf32, #tpu.memory_space<vmem>>) offsets(%arg8 : memref<128xi32, #tpu.memory_space<vmem>>) semaphore(%arg14 : memref<!tpu.dma_semaphore, #tpu.memory_space<semaphore_mem>>)
        %dma_wait3A_110 = arith.constant 0 : i32
        %dma_wait3A_111 = arith.constant 0 : i32
        %dma_wait3A_112 = tpu.memref_slice %arg2[%dma_wait3A_110, %dma_wait3A_111] : memref<10000x128xf32, #tpu.memory_space<hbm>> -> memref<10000x128xf32, #tpu.memory_space<hbm>>
        tpu.wait_indirect_dma semaphore(%arg13 : memref<!tpu.dma_semaphore, #tpu.memory_space<semaphore_mem>>) src(%dma_wait3A_112 : memref<10000x128xf32, #tpu.memory_space<hbm>>) dst(%arg11 : memref<128x128xf32, #tpu.memory_space<vmem>>)
        %add3A_113 = arith.addi %add3A_36, %mul3A_90 : i32
        %add3A_114 = arith.constant 2 : i32
        %add3A_115 = arith.addi %add3A_113, %add3A_114 : i32
        %dma_start3A_116 = arith.constant 0 : i32
        %dma_start3A_117 = tpu.memref_slice %arg3[%add3A_115, %dma_start3A_116] : memref<2528x128xi32, #tpu.memory_space<hbm>> -> memref<1x128xi32, #tpu.memory_space<hbm>>
        %dma_start3A_118 = tpu.memref_squeeze %dma_start3A_117 : memref<1x128xi32, #tpu.memory_space<hbm>> -> memref<128xi32, #tpu.memory_space<hbm>>
        %dma_start3A_119 = arith.constant 0 : i32
        %dma_start3A_120 = tpu.memref_slice %arg3[%add3A_115, %dma_start3A_119] : memref<2528x128xi32, #tpu.memory_space<hbm>> -> memref<1x128xi32, #tpu.memory_space<hbm>>
        %dma_start3A_121 = tpu.memref_squeeze %dma_start3A_120 : memref<1x128xi32, #tpu.memory_space<hbm>> -> memref<128xi32, #tpu.memory_space<hbm>>
        tpu.enqueue_dma source(%dma_start3A_121 : memref<128xi32, #tpu.memory_space<hbm>>) target(%arg7 : memref<128xi32, #tpu.memory_space<vmem>>) target_semaphore(%arg15 : memref<!tpu.dma_semaphore, #tpu.memory_space<semaphore_mem>>)
        "tpu.region"() ({
          %run_scoped3A = tpu.sem_alloc : memref<!tpu.dma_semaphore, #tpu.memory_space<semaphore_mem>>
          %dma_start3A_171 = arith.constant 0 : i32
          %dma_start3A_172 = arith.constant 0 : i32
          %dma_start3A_173 = tpu.memref_slice %arg6[%dma_start3A_171, %dma_start3A_172] : memref<10240x128xf32, #tpu.memory_space<vmem_shared>> -> memref<10240x128xf32, #tpu.memory_space<vmem_shared>>
          tpu.enqueue_indirect_dma source(%arg11 : memref<128x128xf32, #tpu.memory_space<vmem>>) target(%dma_start3A_173 : memref<10240x128xf32, #tpu.memory_space<vmem_shared>>) offsets(%arg9 : memref<128xi32, #tpu.memory_space<vmem>>) semaphore(%run_scoped3A : memref<!tpu.dma_semaphore, #tpu.memory_space<semaphore_mem>>) {add = true}
          %dma_wait3A_174 = arith.constant 0 : i32
          %dma_wait3A_175 = arith.constant 0 : i32
          %dma_wait3A_176 = tpu.memref_slice %arg6[%dma_wait3A_174, %dma_wait3A_175] : memref<10240x128xf32, #tpu.memory_space<vmem_shared>> -> memref<10240x128xf32, #tpu.memory_space<vmem_shared>>
          tpu.wait_indirect_dma semaphore(%run_scoped3A : memref<!tpu.dma_semaphore, #tpu.memory_space<semaphore_mem>>) src(%arg11 : memref<128x128xf32, #tpu.memory_space<vmem>>) dst(%dma_wait3A_176 : memref<10240x128xf32, #tpu.memory_space<vmem_shared>>)
          tpu.yield
        }) : () -> ()
        %add3A_122 = arith.addi %add3A_36, %mul3A_90 : i32
        %add3A_123 = arith.constant 2 : i32
        %add3A_124 = arith.addi %add3A_122, %add3A_123 : i32
        %dma_start3A_125 = arith.constant 0 : i32
        %dma_start3A_126 = tpu.memref_slice %arg4[%add3A_124, %dma_start3A_125] : memref<2528x128xi32, #tpu.memory_space<hbm>> -> memref<1x128xi32, #tpu.memory_space<hbm>>
        %dma_start3A_127 = tpu.memref_squeeze %dma_start3A_126 : memref<1x128xi32, #tpu.memory_space<hbm>> -> memref<128xi32, #tpu.memory_space<hbm>>
        %dma_start3A_128 = arith.constant 0 : i32
        %dma_start3A_129 = tpu.memref_slice %arg4[%add3A_124, %dma_start3A_128] : memref<2528x128xi32, #tpu.memory_space<hbm>> -> memref<1x128xi32, #tpu.memory_space<hbm>>
        %dma_start3A_130 = tpu.memref_squeeze %dma_start3A_129 : memref<1x128xi32, #tpu.memory_space<hbm>> -> memref<128xi32, #tpu.memory_space<hbm>>
        tpu.enqueue_dma source(%dma_start3A_130 : memref<128xi32, #tpu.memory_space<hbm>>) target(%arg9 : memref<128xi32, #tpu.memory_space<vmem>>) target_semaphore(%arg15 : memref<!tpu.dma_semaphore, #tpu.memory_space<semaphore_mem>>)
        %add3A_131 = arith.constant 2 : i32
        %add3A_132 = arith.addi %mul3A_90, %add3A_131 : i32
        %add3A_133 = arith.addi %add3A_36, %add3A_132 : i32
        %dma_wait3A_134 = arith.constant 0 : i32
        %dma_wait3A_135 = tpu.memref_slice %arg3[%add3A_133, %dma_wait3A_134] : memref<2528x128xi32, #tpu.memory_space<hbm>> -> memref<1x128xi32, #tpu.memory_space<hbm>>
        %dma_wait3A_136 = tpu.memref_squeeze %dma_wait3A_135 : memref<1x128xi32, #tpu.memory_space<hbm>> -> memref<128xi32, #tpu.memory_space<hbm>>
        %dma_wait3A_137 = arith.constant 0 : i32
        %dma_wait3A_138 = tpu.memref_slice %arg3[%add3A_133, %dma_wait3A_137] : memref<2528x128xi32, #tpu.memory_space<hbm>> -> memref<1x128xi32, #tpu.memory_space<hbm>>
        %dma_wait3A_139 = tpu.memref_squeeze %dma_wait3A_138 : memref<1x128xi32, #tpu.memory_space<hbm>> -> memref<128xi32, #tpu.memory_space<hbm>>
        tpu.wait_dma2 semaphore(%arg15 : memref<!tpu.dma_semaphore, #tpu.memory_space<semaphore_mem>>) src(%dma_wait3A_139 : memref<128xi32, #tpu.memory_space<hbm>>) dst(%arg7 : memref<128xi32, #tpu.memory_space<vmem>>)
        %add3A_140 = arith.addi %add3A_36, %add3A_132 : i32
        %dma_wait3A_141 = arith.constant 0 : i32
        %dma_wait3A_142 = tpu.memref_slice %arg4[%add3A_140, %dma_wait3A_141] : memref<2528x128xi32, #tpu.memory_space<hbm>> -> memref<1x128xi32, #tpu.memory_space<hbm>>
        %dma_wait3A_143 = tpu.memref_squeeze %dma_wait3A_142 : memref<1x128xi32, #tpu.memory_space<hbm>> -> memref<128xi32, #tpu.memory_space<hbm>>
        %dma_wait3A_144 = arith.constant 0 : i32
        %dma_wait3A_145 = tpu.memref_slice %arg4[%add3A_140, %dma_wait3A_144] : memref<2528x128xi32, #tpu.memory_space<hbm>> -> memref<1x128xi32, #tpu.memory_space<hbm>>
        %dma_wait3A_146 = tpu.memref_squeeze %dma_wait3A_145 : memref<1x128xi32, #tpu.memory_space<hbm>> -> memref<128xi32, #tpu.memory_space<hbm>>
        tpu.wait_dma2 semaphore(%arg15 : memref<!tpu.dma_semaphore, #tpu.memory_space<semaphore_mem>>) src(%dma_wait3A_146 : memref<128xi32, #tpu.memory_space<hbm>>) dst(%arg9 : memref<128xi32, #tpu.memory_space<vmem>>)
        %dma_start3A_147 = arith.constant 0 : i32
        %dma_start3A_148 = arith.constant 0 : i32
        %dma_start3A_149 = tpu.memref_slice %arg2[%dma_start3A_147, %dma_start3A_148] : memref<10000x128xf32, #tpu.memory_space<hbm>> -> memref<10000x128xf32, #tpu.memory_space<hbm>>
        tpu.enqueue_indirect_dma source(%dma_start3A_149 : memref<10000x128xf32, #tpu.memory_space<hbm>>) target(%arg11 : memref<128x128xf32, #tpu.memory_space<vmem>>) offsets(%arg7 : memref<128xi32, #tpu.memory_space<vmem>>) semaphore(%arg13 : memref<!tpu.dma_semaphore, #tpu.memory_space<semaphore_mem>>)
        %dma_wait3A_150 = arith.constant 0 : i32
        %dma_wait3A_151 = arith.constant 0 : i32
        %dma_wait3A_152 = tpu.memref_slice %arg2[%dma_wait3A_150, %dma_wait3A_151] : memref<10000x128xf32, #tpu.memory_space<hbm>> -> memref<10000x128xf32, #tpu.memory_space<hbm>>
        tpu.wait_indirect_dma semaphore(%arg14 : memref<!tpu.dma_semaphore, #tpu.memory_space<semaphore_mem>>) src(%dma_wait3A_152 : memref<10000x128xf32, #tpu.memory_space<hbm>>) dst(%arg12 : memref<128x128xf32, #tpu.memory_space<vmem>>)
        %add3A_153 = arith.addi %add3A_36, %mul3A_90 : i32
        %add3A_154 = arith.constant 3 : i32
        %add3A_155 = arith.addi %add3A_153, %add3A_154 : i32
        %dma_start3A_156 = arith.constant 0 : i32
        %dma_start3A_157 = tpu.memref_slice %arg3[%add3A_155, %dma_start3A_156] : memref<2528x128xi32, #tpu.memory_space<hbm>> -> memref<1x128xi32, #tpu.memory_space<hbm>>
        %dma_start3A_158 = tpu.memref_squeeze %dma_start3A_157 : memref<1x128xi32, #tpu.memory_space<hbm>> -> memref<128xi32, #tpu.memory_space<hbm>>
        %dma_start3A_159 = arith.constant 0 : i32
        %dma_start3A_160 = tpu.memref_slice %arg3[%add3A_155, %dma_start3A_159] : memref<2528x128xi32, #tpu.memory_space<hbm>> -> memref<1x128xi32, #tpu.memory_space<hbm>>
        %dma_start3A_161 = tpu.memref_squeeze %dma_start3A_160 : memref<1x128xi32, #tpu.memory_space<hbm>> -> memref<128xi32, #tpu.memory_space<hbm>>
        tpu.enqueue_dma source(%dma_start3A_161 : memref<128xi32, #tpu.memory_space<hbm>>) target(%arg8 : memref<128xi32, #tpu.memory_space<vmem>>) target_semaphore(%arg16 : memref<!tpu.dma_semaphore, #tpu.memory_space<semaphore_mem>>)
        "tpu.region"() ({
          %run_scoped3A = tpu.sem_alloc : memref<!tpu.dma_semaphore, #tpu.memory_space<semaphore_mem>>
          %dma_start3A_171 = arith.constant 0 : i32
          %dma_start3A_172 = arith.constant 0 : i32
          %dma_start3A_173 = tpu.memref_slice %arg6[%dma_start3A_171, %dma_start3A_172] : memref<10240x128xf32, #tpu.memory_space<vmem_shared>> -> memref<10240x128xf32, #tpu.memory_space<vmem_shared>>
          tpu.enqueue_indirect_dma source(%arg12 : memref<128x128xf32, #tpu.memory_space<vmem>>) target(%dma_start3A_173 : memref<10240x128xf32, #tpu.memory_space<vmem_shared>>) offsets(%arg10 : memref<128xi32, #tpu.memory_space<vmem>>) semaphore(%run_scoped3A : memref<!tpu.dma_semaphore, #tpu.memory_space<semaphore_mem>>) {add = true}
          %dma_wait3A_174 = arith.constant 0 : i32
          %dma_wait3A_175 = arith.constant 0 : i32
          %dma_wait3A_176 = tpu.memref_slice %arg6[%dma_wait3A_174, %dma_wait3A_175] : memref<10240x128xf32, #tpu.memory_space<vmem_shared>> -> memref<10240x128xf32, #tpu.memory_space<vmem_shared>>
          tpu.wait_indirect_dma semaphore(%run_scoped3A : memref<!tpu.dma_semaphore, #tpu.memory_space<semaphore_mem>>) src(%arg12 : memref<128x128xf32, #tpu.memory_space<vmem>>) dst(%dma_wait3A_176 : memref<10240x128xf32, #tpu.memory_space<vmem_shared>>)
          tpu.yield
        }) : () -> ()
        %add3A_162 = arith.addi %add3A_36, %mul3A_90 : i32
        %add3A_163 = arith.constant 3 : i32
        %add3A_164 = arith.addi %add3A_162, %add3A_163 : i32
        %dma_start3A_165 = arith.constant 0 : i32
        %dma_start3A_166 = tpu.memref_slice %arg4[%add3A_164, %dma_start3A_165] : memref<2528x128xi32, #tpu.memory_space<hbm>> -> memref<1x128xi32, #tpu.memory_space<hbm>>
        %dma_start3A_167 = tpu.memref_squeeze %dma_start3A_166 : memref<1x128xi32, #tpu.memory_space<hbm>> -> memref<128xi32, #tpu.memory_space<hbm>>
        %dma_start3A_168 = arith.constant 0 : i32
        %dma_start3A_169 = tpu.memref_slice %arg4[%add3A_164, %dma_start3A_168] : memref<2528x128xi32, #tpu.memory_space<hbm>> -> memref<1x128xi32, #tpu.memory_space<hbm>>
        %dma_start3A_170 = tpu.memref_squeeze %dma_start3A_169 : memref<1x128xi32, #tpu.memory_space<hbm>> -> memref<128xi32, #tpu.memory_space<hbm>>
        tpu.enqueue_dma source(%dma_start3A_170 : memref<128xi32, #tpu.memory_space<hbm>>) target(%arg10 : memref<128xi32, #tpu.memory_space<vmem>>) target_semaphore(%arg16 : memref<!tpu.dma_semaphore, #tpu.memory_space<semaphore_mem>>)
      }
      %scan3A_59 = arith.constant 9 : i32
      %add3A_60 = arith.constant 19 : i32
      %add3A_61 = arith.addi %add3A_36, %add3A_60 : i32
      %dma_wait3A = arith.constant 0 : i32
      %dma_wait3A_62 = tpu.memref_slice %arg3[%add3A_61, %dma_wait3A] : memref<2528x128xi32, #tpu.memory_space<hbm>> -> memref<1x128xi32, #tpu.memory_space<hbm>>
      %dma_wait3A_63 = tpu.memref_squeeze %dma_wait3A_62 : memref<1x128xi32, #tpu.memory_space<hbm>> -> memref<128xi32, #tpu.memory_space<hbm>>
      %dma_wait3A_64 = arith.constant 0 : i32
      %dma_wait3A_65 = tpu.memref_slice %arg3[%add3A_61, %dma_wait3A_64] : memref<2528x128xi32, #tpu.memory_space<hbm>> -> memref<1x128xi32, #tpu.memory_space<hbm>>
      %dma_wait3A_66 = tpu.memref_squeeze %dma_wait3A_65 : memref<1x128xi32, #tpu.memory_space<hbm>> -> memref<128xi32, #tpu.memory_space<hbm>>
      tpu.wait_dma2 semaphore(%arg16 : memref<!tpu.dma_semaphore, #tpu.memory_space<semaphore_mem>>) src(%dma_wait3A_66 : memref<128xi32, #tpu.memory_space<hbm>>) dst(%arg8 : memref<128xi32, #tpu.memory_space<vmem>>)
      %add3A_67 = arith.constant 19 : i32
      %add3A_68 = arith.addi %add3A_36, %add3A_67 : i32
      %dma_wait3A_69 = arith.constant 0 : i32
      %dma_wait3A_70 = tpu.memref_slice %arg4[%add3A_68, %dma_wait3A_69] : memref<2528x128xi32, #tpu.memory_space<hbm>> -> memref<1x128xi32, #tpu.memory_space<hbm>>
      %dma_wait3A_71 = tpu.memref_squeeze %dma_wait3A_70 : memref<1x128xi32, #tpu.memory_space<hbm>> -> memref<128xi32, #tpu.memory_space<hbm>>
      %dma_wait3A_72 = arith.constant 0 : i32
      %dma_wait3A_73 = tpu.memref_slice %arg4[%add3A_68, %dma_wait3A_72] : memref<2528x128xi32, #tpu.memory_space<hbm>> -> memref<1x128xi32, #tpu.memory_space<hbm>>
      %dma_wait3A_74 = tpu.memref_squeeze %dma_wait3A_73 : memref<1x128xi32, #tpu.memory_space<hbm>> -> memref<128xi32, #tpu.memory_space<hbm>>
      tpu.wait_dma2 semaphore(%arg16 : memref<!tpu.dma_semaphore, #tpu.memory_space<semaphore_mem>>) src(%dma_wait3A_74 : memref<128xi32, #tpu.memory_space<hbm>>) dst(%arg10 : memref<128xi32, #tpu.memory_space<vmem>>)
      %dma_start3A_75 = arith.constant 0 : i32
      %dma_start3A_76 = arith.constant 0 : i32
      %dma_start3A_77 = tpu.memref_slice %arg2[%dma_start3A_75, %dma_start3A_76] : memref<10000x128xf32, #tpu.memory_space<hbm>> -> memref<10000x128xf32, #tpu.memory_space<hbm>>
      tpu.enqueue_indirect_dma source(%dma_start3A_77 : memref<10000x128xf32, #tpu.memory_space<hbm>>) target(%arg12 : memref<128x128xf32, #tpu.memory_space<vmem>>) offsets(%arg8 : memref<128xi32, #tpu.memory_space<vmem>>) semaphore(%arg14 : memref<!tpu.dma_semaphore, #tpu.memory_space<semaphore_mem>>)
      %dma_wait3A_78 = arith.constant 0 : i32
      %dma_wait3A_79 = arith.constant 0 : i32
      %dma_wait3A_80 = tpu.memref_slice %arg2[%dma_wait3A_78, %dma_wait3A_79] : memref<10000x128xf32, #tpu.memory_space<hbm>> -> memref<10000x128xf32, #tpu.memory_space<hbm>>
      tpu.wait_indirect_dma semaphore(%arg13 : memref<!tpu.dma_semaphore, #tpu.memory_space<semaphore_mem>>) src(%dma_wait3A_80 : memref<10000x128xf32, #tpu.memory_space<hbm>>) dst(%arg11 : memref<128x128xf32, #tpu.memory_space<vmem>>)
      "tpu.region"() ({
        %run_scoped3A = tpu.sem_alloc : memref<!tpu.dma_semaphore, #tpu.memory_space<semaphore_mem>>
        %dma_start3A_84 = arith.constant 0 : i32
        %dma_start3A_85 = arith.constant 0 : i32
        %dma_start3A_86 = tpu.memref_slice %arg6[%dma_start3A_84, %dma_start3A_85] : memref<10240x128xf32, #tpu.memory_space<vmem_shared>> -> memref<10240x128xf32, #tpu.memory_space<vmem_shared>>
        tpu.enqueue_indirect_dma source(%arg11 : memref<128x128xf32, #tpu.memory_space<vmem>>) target(%dma_start3A_86 : memref<10240x128xf32, #tpu.memory_space<vmem_shared>>) offsets(%arg9 : memref<128xi32, #tpu.memory_space<vmem>>) semaphore(%run_scoped3A : memref<!tpu.dma_semaphore, #tpu.memory_space<semaphore_mem>>) {add = true}
        %dma_wait3A_87 = arith.constant 0 : i32
        %dma_wait3A_88 = arith.constant 0 : i32
        %dma_wait3A_89 = tpu.memref_slice %arg6[%dma_wait3A_87, %dma_wait3A_88] : memref<10240x128xf32, #tpu.memory_space<vmem_shared>> -> memref<10240x128xf32, #tpu.memory_space<vmem_shared>>
        tpu.wait_indirect_dma semaphore(%run_scoped3A : memref<!tpu.dma_semaphore, #tpu.memory_space<semaphore_mem>>) src(%arg11 : memref<128x128xf32, #tpu.memory_space<vmem>>) dst(%dma_wait3A_89 : memref<10240x128xf32, #tpu.memory_space<vmem_shared>>)
        tpu.yield
      }) : () -> ()
      %dma_wait3A_81 = arith.constant 0 : i32
      %dma_wait3A_82 = arith.constant 0 : i32
      %dma_wait3A_83 = tpu.memref_slice %arg2[%dma_wait3A_81, %dma_wait3A_82] : memref<10000x128xf32, #tpu.memory_space<hbm>> -> memref<10000x128xf32, #tpu.memory_space<hbm>>
      tpu.wait_indirect_dma semaphore(%arg14 : memref<!tpu.dma_semaphore, #tpu.memory_space<semaphore_mem>>) src(%dma_wait3A_83 : memref<10000x128xf32, #tpu.memory_space<hbm>>) dst(%arg12 : memref<128x128xf32, #tpu.memory_space<vmem>>)
      "tpu.region"() ({
        %run_scoped3A = tpu.sem_alloc : memref<!tpu.dma_semaphore, #tpu.memory_space<semaphore_mem>>
        %dma_start3A_84 = arith.constant 0 : i32
        %dma_start3A_85 = arith.constant 0 : i32
        %dma_start3A_86 = tpu.memref_slice %arg6[%dma_start3A_84, %dma_start3A_85] : memref<10240x128xf32, #tpu.memory_space<vmem_shared>> -> memref<10240x128xf32, #tpu.memory_space<vmem_shared>>
        tpu.enqueue_indirect_dma source(%arg12 : memref<128x128xf32, #tpu.memory_space<vmem>>) target(%dma_start3A_86 : memref<10240x128xf32, #tpu.memory_space<vmem_shared>>) offsets(%arg10 : memref<128xi32, #tpu.memory_space<vmem>>) semaphore(%run_scoped3A : memref<!tpu.dma_semaphore, #tpu.memory_space<semaphore_mem>>) {add = true}
        %dma_wait3A_87 = arith.constant 0 : i32
        %dma_wait3A_88 = arith.constant 0 : i32
        %dma_wait3A_89 = tpu.memref_slice %arg6[%dma_wait3A_87, %dma_wait3A_88] : memref<10240x128xf32, #tpu.memory_space<vmem_shared>> -> memref<10240x128xf32, #tpu.memory_space<vmem_shared>>
        tpu.wait_indirect_dma semaphore(%run_scoped3A : memref<!tpu.dma_semaphore, #tpu.memory_space<semaphore_mem>>) src(%arg12 : memref<128x128xf32, #tpu.memory_space<vmem>>) dst(%dma_wait3A_89 : memref<10240x128xf32, #tpu.memory_space<vmem_shared>>)
        tpu.yield
      }) : () -> ()
    } else {
    }
    %barrier3A_21 = arith.constant 0 : index
    tpu.barrier barrier_id(%barrier3A_21)
    %mul3A_22 = arith.constant 632 : i32
    %mul3A_23 = arith.muli %arg1, %mul3A_22 : i32
    %lt3A = arith.constant 15 : i32
    %lt3A_24 = arith.cmpi slt, %arg1, %lt3A : i32
    %convert_element_type3A_25 = arith.extui %lt3A_24 : i1 to i32
    %cond3A_26 = arith.constant 0 : i32
    %cond3A_27 = arith.cmpi ne, %convert_element_type3A_25, %cond3A_26 : i32
    scf.if %cond3A_27 {
      "tpu.region"() ({
        %run_scoped3A = tpu.sem_alloc : memref<!tpu.dma_semaphore, #tpu.memory_space<semaphore_mem>>
        %dma_start3A = arith.constant 0 : i32
        %dma_start3A_33 = arith.constant 0 : i32
        %dma_start3A_34 = tpu.memref_slice %arg5[%arg0, %dma_start3A, %dma_start3A_33] : memref<2x10000x128xf32, #tpu.memory_space<hbm>> -> memref<1x10000x128xf32, #tpu.memory_space<hbm>>
        %dma_start3A_35 = tpu.memref_squeeze %dma_start3A_34 : memref<1x10000x128xf32, #tpu.memory_space<hbm>> -> memref<10000x128xf32, #tpu.memory_space<hbm>>
        %dma_start3A_36 = arith.constant 0 : i32
        %dma_start3A_37 = tpu.memref_slice %dma_start3A_35[%mul3A_23, %dma_start3A_36] : memref<10000x128xf32, #tpu.memory_space<hbm>> -> memref<632x128xf32, #tpu.memory_space<hbm>>
        %dma_start3A_38 = arith.constant 0 : i32
        %dma_start3A_39 = tpu.memref_slice %arg6[%mul3A_23, %dma_start3A_38] : memref<10240x128xf32, #tpu.memory_space<vmem_shared>> -> memref<632x128xf32, #tpu.memory_space<vmem_shared>>
        tpu.enqueue_dma source(%dma_start3A_39 : memref<632x128xf32, #tpu.memory_space<vmem_shared>>) target(%dma_start3A_37 : memref<632x128xf32, #tpu.memory_space<hbm>>) target_semaphore(%run_scoped3A : memref<!tpu.dma_semaphore, #tpu.memory_space<semaphore_mem>>)
        %dma_wait3A = arith.constant 0 : i32
        %dma_wait3A_40 = arith.constant 0 : i32
        %dma_wait3A_41 = tpu.memref_slice %arg5[%arg0, %dma_wait3A, %dma_wait3A_40] : memref<2x10000x128xf32, #tpu.memory_space<hbm>> -> memref<1x10000x128xf32, #tpu.memory_space<hbm>>
        %dma_wait3A_42 = tpu.memref_squeeze %dma_wait3A_41 : memref<1x10000x128xf32, #tpu.memory_space<hbm>> -> memref<10000x128xf32, #tpu.memory_space<hbm>>
        %dma_wait3A_43 = arith.constant 0 : i32
        %dma_wait3A_44 = tpu.memref_slice %dma_wait3A_42[%mul3A_23, %dma_wait3A_43] : memref<10000x128xf32, #tpu.memory_space<hbm>> -> memref<632x128xf32, #tpu.memory_space<hbm>>
        %dma_wait3A_45 = arith.constant 0 : i32
        %dma_wait3A_46 = tpu.memref_slice %arg6[%mul3A_23, %dma_wait3A_45] : memref<10240x128xf32, #tpu.memory_space<vmem_shared>> -> memref<632x128xf32, #tpu.memory_space<vmem_shared>>
        tpu.wait_dma2 semaphore(%run_scoped3A : memref<!tpu.dma_semaphore, #tpu.memory_space<semaphore_mem>>) src(%dma_wait3A_46 : memref<632x128xf32, #tpu.memory_space<vmem_shared>>) dst(%dma_wait3A_44 : memref<632x128xf32, #tpu.memory_space<hbm>>)
        tpu.yield
      }) : () -> ()
    } else {
    }
    %eq3A_28 = arith.constant 15 : i32
    %eq3A_29 = arith.cmpi eq, %arg1, %eq3A_28 : i32
    %convert_element_type3A_30 = arith.extui %eq3A_29 : i1 to i32
    %cond3A_31 = arith.constant 0 : i32
    %cond3A_32 = arith.cmpi ne, %convert_element_type3A_30, %cond3A_31 : i32
    scf.if %cond3A_32 {
      "tpu.region"() ({
        %run_scoped3A = tpu.sem_alloc : memref<!tpu.dma_semaphore, #tpu.memory_space<semaphore_mem>>
        %dma_start3A = arith.constant 0 : i32
        %dma_start3A_33 = arith.constant 0 : i32
        %dma_start3A_34 = tpu.memref_slice %arg5[%arg0, %dma_start3A, %dma_start3A_33] : memref<2x10000x128xf32, #tpu.memory_space<hbm>> -> memref<1x10000x128xf32, #tpu.memory_space<hbm>>
        %dma_start3A_35 = tpu.memref_squeeze %dma_start3A_34 : memref<1x10000x128xf32, #tpu.memory_space<hbm>> -> memref<10000x128xf32, #tpu.memory_space<hbm>>
        %dma_start3A_36 = arith.constant 9480 : i32
        %dma_start3A_37 = arith.constant 0 : i32
        %dma_start3A_38 = tpu.memref_slice %dma_start3A_35[%dma_start3A_36, %dma_start3A_37] : memref<10000x128xf32, #tpu.memory_space<hbm>> -> memref<520x128xf32, #tpu.memory_space<hbm>>
        %dma_start3A_39 = arith.constant 9480 : i32
        %dma_start3A_40 = arith.constant 0 : i32
        %dma_start3A_41 = tpu.memref_slice %arg6[%dma_start3A_39, %dma_start3A_40] : memref<10240x128xf32, #tpu.memory_space<vmem_shared>> -> memref<520x128xf32, #tpu.memory_space<vmem_shared>>
        tpu.enqueue_dma source(%dma_start3A_41 : memref<520x128xf32, #tpu.memory_space<vmem_shared>>) target(%dma_start3A_38 : memref<520x128xf32, #tpu.memory_space<hbm>>) target_semaphore(%run_scoped3A : memref<!tpu.dma_semaphore, #tpu.memory_space<semaphore_mem>>)
        %dma_wait3A = arith.constant 0 : i32
        %dma_wait3A_42 = arith.constant 0 : i32
        %dma_wait3A_43 = tpu.memref_slice %arg5[%arg0, %dma_wait3A, %dma_wait3A_42] : memref<2x10000x128xf32, #tpu.memory_space<hbm>> -> memref<1x10000x128xf32, #tpu.memory_space<hbm>>
        %dma_wait3A_44 = tpu.memref_squeeze %dma_wait3A_43 : memref<1x10000x128xf32, #tpu.memory_space<hbm>> -> memref<10000x128xf32, #tpu.memory_space<hbm>>
        %dma_wait3A_45 = arith.constant 9480 : i32
        %dma_wait3A_46 = arith.constant 0 : i32
        %dma_wait3A_47 = tpu.memref_slice %dma_wait3A_44[%dma_wait3A_45, %dma_wait3A_46] : memref<10000x128xf32, #tpu.memory_space<hbm>> -> memref<520x128xf32, #tpu.memory_space<hbm>>
        %dma_wait3A_48 = arith.constant 9480 : i32
        %dma_wait3A_49 = arith.constant 0 : i32
        %dma_wait3A_50 = tpu.memref_slice %arg6[%dma_wait3A_48, %dma_wait3A_49] : memref<10240x128xf32, #tpu.memory_space<vmem_shared>> -> memref<520x128xf32, #tpu.memory_space<vmem_shared>>
        tpu.wait_dma2 semaphore(%run_scoped3A : memref<!tpu.dma_semaphore, #tpu.memory_space<semaphore_mem>>) src(%dma_wait3A_50 : memref<520x128xf32, #tpu.memory_space<vmem_shared>>) dst(%dma_wait3A_47 : memref<520x128xf32, #tpu.memory_space<hbm>>)
        tpu.yield
      }) : () -> ()
    } else {
    }
    return
  }
}

module attributes {stable_mosaic.version = 14 : i64} {
  func.func @_mm2_body(%arg0: memref<2x10000x128xf32, #tpu.memory_space<vmem>>, %arg1: memref<128x128xf32, #tpu.memory_space<vmem>>, %arg2: memref<10000x128xf32, #tpu.memory_space<vmem>>) attributes {dimension_semantics = [], scalar_prefetch = 0 : i64, scratch_operands = 0 : i64, tpu.core_type = #tpu.core_type<tc>} {
    %get3A = arith.constant 0 : index
    %get3A_0 = arith.constant 0 : index
    %get3A_1 = arith.constant 0 : index
    %get3A_2 = vector.load %arg0[%get3A, %get3A_0, %get3A_1] : memref<2x10000x128xf32, #tpu.memory_space<vmem>>, vector<1x10000x128xf32>
    %get3A_3 = vector.shape_cast %get3A_2 : vector<1x10000x128xf32> to vector<10000x128xf32>
    %get3A_4 = arith.constant 1 : index
    %get3A_5 = arith.constant 0 : index
    %get3A_6 = arith.constant 0 : index
    %get3A_7 = vector.load %arg0[%get3A_4, %get3A_5, %get3A_6] : memref<2x10000x128xf32, #tpu.memory_space<vmem>>, vector<1x10000x128xf32>
    %get3A_8 = vector.shape_cast %get3A_7 : vector<1x10000x128xf32> to vector<10000x128xf32>
    %add3A = arith.addf %get3A_3, %get3A_8 : vector<10000x128xf32>
    %max3A = arith.constant 0.000000e+00 : f32
    %max3A_9 = vector.broadcast %max3A : f32 to vector<10000x128xf32>
    %max3A_10 = arith.maximumf %add3A, %max3A_9 : vector<10000x128xf32>
    %get3A_11 = arith.constant 0 : index
    %get3A_12 = arith.constant 0 : index
    %get3A_13 = vector.load %arg1[%get3A_11, %get3A_12] : memref<128x128xf32, #tpu.memory_space<vmem>>, vector<128x128xf32>
    %dot_general3A = arith.constant dense<0.000000e+00> : vector<10000x128xf32>
    %dot_general3A_14 = tpu.matmul %max3A_10, %get3A_13, %dot_general3A {dimension_numbers = #tpu.dot_dimension_numbers<[1], [0], [0], [1], [0, 0, 1, 1], [], []>, transpose_lhs_hint = false} : vector<10000x128xf32>, vector<128x128xf32>, vector<10000x128xf32> -> vector<10000x128xf32>
    %swap3A = arith.constant 0 : index
    %swap3A_15 = arith.constant 0 : index
    %swap3A_16 = vector.load %arg2[%swap3A, %swap3A_15] : memref<10000x128xf32, #tpu.memory_space<vmem>>, vector<10000x128xf32>
    tpu.vector_store %arg2[%swap3A, %swap3A_15], %dot_general3A_14 {strides = array<i32>} : memref<10000x128xf32, #tpu.memory_space<vmem>>, vector<10000x128xf32>,
    return
  }
}

module attributes {stable_mosaic.version = 14 : i64} {
  func.func @_mm1_body(%arg0: memref<10000x128xf32, #tpu.memory_space<vmem>>, %arg1: memref<128x128xf32, #tpu.memory_space<vmem>>, %arg2: memref<10000x128xf32, #tpu.memory_space<vmem>>) attributes {dimension_semantics = [], scalar_prefetch = 0 : i64, scratch_operands = 0 : i64, tpu.core_type = #tpu.core_type<tc>} {
    %get3A = arith.constant 0 : index
    %get3A_0 = arith.constant 0 : index
    %get3A_1 = vector.load %arg0[%get3A, %get3A_0] : memref<10000x128xf32, #tpu.memory_space<vmem>>, vector<10000x128xf32>
    %get3A_2 = arith.constant 0 : index
    %get3A_3 = arith.constant 0 : index
    %get3A_4 = vector.load %arg1[%get3A_2, %get3A_3] : memref<128x128xf32, #tpu.memory_space<vmem>>, vector<128x128xf32>
    %dot_general3A = arith.constant dense<0.000000e+00> : vector<10000x128xf32>
    %dot_general3A_5 = tpu.matmul %get3A_1, %get3A_4, %dot_general3A {dimension_numbers = #tpu.dot_dimension_numbers<[1], [0], [0], [1], [0, 0, 1, 1], [], []>, transpose_lhs_hint = false} : vector<10000x128xf32>, vector<128x128xf32>, vector<10000x128xf32> -> vector<10000x128xf32>
    %swap3A = arith.constant 0 : index
    %swap3A_6 = arith.constant 0 : index
    %swap3A_7 = vector.load %arg2[%swap3A, %swap3A_6] : memref<10000x128xf32, #tpu.memory_space<vmem>>, vector<10000x128xf32>
    tpu.vector_store %arg2[%swap3A, %swap3A_6], %dot_general3A_5 {strides = array<i32>} : memref<10000x128xf32, #tpu.memory_space<vmem>>, vector<10000x128xf32>,
    return
  }
}

module attributes {stable_mosaic.version = 14 : i64} {
  func.func @_mmtab_body(%arg0: memref<2x10000x128xf32, #tpu.memory_space<vmem>>, %arg1: memref<4x128xf32, #tpu.memory_space<vmem>>, %arg2: memref<4x10000xf32, #tpu.memory_space<vmem>>) attributes {dimension_semantics = [], scalar_prefetch = 0 : i64, scratch_operands = 0 : i64, tpu.core_type = #tpu.core_type<tc>} {
    %get3A = arith.constant 0 : index
    %get3A_0 = arith.constant 0 : index
    %get3A_1 = arith.constant 0 : index
    %get3A_2 = vector.load %arg0[%get3A, %get3A_0, %get3A_1] : memref<2x10000x128xf32, #tpu.memory_space<vmem>>, vector<1x10000x128xf32>
    %get3A_3 = vector.shape_cast %get3A_2 : vector<1x10000x128xf32> to vector<10000x128xf32>
    %get3A_4 = arith.constant 1 : index
    %get3A_5 = arith.constant 0 : index
    %get3A_6 = arith.constant 0 : index
    %get3A_7 = vector.load %arg0[%get3A_4, %get3A_5, %get3A_6] : memref<2x10000x128xf32, #tpu.memory_space<vmem>>, vector<1x10000x128xf32>
    %get3A_8 = vector.shape_cast %get3A_7 : vector<1x10000x128xf32> to vector<10000x128xf32>
    %add3A = arith.addf %get3A_3, %get3A_8 : vector<10000x128xf32>
    %get3A_9 = arith.constant 0 : index
    %get3A_10 = arith.constant 0 : index
    %get3A_11 = vector.load %arg1[%get3A_9, %get3A_10] : memref<4x128xf32, #tpu.memory_space<vmem>>, vector<4x128xf32>
    %dot_general3A = arith.constant dense<0.000000e+00> : vector<4x10000xf32>
    %dot_general3A_12 = tpu.matmul %get3A_11, %add3A, %dot_general3A {dimension_numbers = #tpu.dot_dimension_numbers<[1], [1], [0], [0], [0, 0, 1, 0], [], []>, transpose_lhs_hint = false} : vector<4x128xf32>, vector<10000x128xf32>, vector<4x10000xf32> -> vector<4x10000xf32>
    %swap3A = arith.constant 0 : index
    %swap3A_13 = arith.constant 0 : index
    %swap3A_14 = vector.load %arg2[%swap3A, %swap3A_13] : memref<4x10000xf32, #tpu.memory_space<vmem>>, vector<4x10000xf32>
    tpu.vector_store %arg2[%swap3A, %swap3A_13], %dot_general3A_12 {strides = array<i32>} : memref<4x10000xf32, #tpu.memory_space<vmem>>, vector<4x10000xf32>,
    return
  }
}

</mosaic_0001>

<sc_bundles>
// kernel: kernel.11.cloned.1.call-start
scs
__scs_entry_jumppad:
0x0: {  	(pc) =	sbr.rel $0x88, $3  }
0x1: {  	(tag) =	ssettag $0x0;
	lr =	simm.s32 $0x1  }
0x2: {  	[smem:$0x3F9A] =	sst lr;
	_ =	strace $0xD0000000  }
0x3: {  	_ = 	snop  }
0x4: {  	_ = 	snop  }
0x5: {  	_ = 	snop  }
0x6: {  	_ = 	snop  }
0x7: {  	_ = 	snop  }
__scs_overlays_trampoline_lowered:
0x8: {  	[smem:$0x3FA9] =	sst s0  }
0x9: {  	[smem:$0x3FAA] =	sst s1  }
0xa: {  	[smem:$0x3FAB] =	sst s2  }
0xb: {  	[smem:$0x3FAC] =	sst s3  }
0xc: {  	[smem:$0x3FAD] =	sst s4  }
0xd: {  	[smem:$0x3FAE] =	sst s5  }
0xe: {  	[smem:$0x3FAF] =	sst s6  }
0xf: {  	[smem:$0x3FB0] =	sst s7  }
0x10: {  	[smem:$0x3FB1] =	sst s8  }
0x11: {  	[smem:$0x3FB2] =	sst s9;
	s0 =	simm.s32 @!p0 $0x0  }
0x12: {  	s1 =	sld [smem:$0x3F98];
	s0 =	simm.s32 @p0 $0x1  }
0x13: {  	[smem:$0x3FB3] =	sst s0;
	s0 =	simm.s32 @!p1 $0x0  }
0x14: {  	s2 =	sld [smem:$0x3F97];
	s0 =	simm.s32 @p1 $0x1  }
0x15: {  	[smem:$0x3FB4] =	sst s0;
	s0 =	simm.s32 @!p2 $0x0  }
0x16: {  	s3 =	sld [smem:$0x3FDB];
	s0 =	simm.s32 @p2 $0x1  }
0x17: {  	s4 =	simm.s32 $0x1BF5;
	[smem:$0x3FB6] =	sst s0  }
0x18: {  	s0 =	sld [smem:$0x3F99];
	_ =	swait.ge [sflag:s4], $0x0  }
0x19: {  	s7 =	sld [smem:$0x3F9A]  }
0x1a: {  	s8 =	sadd.s32 $0xFFFFE003, lr  }
0x1b: {  	s9 =	sadd.s32 $0xFFFFFEF7, lr;
	s5 =	simm.s32 $0xFFFFFFFF;
	p2 =	slt.u32 s8, $0xFFFFF086  }
0x1c: {  	p1 =	slt.u32 s9, $0xF7A;
	s5 =	simm.s32 @!p2 $0x0  }
0x1d: {  	s5 =	simm.s32 @p1 $0x1;
	p0 =	seq.s32 s7, s2  }
0x1e: {  	s7 =	smul.u32 @!p0 $0xF7A, s2;
	p2 =	seq.s32 @!p0 s5, $0x0  }
0x1f: {  	s9 =	smul.u32 $0xF7A, s1;
	s8 =	simm.s32 @!p0 $0x1BF5;
	p2 =	por !p2, p0  }
0x20: {  	[sflag:s8] =	ssyncset.s32 @!p0 $0xFFFFF086;
	s6 =	sadd.s32 @!p0 s3, s7;
	s7 =	simm.s32 @!p0 $0x108  }
0x21: {  	s3 =	sadd.s32 s3, s9;
	s6 =	sadd.s32 @!p0 $0x88, s6;
	s7 =	simm.s32 @p2 $0x1082  }
0x22: {  	[simem:s7], [sflag:s8] =	dma.local @!p0 [hbm:s6], $0xF7A  }
0x23: {  	s9 =	sor.u32 $0xD0000000, s2;
	s6 =	simm.s32 $0x108;
	_ =	swait.ge @!p0 [sflag:s8], $0x0  }
0x24: {  	s3 =	sadd.s32 $0x88, s3;
	s6 =	simm.s32 @!p1 $0x1082;
	[sflag:s4] =	ssyncset.s32 $0xFFFFF086  }
0x25: {  	[simem:s6], [sflag:s4] =	dma.local [hbm:s3], $0xF7A  }
0x26: {  	[smem:$0x3F9A] =	sst s1;
	(tag) =	ssettag s2;
	_ =	strace s9  }
0x27: {  	s1 =	sld [smem:$0x3FAA]  }
0x28: {  	s2 =	sld [smem:$0x3FAB]  }
0x29: {  	s4 =	sld [smem:$0x3FAD]  }
0x2a: {  	p0 =	seq.s32 s5, $0x0;
	s5 =	sld [smem:$0x3FAE]  }
0x2b: {  	s6 =	sld [smem:$0x3FAF]  }
0x2c: {  	s7 =	sld [smem:$0x3FB0]  }
0x2d: {  	s3 =	simm.s32 $0x108;
	s8 =	sld [smem:$0x3FB1]  }
0x2e: {  	s3 =	simm.s32 @!p0 $0x1082;
	s9 =	sld [smem:$0x3FB2]  }
0x2f: {  	lr =	sadd.s32 s0, s3;
	s0 =	sld [smem:$0x3FA9]  }
0x30: {  	s3 =	sld [smem:$0x3FAC]  }
0x31: {  	[smem:$0x3FB5] =	sst s10  }
0x32: {  	s10 =	sld [smem:$0x3FB3];
	_ =	sdelay $0x3  }
0x33: {  	p0 =	seq.s32 s10, $0x1;
	s10 =	sld [smem:$0x3FB5];
	_ =	sdelay $0x3  }
0x34: {  	[smem:$0x3FB5] =	sst s10  }
0x35: {  	s10 =	sld [smem:$0x3FB4];
	_ =	sdelay $0x3  }
0x36: {  	p1 =	seq.s32 s10, $0x1;
	s10 =	sld [smem:$0x3FB5];
	_ =	sdelay $0x3  }
0x37: {  	[smem:$0x3FB5] =	sst s10  }
0x38: {  	s10 =	sld [smem:$0x3FB6]  }
0x39: {  	_ = 	snop;
	(pc) =	sbr.ind lr, $3  }
0x3a: {  	_ = 	snop  }
0x3b: {  	_ = 	snop  }
0x3c: {  	p2 =	seq.s32 s10, $0x1;
	s10 =	sld [smem:$0x3FB5]  }
0x3d: {  	_ =	shalt  }
0x3e: {  	_ =	shalt  }
0x3f: {  	_ =	shalt  }
0x40: {  	_ =	shalt  }
0x41: {  	_ =	shalt  }
0x42: {  	_ =	shalt  }
0x43: {  	_ =	shalt  }
0x44: {  	_ =	shalt  }
0x45: {  	_ =	shalt  }
0x46: {  	_ =	shalt  }
0x47: {  	_ =	shalt  }
0x48: {  	_ =	shalt  }
0x49: {  	_ =	shalt  }
0x4a: {  	_ =	shalt  }
0x4b: {  	_ =	shalt  }
0x4c: {  	_ =	shalt  }
0x4d: {  	_ =	shalt  }
0x4e: {  	_ =	shalt  }
0x4f: {  	_ =	shalt  }
0x50: {  	_ =	shalt  }
0x51: {  	_ =	shalt  }
0x52: {  	_ =	shalt  }
0x53: {  	_ =	shalt  }
0x54: {  	_ =	shalt  }
0x55: {  	_ =	shalt  }
0x56: {  	_ =	shalt  }
0x57: {  	_ =	shalt  }
0x58: {  	_ =	shalt  }
0x59: {  	_ =	shalt  }
0x5a: {  	_ =	shalt  }
0x5b: {  	_ =	shalt  }
0x5c: {  	_ =	shalt  }
0x5d: {  	_ =	shalt  }
0x5e: {  	_ =	shalt  }
0x5f: {  	_ =	shalt  }
0x60: {  	_ =	shalt  }
0x61: {  	_ =	shalt  }
0x62: {  	_ =	shalt  }
0x63: {  	_ =	shalt  }
0x64: {  	_ =	shalt  }
0x65: {  	_ =	shalt  }
0x66: {  	_ =	shalt  }
0x67: {  	_ =	shalt  }
0x68: {  	_ =	shalt  }
0x69: {  	_ =	shalt  }
0x6a: {  	_ =	shalt  }
0x6b: {  	_ =	shalt  }
0x6c: {  	_ =	shalt  }
0x6d: {  	_ =	shalt  }
0x6e: {  	_ =	shalt  }
0x6f: {  	_ =	shalt  }
0x70: {  	_ =	shalt  }
0x71: {  	_ =	shalt  }
0x72: {  	_ =	shalt  }
0x73: {  	_ =	shalt  }
0x74: {  	_ =	shalt  }
0x75: {  	_ =	shalt  }
0x76: {  	_ =	shalt  }
0x77: {  	_ =	shalt  }
0x78: {  	_ =	shalt  }
0x79: {  	_ =	shalt  }
0x7a: {  	_ =	shalt  }
0x7b: {  	_ =	shalt  }
0x7c: {  	_ =	shalt  }
0x7d: {  	_ =	shalt  }
0x7e: {  	_ =	shalt  }
0x7f: {  	_ =	shalt  }
0x80: {  	_ =	shalt  }
0x81: {  	_ =	shalt  }
0x82: {  	_ =	shalt  }
0x83: {  	_ =	shalt  }
0x84: {  	_ =	shalt  }
0x85: {  	_ =	shalt  }
0x86: {  	_ =	shalt  }
0x87: {  	_ =	shalt  }
.Lfunc_end0:
.L_simem_size_0:
called_computation.1_lowered:
.L_overlay_start_0:
0x88: {  	s2 =	sld [smem:$0x3FD9]  }
0x89: {  	s3 =	sld [smem:$0x3FFE];
	_ =	sdelay $0x1  }
0x8a: {  	s1 =	srdreg.scid  }
0x8b: {  	s0 =	sand.u32 $0x1, s1  }
0x8c: {  	s17 =	sshll.u32 s0, $0xA;
	s2 =	sadd.s32 s3, s2  }
0x8d: {  	s2 =	sadd.s32 s2, s17  }
0x8e: {  	[smem:$0x3FC1] =	sst s2  }
0x8f: {  	_ = 	snop  }
0x90: {  	s2 =	sld [smem:$0x3FD0];
	(tm) =	ssettm $0x1  }
0x91: {  	s18 =	sld [smem:$0x3FFB];
	_ =	sdelay $0x3  }
0x92: {  	_ =	strace s18  }
0x93: {  	s3 =	sld [smem:$0x3FFC];
	_ =	sdelay $0x3  }
0x94: {  	_ =	strace s3  }
0x95: {  	s3 =	sld [smem:$0x3FFD];
	_ =	sdelay $0x3  }
0x96: {  	_ =	strace s3  }
0x97: {  	_ =	strace $0x8FFFFFFF  }
0x98: {  	s19 =	sld [smem:$0x3FDB];
	_ =	sdelay $0x1  }
0x99: {  	s4 =	simm.s32 $_scs_section_size  }
0x9a: {  	s5 =	simm.s32 $_size__tile_overlayer_lowered;
	s6 =	simm.s32 $_tile_overlayer_lowered  }
0x9b: {  	s22 =	simm.s32 $0x1BFF;
	s21 =	sshll.u32 s6, $0x1;
	s3 =	sadd.s32 s4, s19  }
0x9c: {  	s7 =	simm.s32 $0x0;
	s20 =	sshll.u32 s5, $0x1;
	s5 =	sadd.s32 s21, s3  }
0x9d: {  	[timem:s7], [sflag:s22] =	dma.local [hbm:s5], s20  }
0x9e: {  	_ =	swait.ge [sflag:s22], s20  }
0x9f: {  	s4 =	ssub.s32 $0x0, s20;
	[sflag:s22] =	ssyncset.done $0x0  }
0xa0: {  	[sflag:s22] =	ssyncadd.s32 s4;
	_ =	sdelay $0x1  }
0xa1: {  	s23 =	simm.s32 $0x1B8B  }
0xa2: {  	_ =	swait.ge [sflag:s23], $0x1  }
0xa3: {  	[sflag:s23] =	ssyncset.done $0x0  }
0xa4: {  	s25 =	simm.s32 $0x1B8E;
	s24 =	sld [smem:$0x3FFE];
	[sflag:s23] =	ssyncadd.s32 $0xFFFFFFFF  }
0xa5: {  	s26 =	simm.s32 $execute0_lowered;
	[smem:$0x3FD2] =	sst s25  }
0xa6: {  	s5 =	sshll.u32 s26, $0x1;
	_ =	strace $0x80000049;
	[dreg:$0x1] =	wrdreg $0xFFFFFFFF  }
0xa7: {  	s28 =	simm.s32 $_size_execute0_lowered;
	s3 =	sadd.s32 s3, s5;
	[dreg:$0x0] =	wrdreg $0x0  }
0xa8: {  	s5 =	sshll.u32 s28, $0x1;
	[dreg:$0x2] =	wrdreg s3  }
0xa9: {  	[dreg:$0x3] =	wrdreg s5  }
0xaa: {  	[dreg:$0x4] =	wrdreg $0xC0  }
0xab: {  	_ =	task [dreg:s7], $0x5FFFF  }
0xac: {  	[dreg:$0x1] =	wrdreg $0xFFFFFFFF  }
0xad: {  	[dreg:$0x0] =	wrdreg $0x60  }
0xae: {  	[dreg:$0x2] =	wrdreg s24  }
0xaf: {  	[dreg:$0x3] =	wrdreg s2  }
0xb0: {  	[dreg:$0x4] =	wrdreg $0x0  }
0xb1: {  	[dreg:$0x5] =	wrdreg $0x9  }
0xb2: {  	_ =	task.clear_ibuf [dreg:s7], $0x6FFFF;
	_ =	strace $0x90000049  }
0xb3: {  	s29 =	simm.s32 $0x9;
	_ =	strace $0x8000004B  }
0xb4: {  	_ =	swait.ge [sflag:s29], $0x1  }
0xb5: {  	[sflag:s29] =	ssyncadd.s32 $0xFFFFFFFF  }
0xb6: {  	_ =	strace $0x9000004B  }
0xb7: {  	_ =	sfence  }
0xb8: {  	s30 =	sld [smem:$0x0];
	_ =	sdelay $0x2  }
0xb9: {  	s31 =	sshll.u32 s1, $0xD;
	s1 =	sshrl.u32 s1, $0x2  }
0xba: {  	s3 =	sand.u32 $0x4000, s31;
	s1 =	sadd.s32 s1, s30  }
0xbb: {  	s0 =	sor.u32 s3, s0;
	s1 =	sshll.u32 s1, $0x11  }
0xbc: {  	s0 =	sor.u32 s1, s0  }
0xbd: {  	s0 =	sadd.s32 $0x8F2B, s0  }
0xbe: {  	[sflag:s0] =	ssyncadd.remote.s32 $0x1  }
0xbf: {  	_ =	sfence.sel $0xFFFF  }
0xc0: {  	[dreg:$0x0] =	wrdreg $0xFFFFFFFF;
	(pc) =	sbr.abs _section_cstart, $3  }
0xc1: {  	[dreg:$0x1] =	wrdreg $0xFFFFFFFF  }
0xc2: {  	_ =	task.clear_ibuf [dreg:s7], $0x2FFFF;
	_ =	strace $0x9FFFFFFF  }
0xc3: {  	(tm) =	ssettm $0x7FFFFFFF  }
tec
execute0_lowered:
.L_overlay_start_1:
0x0: {  	(tag) =	ssettag $0x1  }
0x1: {  	s0 =	rddreg [dreg:$0x0]  }
0x2: {  	s3 =	rddreg [dreg:$0x1]  }
0x3: {  	s1 =	rddreg [dreg:$0x2];
	s2 =	simm.s32 $0x0;
	s4 =	srdreg.scid  }
0x4: {  	s14 =	stileid.u32;
	s28 =	simm.s32 $0x14200;
	s29 =	simm.s32 $0x5  }
0x5: {  	s30 =	simm.s32 $0x14000;
	s31 =	simm.s32 $0x14100;
	[smem:$0x7FF] =	sst s2  }
0x6: {  	s6 =	sand.u32 $0x1, s4;
	s4 =	sadd.s32 $0xB800, s0;
	s8 =	smul.u32 $0x50000, s14  }
0x7: {  	s9 =	sadd.s32 $0x1A00, s0;
	s10 =	smul.u32 $0x4500, s14;
	s23 =	sshll.u32 s14, $0x8  }
0x8: {  	s18 =	smul.u32 $0xA00, s14;
	p1 =	seq.s32 s14, $0xF;
	_ =	strace $0x8000004A  }
0x9: {  	s5 =	smul.u32 $0x27100, s6;
	s7 =	ssub.s32 $0x2, s6;
	s25 =	sand.u32 $0x300, s23  }
0xa: {  	p0 =	seq.s32 s6, $0x1;
	s21 =	sshrl.u32 s7, $0x1;
	s22 =	sshrl.u32 s8, $0x2  }
0xb: {  	s24 =	sand.u32 $0x7FC00, s10;
	s0 =	sadd.s32 s5, s0;
	s5 =	sadd.s32 s22, s1  }
0xc: {  	s11 =	ssub.s32 s7, s21;
	s10 =	sor.u32 s25, s24;
	s26 =	sadd.s32 $0x4000, s5  }
0xd: {  	s21 =	smul.u32 $0x4F000, s14;
	s12 =	sadd.s32 $0x8000, s5;
	[dreg:$0x4] =	wrdreg s26  }
0xe: {  	s13 =	sadd.s32 $0xC000, s5;
	s15 =	sshrl.u32 s10, $0x3;
	[dreg:$0x5] =	wrdreg s12  }
0xf: {  	[dreg:$0x6] =	wrdreg s13;
	s16 =	sadd.s32 s9, s15;
	s10 =	sor.u32 $0x10, s15  }
0x10: {  	s12 =	smul.u32 $0x140, s14;
	s6 =	sadd.s32 s3, s15;
	s13 =	sshll.u32 s14, $0x6  }
0x11: {  	s25 =	sshrl.u32 s21, $0x2;
	s26 =	smul.u32 $0x8A0, s14;
	[dreg:$0x7] =	wrdreg s16  }
0x12: {  	s15 =	simm.s32 $0x2;
	[dreg:$0x8] =	wrdreg s6;
	s17 =	sadd.s32 s9, s10  }
0x13: {  	s19 =	sadd.s32 s3, s10;
	s13 =	sand.u32 $0x40, s13;
	[dreg:$0x9] =	wrdreg s17  }
0x14: {  	s6 =	sshrl.u32 s18, $0x3;
	s16 =	simm.s32 $0x0;
	[dreg:$0xa] =	wrdreg s19  }
0x15: {  	s20 =	sadd.s32 $0x8A00, s12;
	s6 =	sadd.s32 $0x8A10, s6;
	s17 =	sadd.s32 $0x32A00, s0  }
0x16: {  	s0 =	sadd.s32 s25, s1;
	s18 =	sadd.s32 s26, s9;
	s19 =	sadd.s32 s26, s3  }
0x17: {  	s21 =	sadd.s32 s12, s3;
	s26 =	sadd.s32 $0x10000, s5;
	s10 =	sand.u32 $0xBF80, s20  }
0x18: {  	s24 =	sadd.s32 s9, s6;
	s6 =	sadd.s32 s3, s6;
	s20 =	sadd.s32 s12, s9  }
0x19: {  	s25 =	sshrl.u32 @!p1 s0, $0x3;
	s0 =	simm.s32 $0x80;
	s12 =	simm.s32 $0x18200  }
0x1a: {  	s10 =	sor.u32 s13, s10;
	[dreg:$0xe] =	wrdreg s6;
	s6 =	smul.u32 $0x2780, s14  }
.Ltmp0:
0x1b: {  	[dreg:$0xd] =	wrdreg s24;
	s13 =	simm.s32 $0x1;
	(pc) =	sbr.rel .LBB2_1-.Ltmp0, $4  }
0x1c: {  	s14 =	simm.s32 $0x3;
	s22 =	sadd.s32 s9, s10;
	s23 =	sadd.s32 s3, s10  }
0x1d: {  	s3 =	sadd.s32 $0x128400, s1;
	s9 =	simm.s32 $0x14080;
	[dreg:$0xb] =	wrdreg s22  }
0x1e: {  	s10 =	simm.s32 $0x14180;
	[dreg:$0xc] =	wrdreg s23;
	s22 =	smax.u32 s11, $0x1  }
0x1f: {  	v0 =	vimm.f32 $0.0e+00;
	s23 =	sshrl.u32 @p1 s3, $0x3;
	s24 =	sadd.s32 @!p1 s6, s17;
	s11 =	simm.s32 $0x4  }
.LBB2_6:
0x20: {  	[tilespmem:s10], [sflag:$0x4] =	stream.linear.gather [hbm4b:s6+s2], $0x80, $0x38;
	[tilespmem:$0x1C200] =	vst v63  }
.LBB2_10:
0x21: {  	_ =	swait.ge [sflag:s11], $0x80  }
0x22: {  	[sflag:s11] =	ssyncset.done $0x0  }
0x23: {  	[sflag:s11] =	ssyncadd.s32 $0xFFFFFF80  }
0x24: {  	_ =	swait.ge [sflag:s11], $0x80  }
0x25: {  	[sflag:s11] =	ssyncset.done $0x0  }
0x26: {  	[sflag:s11] =	ssyncadd.s32 $0xFFFFFF80  }
0x27: {  	[tilespmem:s12], [sflag:$0x2] =	stream.indirect.gather [hbm4b:s4+s0], $0x80, s9, s0, $0xb8;
	[tilespmem:$0x1C200] =	vst v63  }
0x28: {  	_ =	swait.ge [sflag:s13], $0x4000  }
0x29: {  	[sflag:s13] =	ssyncset.done $0x0  }
0x2a: {  	[sflag:s13] =	ssyncadd.s32 $0xFFFFC000  }
0x2b: {  	[spmem:s1] =	stream.indirect.scatter.add.f32 [tilespmem:s28], [sflag:$0x5], $0x80, s31, s0, $0xb8;
	[tilespmem:$0x1C200] =	vst v63  }
0x2c: {  	_ =	swait.ge [sflag:s29], $0x4000  }
0x2d: {  	[sflag:s29] =	ssyncset.done $0x0  }
0x2e: {  	[sflag:s29] =	ssyncadd.s32 $0xFFFFC000  }
0x2f: {  	_ =	swait.ge [sflag:s15], $0x4000  }
0x30: {  	[sflag:s15] =	ssyncset.done $0x0  }
0x31: {  	[sflag:s15] =	ssyncadd.s32 $0xFFFFC000  }
0x32: {  	[spmem:s1] =	stream.indirect.scatter.add.f32 [tilespmem:s12], [sflag:$0x5], $0x80, s10, s0, $0xb8;
	[tilespmem:$0x1C200] =	vst v63  }
0x33: {  	_ =	swait.ge [sflag:s29], $0x4000  }
0x34: {  	[sflag:s29] =	ssyncset.done $0x0  }
0x35: {  	[sflag:s29] =	ssyncadd.s32 $0xFFFFC000  }
0x36: {  	s3 =	sadd.s32 @p1 $0x25080, s17;
	s6 =	simm.s32 @p1 $0x1FC5;
	[bflag:$0x0] =	sbarrier.arrive $0xFFFF  }
0x37: {  	[hbm:s3], [sflag:s6] =	dma.local @p1 [spmem:s23], $0x2080  }
0x38: {  	s3 =	simm.s32 @p1 $0x5  }
0x39: {  	s6 =	stileid.u32;
	_ =	swait.ge @p1 [sflag:s3], $0x2080  }
0x3a: {  	s16 =	sadd.s32 $0x1, s16;
	s6 =	sshll.u32 @!p1 s6, $0x6;
	[sflag:s3] =	ssyncset.done @p1 $0x0  }
0x3b: {  	p2 =	sne.s32 s16, s22;
	[sflag:s3] =	ssyncadd.s32 @p1 $0xFFFFDF80;
	s3 =	sor.u32 @!p1 $0x1C05, s6  }
0x3c: {  	[hbm:s24], [sflag:s3] =	dma.local @!p1 [spmem:s25], $0x2780  }
.Ltmp1:
0x3d: {  	_ = 	snop;
	(pc) =	sbr.rel @!p2 .LBB2_11-.Ltmp1, $4  }
0x3e: {  	s3 =	simm.s32 @!p1 $0x5  }
0x3f: {  	_ =	swait.ge @!p1 [sflag:s3], $0x2780  }
0x40: {  	[sflag:s3] =	ssyncset.done @!p1 $0x0  }
0x41: {  	[sflag:s3] =	ssyncadd.s32 @!p1 $0xFFFFD880  }
.LBB2_1:
0x42: {  	s3 =	simm.s32 $0x0;
	s6 =	simm.s32 $0x200  }
.LBB2_2:
0x43: {  	p2 =	sne.s32 s6, $0xFE00;
	[tilespmem:s3+$0x14270] =	vst v0  }
0x44: {  	[tilespmem:s3+$0x14200] =	vst v0  }
0x45: {  	[tilespmem:s3+$0x14210] =	vst v0  }
.Ltmp2:
0x46: {  	[tilespmem:s3+$0x14220] =	vst v0;
	(pc) =	sbr.rel @p2 .LBB2_2-.Ltmp2, $4  }
0x47: {  	[tilespmem:s3+$0x14230] =	vst v0  }
0x48: {  	[tilespmem:s3+$0x14240] =	vst v0  }
0x49: {  	[tilespmem:s3+$0x14250] =	vst v0  }
0x4a: {  	[tilespmem:s3+$0x14260] =	vst v0;
	s3 =	sshra.s32 s6, $0x2;
	s6 =	sadd.s32 $0x200, s6  }
0x4b: {  	[tilespmem:s3+$0x14270] =	vst v0  }
0x4c: {  	[tilespmem:s3+$0x14200] =	vst v0  }
0x4d: {  	[tilespmem:s3+$0x14210] =	vst v0  }
0x4e: {  	[tilespmem:s3+$0x14220] =	vst v0  }
0x4f: {  	[tilespmem:s3+$0x14230] =	vst v0  }
0x50: {  	[tilespmem:s3+$0x14240] =	vst v0  }
0x51: {  	[tilespmem:s3+$0x14250] =	vst v0  }
0x52: {  	[tilespmem:s3+$0x14260] =	vst v0  }
0x53: {  	[spmem:s5] =	stream.linear.scatter [tilespmem:s28], [sflag:$0x5], $0x4000, $0x38;
	[tilespmem:$0x1C200] =	vst v63  }
0x54: {  	_ =	swait.ge [sflag:s29], $0x4000  }
0x55: {  	[sflag:s29] =	ssyncset.done $0x0  }
0x56: {  	s6 =	rddreg [dreg:$0x4];
	[sflag:s29] =	ssyncadd.s32 $0xFFFFC000  }
0x57: {  	[spmem:s6] =	stream.linear.scatter [tilespmem:s28], [sflag:$0x5], $0x4000, $0x38;
	[tilespmem:$0x1C200] =	vst v63  }
0x58: {  	_ =	swait.ge [sflag:s29], $0x4000  }
0x59: {  	[sflag:s29] =	ssyncset.done $0x0  }
0x5a: {  	s7 =	rddreg [dreg:$0x5];
	[sflag:s29] =	ssyncadd.s32 $0xFFFFC000  }
0x5b: {  	[spmem:s7] =	stream.linear.scatter [tilespmem:s28], [sflag:$0x5], $0x4000, $0x38;
	[tilespmem:$0x1C200] =	vst v63  }
0x5c: {  	_ =	swait.ge [sflag:s29], $0x4000  }
0x5d: {  	[sflag:s29] =	ssyncset.done $0x0  }
0x5e: {  	s8 =	rddreg [dreg:$0x6];
	[sflag:s29] =	ssyncadd.s32 $0xFFFFC000  }
0x5f: {  	[spmem:s8] =	stream.linear.scatter [tilespmem:s28], [sflag:$0x5], $0x4000, $0x38;
	[tilespmem:$0x1C200] =	vst v63  }
0x60: {  	_ =	swait.ge [sflag:s29], $0x4000  }
0x61: {  	[sflag:s29] =	ssyncset.done $0x0  }
0x62: {  	[sflag:s29] =	ssyncadd.s32 $0xFFFFC000  }
0x63: {  	[spmem:s26] =	stream.linear.scatter [tilespmem:s28], [sflag:$0x5], $0x4000, $0x38;
	[tilespmem:$0x1C200] =	vst v63  }
.Ltmp3:
0x64: {  	_ =	swait.ge [sflag:s29], $0x4000;
	(pc) =	sbr.rel @!p0 .LBB2_4-.Ltmp3, $3  }
0x65: {  	[sflag:s29] =	ssyncset.done $0x0  }
0x66: {  	[sflag:s29] =	ssyncadd.s32 $0xFFFFC000  }
0x67: {  	[bflag:$0x0] =	sbarrier.arrive $0xFFFF;
	_ =	sdelay $0x1  }
0x68: {  	s3 =	rddreg [dreg:$0xb]  }
0x69: {  	[tilespmem:s30], [sflag:$0x5] =	stream.linear.gather [hbm4b:s3+s2], $0x80, $0x38;
	[tilespmem:$0x1C200] =	vst v63  }
0x6a: {  	_ =	swait.ge [sflag:s29], $0x80  }
0x6b: {  	[sflag:s29] =	ssyncset.done $0x0  }
0x6c: {  	s8 =	rddreg [dreg:$0xc];
	[sflag:s29] =	ssyncadd.s32 $0xFFFFFF80  }
0x6d: {  	[tilespmem:s31], [sflag:$0x5] =	stream.linear.gather [hbm4b:s8+s2], $0x80, $0x38;
	[tilespmem:$0x1C200] =	vst v63  }
0x6e: {  	_ =	swait.ge [sflag:s29], $0x80  }
0x6f: {  	[sflag:s29] =	ssyncset.done $0x0  }
0x70: {  	[sflag:s29] =	ssyncadd.s32 $0xFFFFFF80  }
0x71: {  	[tilespmem:s28], [sflag:$0x1] =	stream.indirect.gather [hbm4b:s4+s0], $0x80, s30, s0, $0xb8;
	[tilespmem:$0x1C200] =	vst v63  }
0x72: {  	s6 =	rddreg [dreg:$0xd]  }
0x73: {  	[tilespmem:s9], [sflag:$0x4] =	stream.linear.gather [hbm4b:s6+s2], $0x80, $0x38;
	[tilespmem:$0x1C200] =	vst v63  }
0x74: {  	s7 =	rddreg [dreg:$0xe]  }
0x75: {  	[tilespmem:s10], [sflag:$0x4] =	stream.linear.gather [hbm4b:s7+s2], $0x80, $0x38;
	[tilespmem:$0x1C200] =	vst v63  }
0x76: {  	_ =	swait.ge [sflag:s11], $0x80  }
0x77: {  	[sflag:s11] =	ssyncset.done $0x0  }
0x78: {  	[sflag:s11] =	ssyncadd.s32 $0xFFFFFF80  }
0x79: {  	_ =	swait.ge [sflag:s11], $0x80  }
0x7a: {  	[sflag:s11] =	ssyncset.done $0x0  }
0x7b: {  	[sflag:s11] =	ssyncadd.s32 $0xFFFFFF80  }
0x7c: {  	[tilespmem:s12], [sflag:$0x2] =	stream.indirect.gather [hbm4b:s4+s0], $0x80, s9, s0, $0xb8;
	[tilespmem:$0x1C200] =	vst v63  }
0x7d: {  	_ =	swait.ge [sflag:s13], $0x4000  }
0x7e: {  	s3 =	sadd.s32 $0xFFFFFEE0, s20;
	[sflag:s13] =	ssyncset.done $0x0  }
0x7f: {  	s6 =	sadd.s32 $0x8B40, s3;
	[sflag:s13] =	ssyncadd.s32 $0xFFFFC000  }
0x80: {  	[tilespmem:s30], [sflag:$0x3] =	stream.linear.gather [hbm4b:s6+s2], $0x80, $0x38;
	[tilespmem:$0x1C200] =	vst v63  }
0x81: {  	_ = 	snop  }
0x82: {  	[spmem:s1] =	stream.indirect.scatter.add.f32 [tilespmem:s28], [sflag:$0x5], $0x80, s31, s0, $0xb8;
	[tilespmem:$0x1C200] =	vst v63  }
0x83: {  	_ =	swait.ge [sflag:s29], $0x4000  }
0x84: {  	s8 =	sadd.s32 $0xFFFFFEE0, s21;
	[sflag:s29] =	ssyncset.done $0x0  }
0x85: {  	s7 =	sadd.s32 $0x8B40, s8;
	[sflag:s29] =	ssyncadd.s32 $0xFFFFC000  }
0x86: {  	[tilespmem:s31], [sflag:$0x3] =	stream.linear.gather [hbm4b:s7+s2], $0x80, $0x38;
	[tilespmem:$0x1C200] =	vst v63  }
0x87: {  	_ =	swait.ge [sflag:s14], $0x80  }
0x88: {  	[sflag:s14] =	ssyncset.done $0x0  }
0x89: {  	[sflag:s14] =	ssyncadd.s32 $0xFFFFFF80  }
0x8a: {  	_ =	swait.ge [sflag:s14], $0x80  }
0x8b: {  	[sflag:s14] =	ssyncset.done $0x0  }
0x8c: {  	[sflag:s14] =	ssyncadd.s32 $0xFFFFFF80  }
0x8d: {  	[tilespmem:s28], [sflag:$0x1] =	stream.indirect.gather [hbm4b:s4+s0], $0x80, s30, s0, $0xb8;
	[tilespmem:$0x1C200] =	vst v63  }
0x8e: {  	_ =	swait.ge [sflag:s15], $0x4000  }
0x8f: {  	[sflag:s15] =	ssyncset.done $0x0  }
0x90: {  	s3 =	sadd.s32 $0x8B50, s3;
	[sflag:s15] =	ssyncadd.s32 $0xFFFFC000  }
0x91: {  	[tilespmem:s9], [sflag:$0x4] =	stream.linear.gather [hbm4b:s3+s2], $0x80, $0x38;
	[tilespmem:$0x1C200] =	vst v63  }
0x92: {  	_ = 	snop  }
0x93: {  	[spmem:s1] =	stream.indirect.scatter.add.f32 [tilespmem:s12], [sflag:$0x5], $0x80, s10, s0, $0xb8;
	[tilespmem:$0x1C200] =	vst v63  }
0x94: {  	_ =	swait.ge [sflag:s29], $0x4000  }
0x95: {  	[sflag:s29] =	ssyncset.done $0x0  }
0x96: {  	s6 =	sadd.s32 $0x8B50, s8;
	s3 =	simm.s32 $0xFFFFFF00;
	[sflag:s29] =	ssyncadd.s32 $0xFFFFC000  }
.LBB2_8:
0x97: {  	[tilespmem:s10], [sflag:$0x4] =	stream.linear.gather [hbm4b:s6+s2], $0x80, $0x38;
	[tilespmem:$0x1C200] =	vst v63  }
0x98: {  	s6 =	smov.u32 s3  }
0x99: {  	p2 =	sne.s32 s3, $0xFFFFFFE0;
	s3 =	sadd.s32 $0x20, s3;
	_ =	swait.ge [sflag:s11], $0x80  }
0x9a: {  	[sflag:s11] =	ssyncset.done $0x0  }
0x9b: {  	[sflag:s11] =	ssyncadd.s32 $0xFFFFFF80  }
0x9c: {  	_ =	swait.ge [sflag:s11], $0x80  }
0x9d: {  	[sflag:s11] =	ssyncset.done $0x0  }
0x9e: {  	[sflag:s11] =	ssyncadd.s32 $0xFFFFFF80  }
0x9f: {  	[tilespmem:s12], [sflag:$0x2] =	stream.indirect.gather [hbm4b:s4+s0], $0x80, s9, s0, $0xb8;
	[tilespmem:$0x1C200] =	vst v63  }
0xa0: {  	_ =	swait.ge [sflag:s13], $0x4000  }
0xa1: {  	s7 =	sadd.s32 s6, s20;
	[sflag:s13] =	ssyncset.done $0x0  }
0xa2: {  	s8 =	sadd.s32 $0x8B40, s7;
	[sflag:s13] =	ssyncadd.s32 $0xFFFFC000  }
0xa3: {  	[tilespmem:s30], [sflag:$0x3] =	stream.linear.gather [hbm4b:s8+s2], $0x80, $0x38;
	[tilespmem:$0x1C200] =	vst v63  }
0xa4: {  	_ = 	snop  }
0xa5: {  	[spmem:s1] =	stream.indirect.scatter.add.f32 [tilespmem:s28], [sflag:$0x5], $0x80, s31, s0, $0xb8;
	[tilespmem:$0x1C200] =	vst v63  }
0xa6: {  	_ =	swait.ge [sflag:s29], $0x4000  }
0xa7: {  	s6 =	sadd.s32 s6, s21;
	[sflag:s29] =	ssyncset.done $0x0  }
0xa8: {  	s8 =	sadd.s32 $0x8B40, s6;
	[sflag:s29] =	ssyncadd.s32 $0xFFFFC000  }
0xa9: {  	[tilespmem:s31], [sflag:$0x3] =	stream.linear.gather [hbm4b:s8+s2], $0x80, $0x38;
	[tilespmem:$0x1C200] =	vst v63  }
0xaa: {  	_ =	swait.ge [sflag:s14], $0x80  }
0xab: {  	[sflag:s14] =	ssyncset.done $0x0  }
0xac: {  	[sflag:s14] =	ssyncadd.s32 $0xFFFFFF80  }
0xad: {  	_ =	swait.ge [sflag:s14], $0x80  }
0xae: {  	[sflag:s14] =	ssyncset.done $0x0  }
0xaf: {  	[sflag:s14] =	ssyncadd.s32 $0xFFFFFF80  }
0xb0: {  	[tilespmem:s28], [sflag:$0x1] =	stream.indirect.gather [hbm4b:s4+s0], $0x80, s30, s0, $0xb8;
	[tilespmem:$0x1C200] =	vst v63  }
0xb1: {  	_ =	swait.ge [sflag:s15], $0x4000  }
0xb2: {  	[sflag:s15] =	ssyncset.done $0x0  }
0xb3: {  	s7 =	sadd.s32 $0x8B50, s7;
	[sflag:s15] =	ssyncadd.s32 $0xFFFFC000  }
0xb4: {  	[tilespmem:s9], [sflag:$0x4] =	stream.linear.gather [hbm4b:s7+s2], $0x80, $0x38;
	[tilespmem:$0x1C200] =	vst v63  }
.Ltmp4:
0xb5: {  	(pc) =	sbr.rel @p2 .LBB2_8-.Ltmp4, $4  }
0xb6: {  	[spmem:s1] =	stream.indirect.scatter.add.f32 [tilespmem:s12], [sflag:$0x5], $0x80, s10, s0, $0xb8;
	[tilespmem:$0x1C200] =	vst v63  }
0xb7: {  	_ =	swait.ge [sflag:s29], $0x4000  }
0xb8: {  	[sflag:s29] =	ssyncset.done $0x0  }
0xb9: {  	s6 =	sadd.s32 $0x8B50, s6;
	[sflag:s29] =	ssyncadd.s32 $0xFFFFC000  }
.Ltmp5:
0xba: {  	(pc) =	sbr.rel .LBB2_10-.Ltmp5, $2  }
0xbb: {  	_ =	sdelay $0x2  }
0xbc: {  	[tilespmem:s10], [sflag:$0x4] =	stream.linear.gather [hbm4b:s6+s2], $0x80, $0x38;
	[tilespmem:$0x1C200] =	vst v63  }
.LBB2_4:
0xbd: {  	s3 =	rddreg [dreg:$0x7]  }
0xbe: {  	[tilespmem:s30], [sflag:$0x5] =	stream.linear.gather [hbm4b:s3+s2], $0x80, $0x38;
	[tilespmem:$0x1C200] =	vst v63  }
0xbf: {  	_ =	swait.ge [sflag:s29], $0x80  }
0xc0: {  	[sflag:s29] =	ssyncset.done $0x0  }
0xc1: {  	s8 =	rddreg [dreg:$0x8];
	[sflag:s29] =	ssyncadd.s32 $0xFFFFFF80  }
0xc2: {  	[tilespmem:s31], [sflag:$0x5] =	stream.linear.gather [hbm4b:s8+s2], $0x80, $0x38;
	[tilespmem:$0x1C200] =	vst v63  }
0xc3: {  	_ =	swait.ge [sflag:s29], $0x80  }
0xc4: {  	[sflag:s29] =	ssyncset.done $0x0  }
0xc5: {  	[sflag:s29] =	ssyncadd.s32 $0xFFFFFF80  }
0xc6: {  	[tilespmem:s28], [sflag:$0x1] =	stream.indirect.gather [hbm4b:s4+s0], $0x80, s30, s0, $0xb8;
	[tilespmem:$0x1C200] =	vst v63  }
0xc7: {  	s6 =	rddreg [dreg:$0x9]  }
0xc8: {  	[tilespmem:s9], [sflag:$0x4] =	stream.linear.gather [hbm4b:s6+s2], $0x80, $0x38;
	[tilespmem:$0x1C200] =	vst v63  }
0xc9: {  	s7 =	rddreg [dreg:$0xa]  }
0xca: {  	[tilespmem:s10], [sflag:$0x4] =	stream.linear.gather [hbm4b:s7+s2], $0x80, $0x38;
	[tilespmem:$0x1C200] =	vst v63  }
0xcb: {  	_ =	swait.ge [sflag:s11], $0x80  }
0xcc: {  	[sflag:s11] =	ssyncset.done $0x0  }
0xcd: {  	[sflag:s11] =	ssyncadd.s32 $0xFFFFFF80  }
0xce: {  	_ =	swait.ge [sflag:s11], $0x80  }
0xcf: {  	[sflag:s11] =	ssyncset.done $0x0  }
0xd0: {  	[sflag:s11] =	ssyncadd.s32 $0xFFFFFF80  }
0xd1: {  	[tilespmem:s12], [sflag:$0x2] =	stream.indirect.gather [hbm4b:s4+s0], $0x80, s9, s0, $0xb8;
	[tilespmem:$0x1C200] =	vst v63  }
0xd2: {  	_ =	swait.ge [sflag:s13], $0x4000  }
0xd3: {  	s3 =	sadd.s32 $0xFFFFF780, s18;
	[sflag:s13] =	ssyncset.done $0x0  }
0xd4: {  	s6 =	sadd.s32 $0x8A0, s3;
	[sflag:s13] =	ssyncadd.s32 $0xFFFFC000  }
0xd5: {  	[tilespmem:s30], [sflag:$0x3] =	stream.linear.gather [hbm4b:s6+s2], $0x80, $0x38;
	[tilespmem:$0x1C200] =	vst v63  }
0xd6: {  	_ = 	snop  }
0xd7: {  	[spmem:s1] =	stream.indirect.scatter.add.f32 [tilespmem:s28], [sflag:$0x5], $0x80, s31, s0, $0xb8;
	[tilespmem:$0x1C200] =	vst v63  }
0xd8: {  	_ =	swait.ge [sflag:s29], $0x4000  }
0xd9: {  	s8 =	sadd.s32 $0xFFFFF780, s19;
	[sflag:s29] =	ssyncset.done $0x0  }
0xda: {  	s7 =	sadd.s32 $0x8A0, s8;
	[sflag:s29] =	ssyncadd.s32 $0xFFFFC000  }
0xdb: {  	[tilespmem:s31], [sflag:$0x3] =	stream.linear.gather [hbm4b:s7+s2], $0x80, $0x38;
	[tilespmem:$0x1C200] =	vst v63  }
0xdc: {  	_ =	swait.ge [sflag:s14], $0x80  }
0xdd: {  	[sflag:s14] =	ssyncset.done $0x0  }
0xde: {  	[sflag:s14] =	ssyncadd.s32 $0xFFFFFF80  }
0xdf: {  	_ =	swait.ge [sflag:s14], $0x80  }
0xe0: {  	[sflag:s14] =	ssyncset.done $0x0  }
0xe1: {  	[sflag:s14] =	ssyncadd.s32 $0xFFFFFF80  }
0xe2: {  	[tilespmem:s28], [sflag:$0x1] =	stream.indirect.gather [hbm4b:s4+s0], $0x80, s30, s0, $0xb8;
	[tilespmem:$0x1C200] =	vst v63  }
0xe3: {  	_ =	swait.ge [sflag:s15], $0x4000  }
0xe4: {  	[sflag:s15] =	ssyncset.done $0x0  }
0xe5: {  	s3 =	sadd.s32 $0x8B0, s3;
	[sflag:s15] =	ssyncadd.s32 $0xFFFFC000  }
0xe6: {  	[tilespmem:s9], [sflag:$0x4] =	stream.linear.gather [hbm4b:s3+s2], $0x80, $0x38;
	[tilespmem:$0x1C200] =	vst v63  }
0xe7: {  	_ = 	snop  }
0xe8: {  	[spmem:s1] =	stream.indirect.scatter.add.f32 [tilespmem:s12], [sflag:$0x5], $0x80, s10, s0, $0xb8;
	[tilespmem:$0x1C200] =	vst v63  }
0xe9: {  	_ =	swait.ge [sflag:s29], $0x4000  }
0xea: {  	[sflag:s29] =	ssyncset.done $0x0  }
0xeb: {  	s6 =	sadd.s32 $0x8B0, s8;
	s3 =	simm.s32 $0xFFFFF7A0;
	[sflag:s29] =	ssyncadd.s32 $0xFFFFC000  }
.LBB2_5:
0xec: {  	[tilespmem:s10], [sflag:$0x4] =	stream.linear.gather [hbm4b:s6+s2], $0x80, $0x38;
	[tilespmem:$0x1C200] =	vst v63  }
0xed: {  	s6 =	smov.u32 s3  }
0xee: {  	p2 =	seq.s32 s3, $0xFFFFFFE0;
	s3 =	sadd.s32 $0x20, s3;
	_ =	swait.ge [sflag:s11], $0x80  }
0xef: {  	[sflag:s11] =	ssyncset.done $0x0  }
0xf0: {  	[sflag:s11] =	ssyncadd.s32 $0xFFFFFF80  }
0xf1: {  	_ =	swait.ge [sflag:s11], $0x80  }
0xf2: {  	[sflag:s11] =	ssyncset.done $0x0  }
0xf3: {  	[sflag:s11] =	ssyncadd.s32 $0xFFFFFF80  }
0xf4: {  	[tilespmem:s12], [sflag:$0x2] =	stream.indirect.gather [hbm4b:s4+s0], $0x80, s9, s0, $0xb8;
	[tilespmem:$0x1C200] =	vst v63  }
0xf5: {  	_ =	swait.ge [sflag:s13], $0x4000  }
0xf6: {  	s7 =	sadd.s32 s6, s18;
	[sflag:s13] =	ssyncset.done $0x0  }
0xf7: {  	s8 =	sadd.s32 $0x8A0, s7;
	[sflag:s13] =	ssyncadd.s32 $0xFFFFC000  }
0xf8: {  	[tilespmem:s30], [sflag:$0x3] =	stream.linear.gather [hbm4b:s8+s2], $0x80, $0x38;
	[tilespmem:$0x1C200] =	vst v63  }
0xf9: {  	_ = 	snop  }
0xfa: {  	[spmem:s1] =	stream.indirect.scatter.add.f32 [tilespmem:s28], [sflag:$0x5], $0x80, s31, s0, $0xb8;
	[tilespmem:$0x1C200] =	vst v63  }
0xfb: {  	_ =	swait.ge [sflag:s29], $0x4000  }
0xfc: {  	s6 =	sadd.s32 s6, s19;
	[sflag:s29] =	ssyncset.done $0x0  }
0xfd: {  	s8 =	sadd.s32 $0x8A0, s6;
	[sflag:s29] =	ssyncadd.s32 $0xFFFFC000  }
0xfe: {  	[tilespmem:s31], [sflag:$0x3] =	stream.linear.gather [hbm4b:s8+s2], $0x80, $0x38;
	[tilespmem:$0x1C200] =	vst v63  }
0xff: {  	_ =	swait.ge [sflag:s14], $0x80  }
0x100: {  	[sflag:s14] =	ssyncset.done $0x0  }
0x101: {  	[sflag:s14] =	ssyncadd.s32 $0xFFFFFF80  }
0x102: {  	_ =	swait.ge [sflag:s14], $0x80  }
0x103: {  	[sflag:s14] =	ssyncset.done $0x0  }
0x104: {  	[sflag:s14] =	ssyncadd.s32 $0xFFFFFF80  }
0x105: {  	[tilespmem:s28], [sflag:$0x1] =	stream.indirect.gather [hbm4b:s4+s0], $0x80, s30, s0, $0xb8;
	[tilespmem:$0x1C200] =	vst v63  }
0x106: {  	_ =	swait.ge [sflag:s15], $0x4000  }
0x107: {  	[sflag:s15] =	ssyncset.done $0x0  }
0x108: {  	s7 =	sadd.s32 $0x8B0, s7;
	[sflag:s15] =	ssyncadd.s32 $0xFFFFC000  }
0x109: {  	[tilespmem:s9], [sflag:$0x4] =	stream.linear.gather [hbm4b:s7+s2], $0x80, $0x38;
	[tilespmem:$0x1C200] =	vst v63  }
.Ltmp6:
0x10a: {  	(pc) =	sbr.rel @!p2 .LBB2_5-.Ltmp6, $4  }
0x10b: {  	[spmem:s1] =	stream.indirect.scatter.add.f32 [tilespmem:s12], [sflag:$0x5], $0x80, s10, s0, $0xb8;
	[tilespmem:$0x1C200] =	vst v63  }
0x10c: {  	_ =	swait.ge [sflag:s29], $0x4000  }
0x10d: {  	[sflag:s29] =	ssyncset.done $0x0  }
0x10e: {  	s6 =	sadd.s32 $0x8B0, s6;
	[sflag:s29] =	ssyncadd.s32 $0xFFFFC000  }
.Ltmp7:
0x10f: {  	_ = 	snop;
	(pc) =	sbr.rel .LBB2_6-.Ltmp7, $1  }
0x110: {  	_ =	sdelay $0x3  }
.LBB2_11:
0x111: {  	_ =	sfence.sel $0x180000  }
0x112: {  	[bflag:$0x0] =	sbarrier.arrive $0xFFFF  }
0x113: {  	_ =	strace $0x9000004A  }
0x114: {  	s0 =	stileid.u32;
	[bflag:$0x2] =	sbarrier.arrive $0xFFFF  }
0x115: {  	p0 =	sne.s32 s0, $0x0;
	s0 =	rddreg [dreg:$0x3]  }
0x116: {  	s0 =	sadd.s32 @!p0 $0x100000, s0  }
0x117: {  	[sflag:s0] =	ssyncadd.tile.s32 @!p0 $0x1;
	_ =	shalt  }
.Lfunc_end2:
_tile_overlayer_lowered:
.L_overlay_start_2:
0x118: {  	(tag) =	ssettag $0x2  }
0x119: {  	s0 =	rddreg [dreg:$0x0];
	s2 =	stileid.u32  }
0x11a: {  	s1 =	rddreg [dreg:$0x1];
	p0 =	sne.s32 s2, $0x0  }
0x11b: {  	s3 =	rddreg [dreg:$0x2];
	[bflag:$0x3] =	sbarrier.arrive $0xFFFF;
	s2 =	simm.s32 @!p0 $0x1C05  }
0x11c: {  	[timem:s3], [sflag:s2] =	dma.local @!p0 [hbm:s0], s1  }
0x11d: {  	s0 =	simm.s32 @!p0 $0x5  }
0x11e: {  	_ =	swait.ge @!p0 [sflag:s0], s1  }
0x11f: {  	s1 =	ssub.s32 @!p0 $0x0, s1;
	[sflag:s0] =	ssyncset.done @!p0 $0x0  }
0x120: {  	[sflag:s0] =	ssyncadd.s32 @!p0 s1  }
0x121: {  	[bflag:$0x3] =	sbarrier.arrive $0xFFFF  }
0x122: {  	_ =	shalt  }

// kernel: kernel.14.cloned.1.call-start
scs
__scs_entry_jumppad:
0x0: {  	(pc) =	sbr.rel $0x88, $3  }
0x1: {  	(tag) =	ssettag $0x0;
	lr =	simm.s32 $0x1  }
0x2: {  	[smem:$0x3F9A] =	sst lr;
	_ =	strace $0xD0000000  }
0x3: {  	_ = 	snop  }
0x4: {  	_ = 	snop  }
0x5: {  	_ = 	snop  }
0x6: {  	_ = 	snop  }
0x7: {  	_ = 	snop  }
__scs_overlays_trampoline_lowered:
0x8: {  	[smem:$0x3FA9] =	sst s0  }
0x9: {  	[smem:$0x3FAA] =	sst s1  }
0xa: {  	[smem:$0x3FAB] =	sst s2  }
0xb: {  	[smem:$0x3FAC] =	sst s3  }
0xc: {  	[smem:$0x3FAD] =	sst s4  }
0xd: {  	[smem:$0x3FAE] =	sst s5  }
0xe: {  	[smem:$0x3FAF] =	sst s6  }
0xf: {  	[smem:$0x3FB0] =	sst s7  }
0x10: {  	[smem:$0x3FB1] =	sst s8  }
0x11: {  	[smem:$0x3FB2] =	sst s9;
	s0 =	simm.s32 @!p0 $0x0  }
0x12: {  	s1 =	sld [smem:$0x3F98];
	s0 =	simm.s32 @p0 $0x1  }
0x13: {  	[smem:$0x3FB3] =	sst s0;
	s0 =	simm.s32 @!p1 $0x0  }
0x14: {  	s2 =	sld [smem:$0x3F97];
	s0 =	simm.s32 @p1 $0x1  }
0x15: {  	[smem:$0x3FB4] =	sst s0;
	s0 =	simm.s32 @!p2 $0x0  }
0x16: {  	s3 =	sld [smem:$0x3FDB];
	s0 =	simm.s32 @p2 $0x1  }
0x17: {  	s4 =	simm.s32 $0x1BF5;
	[smem:$0x3FB6] =	sst s0  }
0x18: {  	s0 =	sld [smem:$0x3F99];
	_ =	swait.ge [sflag:s4], $0x0  }
0x19: {  	s7 =	sld [smem:$0x3F9A]  }
0x1a: {  	s8 =	sadd.s32 $0xFFFFE003, lr  }
0x1b: {  	s9 =	sadd.s32 $0xFFFFFEF7, lr;
	s5 =	simm.s32 $0xFFFFFFFF;
	p2 =	slt.u32 s8, $0xFFFFF086  }
0x1c: {  	p1 =	slt.u32 s9, $0xF7A;
	s5 =	simm.s32 @!p2 $0x0  }
0x1d: {  	s5 =	simm.s32 @p1 $0x1;
	p0 =	seq.s32 s7, s2  }
0x1e: {  	s7 =	smul.u32 @!p0 $0xF7A, s2;
	p2 =	seq.s32 @!p0 s5, $0x0  }
0x1f: {  	s9 =	smul.u32 $0xF7A, s1;
	s8 =	simm.s32 @!p0 $0x1BF5;
	p2 =	por !p2, p0  }
0x20: {  	[sflag:s8] =	ssyncset.s32 @!p0 $0xFFFFF086;
	s6 =	sadd.s32 @!p0 s3, s7;
	s7 =	simm.s32 @!p0 $0x108  }
0x21: {  	s3 =	sadd.s32 s3, s9;
	s6 =	sadd.s32 @!p0 $0x88, s6;
	s7 =	simm.s32 @p2 $0x1082  }
0x22: {  	[simem:s7], [sflag:s8] =	dma.local @!p0 [hbm:s6], $0xF7A  }
0x23: {  	s9 =	sor.u32 $0xD0000000, s2;
	s6 =	simm.s32 $0x108;
	_ =	swait.ge @!p0 [sflag:s8], $0x0  }
0x24: {  	s3 =	sadd.s32 $0x88, s3;
	s6 =	simm.s32 @!p1 $0x1082;
	[sflag:s4] =	ssyncset.s32 $0xFFFFF086  }
0x25: {  	[simem:s6], [sflag:s4] =	dma.local [hbm:s3], $0xF7A  }
0x26: {  	[smem:$0x3F9A] =	sst s1;
	(tag) =	ssettag s2;
	_ =	strace s9  }
0x27: {  	s1 =	sld [smem:$0x3FAA]  }
0x28: {  	s2 =	sld [smem:$0x3FAB]  }
0x29: {  	s4 =	sld [smem:$0x3FAD]  }
0x2a: {  	p0 =	seq.s32 s5, $0x0;
	s5 =	sld [smem:$0x3FAE]  }
0x2b: {  	s6 =	sld [smem:$0x3FAF]  }
0x2c: {  	s7 =	sld [smem:$0x3FB0]  }
0x2d: {  	s3 =	simm.s32 $0x108;
	s8 =	sld [smem:$0x3FB1]  }
0x2e: {  	s3 =	simm.s32 @!p0 $0x1082;
	s9 =	sld [smem:$0x3FB2]  }
0x2f: {  	lr =	sadd.s32 s0, s3;
	s0 =	sld [smem:$0x3FA9]  }
0x30: {  	s3 =	sld [smem:$0x3FAC]  }
0x31: {  	[smem:$0x3FB5] =	sst s10  }
0x32: {  	s10 =	sld [smem:$0x3FB3];
	_ =	sdelay $0x3  }
0x33: {  	p0 =	seq.s32 s10, $0x1;
	s10 =	sld [smem:$0x3FB5];
	_ =	sdelay $0x3  }
0x34: {  	[smem:$0x3FB5] =	sst s10  }
0x35: {  	s10 =	sld [smem:$0x3FB4];
	_ =	sdelay $0x3  }
0x36: {  	p1 =	seq.s32 s10, $0x1;
	s10 =	sld [smem:$0x3FB5];
	_ =	sdelay $0x3  }
0x37: {  	[smem:$0x3FB5] =	sst s10  }
0x38: {  	s10 =	sld [smem:$0x3FB6]  }
0x39: {  	_ = 	snop;
	(pc) =	sbr.ind lr, $3  }
0x3a: {  	_ = 	snop  }
0x3b: {  	_ = 	snop  }
0x3c: {  	p2 =	seq.s32 s10, $0x1;
	s10 =	sld [smem:$0x3FB5]  }
0x3d: {  	_ =	shalt  }
0x3e: {  	_ =	shalt  }
0x3f: {  	_ =	shalt  }
0x40: {  	_ =	shalt  }
0x41: {  	_ =	shalt  }
0x42: {  	_ =	shalt  }
0x43: {  	_ =	shalt  }
0x44: {  	_ =	shalt  }
0x45: {  	_ =	shalt  }
0x46: {  	_ =	shalt  }
0x47: {  	_ =	shalt  }
0x48: {  	_ =	shalt  }
0x49: {  	_ =	shalt  }
0x4a: {  	_ =	shalt  }
0x4b: {  	_ =	shalt  }
0x4c: {  	_ =	shalt  }
0x4d: {  	_ =	shalt  }
0x4e: {  	_ =	shalt  }
0x4f: {  	_ =	shalt  }
0x50: {  	_ =	shalt  }
0x51: {  	_ =	shalt  }
0x52: {  	_ =	shalt  }
0x53: {  	_ =	shalt  }
0x54: {  	_ =	shalt  }
0x55: {  	_ =	shalt  }
0x56: {  	_ =	shalt  }
0x57: {  	_ =	shalt  }
0x58: {  	_ =	shalt  }
0x59: {  	_ =	shalt  }
0x5a: {  	_ =	shalt  }
0x5b: {  	_ =	shalt  }
0x5c: {  	_ =	shalt  }
0x5d: {  	_ =	shalt  }
0x5e: {  	_ =	shalt  }
0x5f: {  	_ =	shalt  }
0x60: {  	_ =	shalt  }
0x61: {  	_ =	shalt  }
0x62: {  	_ =	shalt  }
0x63: {  	_ =	shalt  }
0x64: {  	_ =	shalt  }
0x65: {  	_ =	shalt  }
0x66: {  	_ =	shalt  }
0x67: {  	_ =	shalt  }
0x68: {  	_ =	shalt  }
0x69: {  	_ =	shalt  }
0x6a: {  	_ =	shalt  }
0x6b: {  	_ =	shalt  }
0x6c: {  	_ =	shalt  }
0x6d: {  	_ =	shalt  }
0x6e: {  	_ =	shalt  }
0x6f: {  	_ =	shalt  }
0x70: {  	_ =	shalt  }
0x71: {  	_ =	shalt  }
0x72: {  	_ =	shalt  }
0x73: {  	_ =	shalt  }
0x74: {  	_ =	shalt  }
0x75: {  	_ =	shalt  }
0x76: {  	_ =	shalt  }
0x77: {  	_ =	shalt  }
0x78: {  	_ =	shalt  }
0x79: {  	_ =	shalt  }
0x7a: {  	_ =	shalt  }
0x7b: {  	_ =	shalt  }
0x7c: {  	_ =	shalt  }
0x7d: {  	_ =	shalt  }
0x7e: {  	_ =	shalt  }
0x7f: {  	_ =	shalt  }
0x80: {  	_ =	shalt  }
0x81: {  	_ =	shalt  }
0x82: {  	_ =	shalt  }
0x83: {  	_ =	shalt  }
0x84: {  	_ =	shalt  }
0x85: {  	_ =	shalt  }
0x86: {  	_ =	shalt  }
0x87: {  	_ =	shalt  }
.Lfunc_end0:
.L_simem_size_0:
called_computation.2_lowered:
.L_overlay_start_0:
0x88: {  	s2 =	sld [smem:$0x3FD9]  }
0x89: {  	s3 =	sld [smem:$0x3FFE];
	_ =	sdelay $0x1  }
0x8a: {  	s1 =	srdreg.scid  }
0x8b: {  	s0 =	sand.u32 $0x1, s1  }
0x8c: {  	s17 =	sshll.u32 s0, $0xA;
	s2 =	sadd.s32 s3, s2  }
0x8d: {  	s2 =	sadd.s32 s2, s17  }
0x8e: {  	[smem:$0x3FC1] =	sst s2  }
0x8f: {  	_ = 	snop  }
0x90: {  	s2 =	sld [smem:$0x3FD0];
	(tm) =	ssettm $0x1  }
0x91: {  	s18 =	sld [smem:$0x3FFB];
	_ =	sdelay $0x3  }
0x92: {  	_ =	strace s18  }
0x93: {  	s3 =	sld [smem:$0x3FFC];
	_ =	sdelay $0x3  }
0x94: {  	_ =	strace s3  }
0x95: {  	s3 =	sld [smem:$0x3FFD];
	_ =	sdelay $0x3  }
0x96: {  	_ =	strace s3  }
0x97: {  	_ =	strace $0x8FFFFFFF  }
0x98: {  	s19 =	sld [smem:$0x3FDB];
	_ =	sdelay $0x1  }
0x99: {  	s4 =	simm.s32 $_scs_section_size  }
0x9a: {  	s5 =	simm.s32 $_size__tile_overlayer_lowered;
	s6 =	simm.s32 $_tile_overlayer_lowered  }
0x9b: {  	s22 =	simm.s32 $0x1BFF;
	s21 =	sshll.u32 s6, $0x1;
	s3 =	sadd.s32 s4, s19  }
0x9c: {  	s7 =	simm.s32 $0x0;
	s20 =	sshll.u32 s5, $0x1;
	s5 =	sadd.s32 s21, s3  }
0x9d: {  	[timem:s7], [sflag:s22] =	dma.local [hbm:s5], s20  }
0x9e: {  	_ =	swait.ge [sflag:s22], s20  }
0x9f: {  	s4 =	ssub.s32 $0x0, s20;
	[sflag:s22] =	ssyncset.done $0x0  }
0xa0: {  	[sflag:s22] =	ssyncadd.s32 s4;
	_ =	sdelay $0x1  }
0xa1: {  	s23 =	simm.s32 $0x1B8B  }
0xa2: {  	_ =	swait.ge [sflag:s23], $0x1  }
0xa3: {  	[sflag:s23] =	ssyncset.done $0x0  }
0xa4: {  	s25 =	simm.s32 $0x1B8E;
	s24 =	sld [smem:$0x3FFE];
	[sflag:s23] =	ssyncadd.s32 $0xFFFFFFFF  }
0xa5: {  	s26 =	simm.s32 $execute0_lowered;
	[smem:$0x3FD2] =	sst s25  }
0xa6: {  	s5 =	sshll.u32 s26, $0x1;
	_ =	strace $0x8000004C;
	[dreg:$0x1] =	wrdreg $0xFFFFFFFF  }
0xa7: {  	s28 =	simm.s32 $_size_execute0_lowered;
	s3 =	sadd.s32 s3, s5;
	[dreg:$0x0] =	wrdreg $0x0  }
0xa8: {  	s5 =	sshll.u32 s28, $0x1;
	[dreg:$0x2] =	wrdreg s3  }
0xa9: {  	[dreg:$0x3] =	wrdreg s5  }
0xaa: {  	[dreg:$0x4] =	wrdreg $0xC0  }
0xab: {  	_ =	task [dreg:s7], $0x5FFFF  }
0xac: {  	[dreg:$0x1] =	wrdreg $0xFFFFFFFF  }
0xad: {  	[dreg:$0x0] =	wrdreg $0x60  }
0xae: {  	[dreg:$0x2] =	wrdreg s24  }
0xaf: {  	[dreg:$0x3] =	wrdreg s2  }
0xb0: {  	[dreg:$0x4] =	wrdreg $0x9  }
0xb1: {  	_ =	task.clear_ibuf [dreg:s7], $0x5FFFF;
	_ =	strace $0x9000004C  }
0xb2: {  	s29 =	simm.s32 $0x9;
	_ =	strace $0x8000004E  }
0xb3: {  	_ =	swait.ge [sflag:s29], $0x1  }
0xb4: {  	[sflag:s29] =	ssyncadd.s32 $0xFFFFFFFF  }
0xb5: {  	_ =	strace $0x9000004E  }
0xb6: {  	_ =	sfence  }
0xb7: {  	s30 =	sld [smem:$0x0];
	_ =	sdelay $0x2  }
0xb8: {  	s31 =	sshll.u32 s1, $0xD;
	s1 =	sshrl.u32 s1, $0x2  }
0xb9: {  	s3 =	sand.u32 $0x4000, s31;
	s1 =	sadd.s32 s1, s30  }
0xba: {  	s0 =	sor.u32 s3, s0;
	s1 =	sshll.u32 s1, $0x11  }
0xbb: {  	s0 =	sor.u32 s1, s0  }
0xbc: {  	s0 =	sadd.s32 $0x8F2B, s0  }
0xbd: {  	[sflag:s0] =	ssyncadd.remote.s32 $0x1  }
0xbe: {  	_ =	sfence.sel $0xFFFF  }
0xbf: {  	[dreg:$0x0] =	wrdreg $0xFFFFFFFF;
	(pc) =	sbr.abs _section_cstart, $3  }
0xc0: {  	[dreg:$0x1] =	wrdreg $0xFFFFFFFF  }
0xc1: {  	_ =	task.clear_ibuf [dreg:s7], $0x2FFFF;
	_ =	strace $0x9FFFFFFF  }
0xc2: {  	(tm) =	ssettm $0x7FFFFFFF  }
0xc3: {  	_ =	shalt  }
tec
execute0_lowered:
.L_overlay_start_1:
0x0: {  	(tag) =	ssettag $0x1  }
0x1: {  	s0 =	srdreg.scid;
	s4 =	rddreg [dreg:$0x0]  }
0x2: {  	s6 =	rddreg [dreg:$0x1];
	s1 =	stileid.u32;
	s2 =	simm.s32 $0x0  }
0x3: {  	s10 =	simm.s32 $0x9E00;
	s11 =	simm.s32 $0x2;
	s3 =	sand.u32 $0x1, s0  }
0x4: {  	s12 =	simm.s32 $0xB680;
	s13 =	simm.s32 $0xCF00;
	s5 =	sshll.u32 s3, $0x4  }
0x5: {  	s14 =	simm.s32 $0xE780;
	s15 =	simm.s32 $0x0;
	s5 =	sor.u32 s1, s5  }
0x6: {  	[smem:$0x7FF] =	sst s2;
	s31 =	ssub.s32 $0x2, s3;
	s7 =	smul.u32 $0x310, s5  }
0x7: {  	s0 =	rddreg [dreg:$0x2];
	_ =	strace $0x8000004D;
	s8 =	sshrl.u32 s31, $0x1  }
0x8: {  	s3 =	sadd.s32 $0x1A00, s4;
	s8 =	ssub.s32 s31, s8;
	s9 =	sadd.s32 s7, s4  }
0x9: {  	s8 =	smax.u32 s8, $0x1;
	s6 =	sadd.s32 s6, s7;
	s4 =	sadd.s32 $0x80C00, s9  }
0xa: {  	s5 =	sadd.s32 $0x86E00, s9;
	s7 =	sadd.s32 $0x2E00, s9;
	s9 =	simm.s32 $0x1  }
.LBB2_1:
0xb: {  	[tilespmem:s2], [sflag:$0x1] =	stream.linear.gather [hbm4b:s3+s2], $0x9E00, $0x38;
	[tilespmem:$0x10000] =	vst v63  }
0xc: {  	_ =	swait.ge [sflag:s9], $0x9E00  }
0xd: {  	[sflag:s9] =	ssyncset.done $0x0  }
0xe: {  	[sflag:s9] =	ssyncadd.s32 $0xFFFF6200  }
0xf: {  	[tilespmem:s10], [sflag:$0x2] =	stream.linear.gather [hbm4b:s4+s2], $0x1880, $0x38;
	[tilespmem:$0x10000] =	vst v63  }
0x10: {  	_ =	swait.ge [sflag:s11], $0x1880  }
0x11: {  	[sflag:s11] =	ssyncset.done $0x0  }
0x12: {  	[sflag:s11] =	ssyncadd.s32 $0xFFFFE780  }
0x13: {  	[tilespmem:s12], [sflag:$0x2] =	stream.linear.gather [hbm4b:s5+s2], $0x1880, $0x38;
	[tilespmem:$0x10000] =	vst v63  }
0x14: {  	_ =	swait.ge [sflag:s11], $0x1880  }
0x15: {  	[sflag:s11] =	ssyncset.done $0x0  }
0x16: {  	s17 =	simm.s32 $0x0;
	[sflag:s11] =	ssyncadd.s32 $0xFFFFE780  }
0x17: {  	v0 =	vld [tilespmem:s17+$0x9E00]  }
0x18: {  	v1 =	vld [tilespmem:s17+$0xB680];
	_ =	sdelay $0x3  }
0x19: {  	v2 =	vshll.u32 v0, $0x2  }
0x1a: {  	v0 =	vand.u32 $0x7F, v0;
	v3 =	vshll.u32 v1, $0x2;
	v2 =	vand.u32 $0xFFFFFE00, v2  }
0x1b: {  	s16 =	simm.s32 $0x10;
	v1 =	vand.u32 $0x7F, v1;
	v0 =	vor.u32 v0, v2;
	v2 =	vand.u32 $0xFFFFFE00, v3  }
0x1c: {  	v4 =	vld [tilespmem:s16+$0x9E00];
	v5 =	vor.u32 $0x80, v0;
	v1 =	vor.u32 v1, v2  }
0x1d: {  	v2 =	vor.u32 $0x100, v1  }
0x1e: {  	v6 =	vor.u32 $0x180, v1  }
0x1f: {  	v7 =	vld [tilespmem:s16+$0xB680]  }
0x20: {  	v3 =	vld.idx.msk [tilespmem:v0+s2+$0x0], $0xffff  }
0x21: {  	v1 =	vshll.u32 v4, $0x2;
	v0 =	vld.idx.msk [tilespmem:v5+s2+$0x0], $0xffff  }
0x22: {  	v4 =	vand.u32 $0x7F, v4;
	v1 =	vand.u32 $0xFFFFFE00, v1;
	v5 =	vld.idx.msk [tilespmem:v2+s2+$0x0], $0xffff  }
0x23: {  	v1 =	vor.u32 v4, v1;
	v4 =	vld.idx.msk [tilespmem:v6+s2+$0x0], $0xffff;
	_ =	sdelay $0x1  }
0x24: {  	s18 =	simm.s32 $0x80;
	v2 =	vor.u32 $0x80, v1;
	v6 =	vand.u32 $0x7F, v7;
	v7 =	vshll.u32 v7, $0x2  }
.LBB2_2:
0x25: {  	p0 =	sne.s32 s18, $0x61C0;
	v7 =	vand.u32 $0xFFFFFE00, v7;
	s19 =	smov.u32 s18;
	s18 =	sadd.s32 $0x40, s18  }
0x26: {  	v3 =	vadd.f32 v5, v3;
	v6 =	vor.u32 v6, v7  }
0x27: {  	s19 =	sshra.s32 s19, $0x2;
	v0 =	vadd.f32 v4, v0;
	v5 =	vor.u32 $0x100, v6;
	v6 =	vor.u32 $0x180, v6  }
0x28: {  	v7 =	vld [tilespmem:s19+$0x9E00];
	[tilespmem:s17+$0xCF00] =	vst v3  }
0x29: {  	v8 =	vld [tilespmem:s19+$0xB680];
	[tilespmem:s17+$0xE780] =	vst v0;
	s17 =	smov.u32 s16;
	s16 =	smov.u32 s19  }
0x2a: {  	v3 =	vld.idx.msk [tilespmem:v1+s2+$0x0], $0xffff  }
0x2b: {  	v0 =	vld.idx.msk [tilespmem:v2+s2+$0x0], $0xffff  }
.Ltmp0:
0x2c: {  	v5 =	vld.idx.msk [tilespmem:v5+s2+$0x0], $0xffff;
	(pc) =	sbr.rel @p0 .LBB2_2-.Ltmp0, $4  }
0x2d: {  	v1 =	vshll.u32 v7, $0x2;
	v4 =	vld.idx.msk [tilespmem:v6+s2+$0x0], $0xffff  }
0x2e: {  	v2 =	vand.u32 $0x7F, v7;
	v1 =	vand.u32 $0xFFFFFE00, v1  }
0x2f: {  	v1 =	vor.u32 v2, v1  }
0x30: {  	v6 =	vand.u32 $0x7F, v8;
	v7 =	vshll.u32 v8, $0x2;
	v2 =	vor.u32 $0x80, v1  }
0x31: {  	v7 =	vand.u32 $0xFFFFFE00, v7  }
0x32: {  	v3 =	vadd.f32 v5, v3;
	v6 =	vor.u32 v6, v7  }
0x33: {  	v0 =	vadd.f32 v4, v0;
	v60 =	vor.u32 $0x100, v6  }
0x34: {  	v61 =	vor.u32 $0x180, v6;
	[tilespmem:s17+$0xCF00] =	vst v3  }
0x35: {  	[tilespmem:s17+$0xE780] =	vst v0  }
0x36: {  	v0 =	vld.idx.msk [tilespmem:v1+s2+$0x0], $0xffff  }
0x37: {  	v62 =	vld.idx.msk [tilespmem:v2+s2+$0x0], $0xffff  }
0x38: {  	v63 =	vld.idx.msk [tilespmem:v60+s2+$0x0], $0xffff  }
0x39: {  	v3 =	vld.idx.msk [tilespmem:v61+s2+$0x0], $0xffff;
	_ =	sdelay $0x3  }
0x3a: {  	v0 =	vadd.f32 v63, v0  }
0x3b: {  	v1 =	vadd.f32 v3, v62  }
0x3c: {  	[tilespmem:s16+$0xCF00] =	vst v0  }
0x3d: {  	[tilespmem:s16+$0xE780] =	vst v1  }
0x3e: {  	[hbm4b:s6+s2] =	stream.linear.scatter [tilespmem:s13], [sflag:$0x2], $0x1880, $0x38;
	[tilespmem:$0x10000] =	vst v63  }
0x3f: {  	s15 =	sadd.s32 $0x1, s15;
	_ =	swait.ge [sflag:s11], $0x1880  }
0x40: {  	p0 =	sne.s32 s15, s8;
	[sflag:s11] =	ssyncset.done $0x0  }
.Ltmp1:
0x41: {  	[sflag:s11] =	ssyncadd.s32 $0xFFFFE780;
	(pc) =	sbr.rel @p0 .LBB2_1-.Ltmp1, $4  }
0x42: {  	[hbm4b:s7+s2] =	stream.linear.scatter [tilespmem:s14], [sflag:$0x2], $0x1880, $0x38;
	[tilespmem:$0x10000] =	vst v63  }
0x43: {  	_ =	swait.ge [sflag:s11], $0x1880  }
0x44: {  	[sflag:s11] =	ssyncset.done $0x0  }
0x45: {  	[sflag:s11] =	ssyncadd.s32 $0xFFFFE780  }
0x46: {  	_ =	sfence.sel $0x180000  }
0x47: {  	[bflag:$0x0] =	sbarrier.arrive $0xFFFF  }
0x48: {  	p0 =	sne.s32 s1, $0x0;
	_ =	strace $0x9000004D  }
0x49: {  	s0 =	sadd.s32 @!p0 $0x100000, s0;
	[bflag:$0x2] =	sbarrier.arrive $0xFFFF  }
0x4a: {  	[sflag:s0] =	ssyncadd.tile.s32 @!p0 $0x1;
	_ =	shalt  }
.Lfunc_end2:
_tile_overlayer_lowered:
.L_overlay_start_2:
0x4b: {  	(tag) =	ssettag $0x2  }
0x4c: {  	s0 =	rddreg [dreg:$0x0];
	s2 =	stileid.u32  }
0x4d: {  	s1 =	rddreg [dreg:$0x1];
	p0 =	sne.s32 s2, $0x0  }
0x4e: {  	s3 =	rddreg [dreg:$0x2];
	[bflag:$0x3] =	sbarrier.arrive $0xFFFF;
	s2 =	simm.s32 @!p0 $0x1C02  }
0x4f: {  	[timem:s3], [sflag:s2] =	dma.local @!p0 [hbm:s0], s1  }
0x50: {  	s0 =	simm.s32 @!p0 $0x2  }
0x51: {  	_ =	swait.ge @!p0 [sflag:s0], s1  }
0x52: {  	s1 =	ssub.s32 @!p0 $0x0, s1;
	[sflag:s0] =	ssyncset.done @!p0 $0x0  }
0x53: {  	[sflag:s0] =	ssyncadd.s32 @!p0 s1  }
0x54: {  	[bflag:$0x3] =	sbarrier.arrive $0xFFFF  }
0x55: {  	_ =	shalt  }

// kernel: kernel.8.cloned.1.call-start
scs
__scs_entry_jumppad:
0x0: {  	(pc) =	sbr.rel $0x88, $3  }
0x1: {  	(tag) =	ssettag $0x0;
	lr =	simm.s32 $0x1  }
0x2: {  	[smem:$0x3F9A] =	sst lr;
	_ =	strace $0xD0000000  }
0x3: {  	_ = 	snop  }
0x4: {  	_ = 	snop  }
0x5: {  	_ = 	snop  }
0x6: {  	_ = 	snop  }
0x7: {  	_ = 	snop  }
__scs_overlays_trampoline_lowered:
0x8: {  	[smem:$0x3FA9] =	sst s0  }
0x9: {  	[smem:$0x3FAA] =	sst s1  }
0xa: {  	[smem:$0x3FAB] =	sst s2  }
0xb: {  	[smem:$0x3FAC] =	sst s3  }
0xc: {  	[smem:$0x3FAD] =	sst s4  }
0xd: {  	[smem:$0x3FAE] =	sst s5  }
0xe: {  	[smem:$0x3FAF] =	sst s6  }
0xf: {  	[smem:$0x3FB0] =	sst s7  }
0x10: {  	[smem:$0x3FB1] =	sst s8  }
0x11: {  	[smem:$0x3FB2] =	sst s9;
	s0 =	simm.s32 @!p0 $0x0  }
0x12: {  	s1 =	sld [smem:$0x3F98];
	s0 =	simm.s32 @p0 $0x1  }
0x13: {  	[smem:$0x3FB3] =	sst s0;
	s0 =	simm.s32 @!p1 $0x0  }
0x14: {  	s2 =	sld [smem:$0x3F97];
	s0 =	simm.s32 @p1 $0x1  }
0x15: {  	[smem:$0x3FB4] =	sst s0;
	s0 =	simm.s32 @!p2 $0x0  }
0x16: {  	s3 =	sld [smem:$0x3FDB];
	s0 =	simm.s32 @p2 $0x1  }
0x17: {  	s4 =	simm.s32 $0x1BF5;
	[smem:$0x3FB6] =	sst s0  }
0x18: {  	s0 =	sld [smem:$0x3F99];
	_ =	swait.ge [sflag:s4], $0x0  }
0x19: {  	s7 =	sld [smem:$0x3F9A]  }
0x1a: {  	s8 =	sadd.s32 $0xFFFFE003, lr  }
0x1b: {  	s9 =	sadd.s32 $0xFFFFFEF7, lr;
	s5 =	simm.s32 $0xFFFFFFFF;
	p2 =	slt.u32 s8, $0xFFFFF086  }
0x1c: {  	p1 =	slt.u32 s9, $0xF7A;
	s5 =	simm.s32 @!p2 $0x0  }
0x1d: {  	s5 =	simm.s32 @p1 $0x1;
	p0 =	seq.s32 s7, s2  }
0x1e: {  	s7 =	smul.u32 @!p0 $0xF7A, s2;
	p2 =	seq.s32 @!p0 s5, $0x0  }
0x1f: {  	s9 =	smul.u32 $0xF7A, s1;
	s8 =	simm.s32 @!p0 $0x1BF5;
	p2 =	por !p2, p0  }
0x20: {  	[sflag:s8] =	ssyncset.s32 @!p0 $0xFFFFF086;
	s6 =	sadd.s32 @!p0 s3, s7;
	s7 =	simm.s32 @!p0 $0x108  }
0x21: {  	s3 =	sadd.s32 s3, s9;
	s6 =	sadd.s32 @!p0 $0x88, s6;
	s7 =	simm.s32 @p2 $0x1082  }
0x22: {  	[simem:s7], [sflag:s8] =	dma.local @!p0 [hbm:s6], $0xF7A  }
0x23: {  	s9 =	sor.u32 $0xD0000000, s2;
	s6 =	simm.s32 $0x108;
	_ =	swait.ge @!p0 [sflag:s8], $0x0  }
0x24: {  	s3 =	sadd.s32 $0x88, s3;
	s6 =	simm.s32 @!p1 $0x1082;
	[sflag:s4] =	ssyncset.s32 $0xFFFFF086  }
0x25: {  	[simem:s6], [sflag:s4] =	dma.local [hbm:s3], $0xF7A  }
0x26: {  	[smem:$0x3F9A] =	sst s1;
	(tag) =	ssettag s2;
	_ =	strace s9  }
0x27: {  	s1 =	sld [smem:$0x3FAA]  }
0x28: {  	s2 =	sld [smem:$0x3FAB]  }
0x29: {  	s4 =	sld [smem:$0x3FAD]  }
0x2a: {  	p0 =	seq.s32 s5, $0x0;
	s5 =	sld [smem:$0x3FAE]  }
0x2b: {  	s6 =	sld [smem:$0x3FAF]  }
0x2c: {  	s7 =	sld [smem:$0x3FB0]  }
0x2d: {  	s3 =	simm.s32 $0x108;
	s8 =	sld [smem:$0x3FB1]  }
0x2e: {  	s3 =	simm.s32 @!p0 $0x1082;
	s9 =	sld [smem:$0x3FB2]  }
0x2f: {  	lr =	sadd.s32 s0, s3;
	s0 =	sld [smem:$0x3FA9]  }
0x30: {  	s3 =	sld [smem:$0x3FAC]  }
0x31: {  	[smem:$0x3FB5] =	sst s10  }
0x32: {  	s10 =	sld [smem:$0x3FB3];
	_ =	sdelay $0x3  }
0x33: {  	p0 =	seq.s32 s10, $0x1;
	s10 =	sld [smem:$0x3FB5];
	_ =	sdelay $0x3  }
0x34: {  	[smem:$0x3FB5] =	sst s10  }
0x35: {  	s10 =	sld [smem:$0x3FB4];
	_ =	sdelay $0x3  }
0x36: {  	p1 =	seq.s32 s10, $0x1;
	s10 =	sld [smem:$0x3FB5];
	_ =	sdelay $0x3  }
0x37: {  	[smem:$0x3FB5] =	sst s10  }
0x38: {  	s10 =	sld [smem:$0x3FB6]  }
0x39: {  	_ = 	snop;
	(pc) =	sbr.ind lr, $3  }
0x3a: {  	_ = 	snop  }
0x3b: {  	_ = 	snop  }
0x3c: {  	p2 =	seq.s32 s10, $0x1;
	s10 =	sld [smem:$0x3FB5]  }
0x3d: {  	_ =	shalt  }
0x3e: {  	_ =	shalt  }
0x3f: {  	_ =	shalt  }
0x40: {  	_ =	shalt  }
0x41: {  	_ =	shalt  }
0x42: {  	_ =	shalt  }
0x43: {  	_ =	shalt  }
0x44: {  	_ =	shalt  }
0x45: {  	_ =	shalt  }
0x46: {  	_ =	shalt  }
0x47: {  	_ =	shalt  }
0x48: {  	_ =	shalt  }
0x49: {  	_ =	shalt  }
0x4a: {  	_ =	shalt  }
0x4b: {  	_ =	shalt  }
0x4c: {  	_ =	shalt  }
0x4d: {  	_ =	shalt  }
0x4e: {  	_ =	shalt  }
0x4f: {  	_ =	shalt  }
0x50: {  	_ =	shalt  }
0x51: {  	_ =	shalt  }
0x52: {  	_ =	shalt  }
0x53: {  	_ =	shalt  }
0x54: {  	_ =	shalt  }
0x55: {  	_ =	shalt  }
0x56: {  	_ =	shalt  }
0x57: {  	_ =	shalt  }
0x58: {  	_ =	shalt  }
0x59: {  	_ =	shalt  }
0x5a: {  	_ =	shalt  }
0x5b: {  	_ =	shalt  }
0x5c: {  	_ =	shalt  }
0x5d: {  	_ =	shalt  }
0x5e: {  	_ =	shalt  }
0x5f: {  	_ =	shalt  }
0x60: {  	_ =	shalt  }
0x61: {  	_ =	shalt  }
0x62: {  	_ =	shalt  }
0x63: {  	_ =	shalt  }
0x64: {  	_ =	shalt  }
0x65: {  	_ =	shalt  }
0x66: {  	_ =	shalt  }
0x67: {  	_ =	shalt  }
0x68: {  	_ =	shalt  }
0x69: {  	_ =	shalt  }
0x6a: {  	_ =	shalt  }
0x6b: {  	_ =	shalt  }
0x6c: {  	_ =	shalt  }
0x6d: {  	_ =	shalt  }
0x6e: {  	_ =	shalt  }
0x6f: {  	_ =	shalt  }
0x70: {  	_ =	shalt  }
0x71: {  	_ =	shalt  }
0x72: {  	_ =	shalt  }
0x73: {  	_ =	shalt  }
0x74: {  	_ =	shalt  }
0x75: {  	_ =	shalt  }
0x76: {  	_ =	shalt  }
0x77: {  	_ =	shalt  }
0x78: {  	_ =	shalt  }
0x79: {  	_ =	shalt  }
0x7a: {  	_ =	shalt  }
0x7b: {  	_ =	shalt  }
0x7c: {  	_ =	shalt  }
0x7d: {  	_ =	shalt  }
0x7e: {  	_ =	shalt  }
0x7f: {  	_ =	shalt  }
0x80: {  	_ =	shalt  }
0x81: {  	_ =	shalt  }
0x82: {  	_ =	shalt  }
0x83: {  	_ =	shalt  }
0x84: {  	_ =	shalt  }
0x85: {  	_ =	shalt  }
0x86: {  	_ =	shalt  }
0x87: {  	_ =	shalt  }
.Lfunc_end0:
.L_simem_size_0:
called_computation_lowered:
.L_overlay_start_0:
0x88: {  	s2 =	sld [smem:$0x3FD9]  }
0x89: {  	s3 =	sld [smem:$0x3FFE];
	_ =	sdelay $0x1  }
0x8a: {  	s1 =	srdreg.scid  }
0x8b: {  	s0 =	sand.u32 $0x1, s1  }
0x8c: {  	s17 =	sshll.u32 s0, $0xA;
	s2 =	sadd.s32 s3, s2  }
0x8d: {  	s2 =	sadd.s32 s2, s17  }
0x8e: {  	[smem:$0x3FC1] =	sst s2  }
0x8f: {  	_ = 	snop  }
0x90: {  	s2 =	sld [smem:$0x3FD0];
	(tm) =	ssettm $0x1  }
0x91: {  	s18 =	sld [smem:$0x3FFB];
	_ =	sdelay $0x3  }
0x92: {  	_ =	strace s18  }
0x93: {  	s3 =	sld [smem:$0x3FFC];
	_ =	sdelay $0x3  }
0x94: {  	_ =	strace s3  }
0x95: {  	s3 =	sld [smem:$0x3FFD];
	_ =	sdelay $0x3  }
0x96: {  	_ =	strace s3  }
0x97: {  	_ =	strace $0x8FFFFFFF  }
0x98: {  	s19 =	sld [smem:$0x3FDB];
	_ =	sdelay $0x1  }
0x99: {  	s4 =	simm.s32 $_scs_section_size  }
0x9a: {  	s5 =	simm.s32 $_size__tile_overlayer_lowered;
	s6 =	simm.s32 $_tile_overlayer_lowered  }
0x9b: {  	s22 =	simm.s32 $0x1BFF;
	s21 =	sshll.u32 s6, $0x1;
	s3 =	sadd.s32 s4, s19  }
0x9c: {  	s7 =	simm.s32 $0x0;
	s20 =	sshll.u32 s5, $0x1;
	s5 =	sadd.s32 s21, s3  }
0x9d: {  	[timem:s7], [sflag:s22] =	dma.local [hbm:s5], s20  }
0x9e: {  	_ =	swait.ge [sflag:s22], s20  }
0x9f: {  	s4 =	ssub.s32 $0x0, s20;
	[sflag:s22] =	ssyncset.done $0x0  }
0xa0: {  	[sflag:s22] =	ssyncadd.s32 s4;
	_ =	sdelay $0x1  }
0xa1: {  	s23 =	simm.s32 $0x1B8B  }
0xa2: {  	_ =	swait.ge [sflag:s23], $0x1  }
0xa3: {  	[sflag:s23] =	ssyncset.done $0x0  }
0xa4: {  	s25 =	simm.s32 $0x1B8E;
	s24 =	sld [smem:$0x3FFE];
	[sflag:s23] =	ssyncadd.s32 $0xFFFFFFFF  }
0xa5: {  	s26 =	simm.s32 $execute0_lowered;
	[smem:$0x3FD2] =	sst s25  }
0xa6: {  	s5 =	sshll.u32 s26, $0x1;
	_ =	strace $0x80000046;
	[dreg:$0x1] =	wrdreg $0xFFFFFFFF  }
0xa7: {  	s28 =	simm.s32 $_size_execute0_lowered;
	s3 =	sadd.s32 s3, s5;
	[dreg:$0x0] =	wrdreg $0x0  }
0xa8: {  	s5 =	sshll.u32 s28, $0x1;
	[dreg:$0x2] =	wrdreg s3  }
0xa9: {  	[dreg:$0x3] =	wrdreg s5  }
0xaa: {  	[dreg:$0x4] =	wrdreg $0xC0  }
0xab: {  	_ =	task [dreg:s7], $0x5FFFF  }
0xac: {  	[dreg:$0x1] =	wrdreg $0xFFFFFFFF  }
0xad: {  	[dreg:$0x0] =	wrdreg $0x60  }
0xae: {  	[dreg:$0x2] =	wrdreg s24  }
0xaf: {  	[dreg:$0x3] =	wrdreg s2  }
0xb0: {  	[dreg:$0x4] =	wrdreg $0x0  }
0xb1: {  	[dreg:$0x5] =	wrdreg $0x9  }
0xb2: {  	_ =	task.clear_ibuf [dreg:s7], $0x6FFFF;
	_ =	strace $0x90000046  }
0xb3: {  	s29 =	simm.s32 $0x9;
	_ =	strace $0x80000048  }
0xb4: {  	_ =	swait.ge [sflag:s29], $0x1  }
0xb5: {  	[sflag:s29] =	ssyncadd.s32 $0xFFFFFFFF  }
0xb6: {  	_ =	strace $0x90000048  }
0xb7: {  	_ =	sfence  }
0xb8: {  	s30 =	sld [smem:$0x0];
	_ =	sdelay $0x2  }
0xb9: {  	s31 =	sshll.u32 s1, $0xD;
	s1 =	sshrl.u32 s1, $0x2  }
0xba: {  	s3 =	sand.u32 $0x4000, s31;
	s1 =	sadd.s32 s1, s30  }
0xbb: {  	s0 =	sor.u32 s3, s0;
	s1 =	sshll.u32 s1, $0x11  }
0xbc: {  	s0 =	sor.u32 s1, s0  }
0xbd: {  	s0 =	sadd.s32 $0x8F2B, s0  }
0xbe: {  	[sflag:s0] =	ssyncadd.remote.s32 $0x1  }
0xbf: {  	_ =	sfence.sel $0xFFFF  }
0xc0: {  	[dreg:$0x0] =	wrdreg $0xFFFFFFFF;
	(pc) =	sbr.abs _section_cstart, $3  }
0xc1: {  	[dreg:$0x1] =	wrdreg $0xFFFFFFFF  }
0xc2: {  	_ =	task.clear_ibuf [dreg:s7], $0x2FFFF;
	_ =	strace $0x9FFFFFFF  }
0xc3: {  	(tm) =	ssettm $0x7FFFFFFF  }
tec
execute0_lowered:
.L_overlay_start_1:
0x0: {  	(tag) =	ssettag $0x1  }
0x1: {  	s0 =	rddreg [dreg:$0x0]  }
0x2: {  	s3 =	rddreg [dreg:$0x1]  }
0x3: {  	s1 =	rddreg [dreg:$0x2];
	s2 =	simm.s32 $0x0;
	s4 =	srdreg.scid  }
0x4: {  	s14 =	stileid.u32;
	s28 =	simm.s32 $0x14200;
	s29 =	simm.s32 $0x5  }
0x5: {  	s30 =	simm.s32 $0x14000;
	s31 =	simm.s32 $0x14100;
	[smem:$0x7FF] =	sst s2  }
0x6: {  	s6 =	sand.u32 $0x1, s4;
	s4 =	sadd.s32 $0xB800, s0;
	s8 =	smul.u32 $0x50000, s14  }
0x7: {  	s9 =	sadd.s32 $0x1A00, s0;
	s10 =	smul.u32 $0x4500, s14;
	s23 =	sshll.u32 s14, $0x8  }
0x8: {  	s18 =	smul.u32 $0xA00, s14;
	p1 =	seq.s32 s14, $0xF;
	_ =	strace $0x80000047  }
0x9: {  	s5 =	smul.u32 $0x27100, s6;
	s7 =	ssub.s32 $0x2, s6;
	s25 =	sand.u32 $0x300, s23  }
0xa: {  	p0 =	seq.s32 s6, $0x1;
	s21 =	sshrl.u32 s7, $0x1;
	s22 =	sshrl.u32 s8, $0x2  }
0xb: {  	s24 =	sand.u32 $0x7FC00, s10;
	s0 =	sadd.s32 s5, s0;
	s5 =	sadd.s32 s22, s1  }
0xc: {  	s11 =	ssub.s32 s7, s21;
	s10 =	sor.u32 s25, s24;
	s26 =	sadd.s32 $0x4000, s5  }
0xd: {  	s21 =	smul.u32 $0x4F000, s14;
	s12 =	sadd.s32 $0x8000, s5;
	[dreg:$0x4] =	wrdreg s26  }
0xe: {  	s13 =	sadd.s32 $0xC000, s5;
	s15 =	sshrl.u32 s10, $0x3;
	[dreg:$0x5] =	wrdreg s12  }
0xf: {  	[dreg:$0x6] =	wrdreg s13;
	s16 =	sadd.s32 s9, s15;
	s10 =	sor.u32 $0x10, s15  }
0x10: {  	s12 =	smul.u32 $0x140, s14;
	s6 =	sadd.s32 s3, s15;
	s13 =	sshll.u32 s14, $0x6  }
0x11: {  	s25 =	sshrl.u32 s21, $0x2;
	s26 =	smul.u32 $0x8A0, s14;
	[dreg:$0x7] =	wrdreg s16  }
0x12: {  	s15 =	simm.s32 $0x2;
	[dreg:$0x8] =	wrdreg s6;
	s17 =	sadd.s32 s9, s10  }
0x13: {  	s19 =	sadd.s32 s3, s10;
	s13 =	sand.u32 $0x40, s13;
	[dreg:$0x9] =	wrdreg s17  }
0x14: {  	s6 =	sshrl.u32 s18, $0x3;
	s16 =	simm.s32 $0x0;
	[dreg:$0xa] =	wrdreg s19  }
0x15: {  	s20 =	sadd.s32 $0x8A00, s12;
	s6 =	sadd.s32 $0x8A10, s6;
	s17 =	sadd.s32 $0x32A00, s0  }
0x16: {  	s0 =	sadd.s32 s25, s1;
	s18 =	sadd.s32 s26, s9;
	s19 =	sadd.s32 s26, s3  }
0x17: {  	s21 =	sadd.s32 s12, s3;
	s26 =	sadd.s32 $0x10000, s5;
	s10 =	sand.u32 $0xBF80, s20  }
0x18: {  	s24 =	sadd.s32 s9, s6;
	s6 =	sadd.s32 s3, s6;
	s20 =	sadd.s32 s12, s9  }
0x19: {  	s25 =	sshrl.u32 @!p1 s0, $0x3;
	s0 =	simm.s32 $0x80;
	s12 =	simm.s32 $0x18200  }
0x1a: {  	s10 =	sor.u32 s13, s10;
	[dreg:$0xe] =	wrdreg s6;
	s6 =	smul.u32 $0x2780, s14  }
.Ltmp0:
0x1b: {  	[dreg:$0xd] =	wrdreg s24;
	s13 =	simm.s32 $0x1;
	(pc) =	sbr.rel .LBB2_1-.Ltmp0, $4  }
0x1c: {  	s14 =	simm.s32 $0x3;
	s22 =	sadd.s32 s9, s10;
	s23 =	sadd.s32 s3, s10  }
0x1d: {  	s3 =	sadd.s32 $0x128400, s1;
	s9 =	simm.s32 $0x14080;
	[dreg:$0xb] =	wrdreg s22  }
0x1e: {  	s10 =	simm.s32 $0x14180;
	[dreg:$0xc] =	wrdreg s23;
	s22 =	smax.u32 s11, $0x1  }
0x1f: {  	v0 =	vimm.f32 $0.0e+00;
	s23 =	sshrl.u32 @p1 s3, $0x3;
	s24 =	sadd.s32 @!p1 s6, s17;
	s11 =	simm.s32 $0x4  }
.LBB2_6:
0x20: {  	[tilespmem:s10], [sflag:$0x4] =	stream.linear.gather [hbm4b:s6+s2], $0x80, $0x38;
	[tilespmem:$0x1C200] =	vst v63  }
.LBB2_10:
0x21: {  	_ =	swait.ge [sflag:s11], $0x80  }
0x22: {  	[sflag:s11] =	ssyncset.done $0x0  }
0x23: {  	[sflag:s11] =	ssyncadd.s32 $0xFFFFFF80  }
0x24: {  	_ =	swait.ge [sflag:s11], $0x80  }
0x25: {  	[sflag:s11] =	ssyncset.done $0x0  }
0x26: {  	[sflag:s11] =	ssyncadd.s32 $0xFFFFFF80  }
0x27: {  	[tilespmem:s12], [sflag:$0x2] =	stream.indirect.gather [hbm4b:s4+s0], $0x80, s9, s0, $0xb8;
	[tilespmem:$0x1C200] =	vst v63  }
0x28: {  	_ =	swait.ge [sflag:s13], $0x4000  }
0x29: {  	[sflag:s13] =	ssyncset.done $0x0  }
0x2a: {  	[sflag:s13] =	ssyncadd.s32 $0xFFFFC000  }
0x2b: {  	[spmem:s1] =	stream.indirect.scatter.add.f32 [tilespmem:s28], [sflag:$0x5], $0x80, s31, s0, $0xb8;
	[tilespmem:$0x1C200] =	vst v63  }
0x2c: {  	_ =	swait.ge [sflag:s29], $0x4000  }
0x2d: {  	[sflag:s29] =	ssyncset.done $0x0  }
0x2e: {  	[sflag:s29] =	ssyncadd.s32 $0xFFFFC000  }
0x2f: {  	_ =	swait.ge [sflag:s15], $0x4000  }
0x30: {  	[sflag:s15] =	ssyncset.done $0x0  }
0x31: {  	[sflag:s15] =	ssyncadd.s32 $0xFFFFC000  }
0x32: {  	[spmem:s1] =	stream.indirect.scatter.add.f32 [tilespmem:s12], [sflag:$0x5], $0x80, s10, s0, $0xb8;
	[tilespmem:$0x1C200] =	vst v63  }
0x33: {  	_ =	swait.ge [sflag:s29], $0x4000  }
0x34: {  	[sflag:s29] =	ssyncset.done $0x0  }
0x35: {  	[sflag:s29] =	ssyncadd.s32 $0xFFFFC000  }
0x36: {  	s3 =	sadd.s32 @p1 $0x25080, s17;
	s6 =	simm.s32 @p1 $0x1FC5;
	[bflag:$0x0] =	sbarrier.arrive $0xFFFF  }
0x37: {  	[hbm:s3], [sflag:s6] =	dma.local @p1 [spmem:s23], $0x2080  }
0x38: {  	s3 =	simm.s32 @p1 $0x5  }
0x39: {  	s6 =	stileid.u32;
	_ =	swait.ge @p1 [sflag:s3], $0x2080  }
0x3a: {  	s16 =	sadd.s32 $0x1, s16;
	s6 =	sshll.u32 @!p1 s6, $0x6;
	[sflag:s3] =	ssyncset.done @p1 $0x0  }
0x3b: {  	p2 =	sne.s32 s16, s22;
	[sflag:s3] =	ssyncadd.s32 @p1 $0xFFFFDF80;
	s3 =	sor.u32 @!p1 $0x1C05, s6  }
0x3c: {  	[hbm:s24], [sflag:s3] =	dma.local @!p1 [spmem:s25], $0x2780  }
.Ltmp1:
0x3d: {  	_ = 	snop;
	(pc) =	sbr.rel @!p2 .LBB2_11-.Ltmp1, $4  }
0x3e: {  	s3 =	simm.s32 @!p1 $0x5  }
0x3f: {  	_ =	swait.ge @!p1 [sflag:s3], $0x2780  }
0x40: {  	[sflag:s3] =	ssyncset.done @!p1 $0x0  }
0x41: {  	[sflag:s3] =	ssyncadd.s32 @!p1 $0xFFFFD880  }
.LBB2_1:
0x42: {  	s3 =	simm.s32 $0x0;
	s6 =	simm.s32 $0x200  }
.LBB2_2:
0x43: {  	p2 =	sne.s32 s6, $0xFE00;
	[tilespmem:s3+$0x14270] =	vst v0  }
0x44: {  	[tilespmem:s3+$0x14200] =	vst v0  }
0x45: {  	[tilespmem:s3+$0x14210] =	vst v0  }
.Ltmp2:
0x46: {  	[tilespmem:s3+$0x14220] =	vst v0;
	(pc) =	sbr.rel @p2 .LBB2_2-.Ltmp2, $4  }
0x47: {  	[tilespmem:s3+$0x14230] =	vst v0  }
0x48: {  	[tilespmem:s3+$0x14240] =	vst v0  }
0x49: {  	[tilespmem:s3+$0x14250] =	vst v0  }
0x4a: {  	[tilespmem:s3+$0x14260] =	vst v0;
	s3 =	sshra.s32 s6, $0x2;
	s6 =	sadd.s32 $0x200, s6  }
0x4b: {  	[tilespmem:s3+$0x14270] =	vst v0  }
0x4c: {  	[tilespmem:s3+$0x14200] =	vst v0  }
0x4d: {  	[tilespmem:s3+$0x14210] =	vst v0  }
0x4e: {  	[tilespmem:s3+$0x14220] =	vst v0  }
0x4f: {  	[tilespmem:s3+$0x14230] =	vst v0  }
0x50: {  	[tilespmem:s3+$0x14240] =	vst v0  }
0x51: {  	[tilespmem:s3+$0x14250] =	vst v0  }
0x52: {  	[tilespmem:s3+$0x14260] =	vst v0  }
0x53: {  	[spmem:s5] =	stream.linear.scatter [tilespmem:s28], [sflag:$0x5], $0x4000, $0x38;
	[tilespmem:$0x1C200] =	vst v63  }
0x54: {  	_ =	swait.ge [sflag:s29], $0x4000  }
0x55: {  	[sflag:s29] =	ssyncset.done $0x0  }
0x56: {  	s6 =	rddreg [dreg:$0x4];
	[sflag:s29] =	ssyncadd.s32 $0xFFFFC000  }
0x57: {  	[spmem:s6] =	stream.linear.scatter [tilespmem:s28], [sflag:$0x5], $0x4000, $0x38;
	[tilespmem:$0x1C200] =	vst v63  }
0x58: {  	_ =	swait.ge [sflag:s29], $0x4000  }
0x59: {  	[sflag:s29] =	ssyncset.done $0x0  }
0x5a: {  	s7 =	rddreg [dreg:$0x5];
	[sflag:s29] =	ssyncadd.s32 $0xFFFFC000  }
0x5b: {  	[spmem:s7] =	stream.linear.scatter [tilespmem:s28], [sflag:$0x5], $0x4000, $0x38;
	[tilespmem:$0x1C200] =	vst v63  }
0x5c: {  	_ =	swait.ge [sflag:s29], $0x4000  }
0x5d: {  	[sflag:s29] =	ssyncset.done $0x0  }
0x5e: {  	s8 =	rddreg [dreg:$0x6];
	[sflag:s29] =	ssyncadd.s32 $0xFFFFC000  }
0x5f: {  	[spmem:s8] =	stream.linear.scatter [tilespmem:s28], [sflag:$0x5], $0x4000, $0x38;
	[tilespmem:$0x1C200] =	vst v63  }
0x60: {  	_ =	swait.ge [sflag:s29], $0x4000  }
0x61: {  	[sflag:s29] =	ssyncset.done $0x0  }
0x62: {  	[sflag:s29] =	ssyncadd.s32 $0xFFFFC000  }
0x63: {  	[spmem:s26] =	stream.linear.scatter [tilespmem:s28], [sflag:$0x5], $0x4000, $0x38;
	[tilespmem:$0x1C200] =	vst v63  }
.Ltmp3:
0x64: {  	_ =	swait.ge [sflag:s29], $0x4000;
	(pc) =	sbr.rel @!p0 .LBB2_4-.Ltmp3, $3  }
0x65: {  	[sflag:s29] =	ssyncset.done $0x0  }
0x66: {  	[sflag:s29] =	ssyncadd.s32 $0xFFFFC000  }
0x67: {  	[bflag:$0x0] =	sbarrier.arrive $0xFFFF;
	_ =	sdelay $0x1  }
0x68: {  	s3 =	rddreg [dreg:$0xb]  }
0x69: {  	[tilespmem:s30], [sflag:$0x5] =	stream.linear.gather [hbm4b:s3+s2], $0x80, $0x38;
	[tilespmem:$0x1C200] =	vst v63  }
0x6a: {  	_ =	swait.ge [sflag:s29], $0x80  }
0x6b: {  	[sflag:s29] =	ssyncset.done $0x0  }
0x6c: {  	s8 =	rddreg [dreg:$0xc];
	[sflag:s29] =	ssyncadd.s32 $0xFFFFFF80  }
0x6d: {  	[tilespmem:s31], [sflag:$0x5] =	stream.linear.gather [hbm4b:s8+s2], $0x80, $0x38;
	[tilespmem:$0x1C200] =	vst v63  }
0x6e: {  	_ =	swait.ge [sflag:s29], $0x80  }
0x6f: {  	[sflag:s29] =	ssyncset.done $0x0  }
0x70: {  	[sflag:s29] =	ssyncadd.s32 $0xFFFFFF80  }
0x71: {  	[tilespmem:s28], [sflag:$0x1] =	stream.indirect.gather [hbm4b:s4+s0], $0x80, s30, s0, $0xb8;
	[tilespmem:$0x1C200] =	vst v63  }
0x72: {  	s6 =	rddreg [dreg:$0xd]  }
0x73: {  	[tilespmem:s9], [sflag:$0x4] =	stream.linear.gather [hbm4b:s6+s2], $0x80, $0x38;
	[tilespmem:$0x1C200] =	vst v63  }
0x74: {  	s7 =	rddreg [dreg:$0xe]  }
0x75: {  	[tilespmem:s10], [sflag:$0x4] =	stream.linear.gather [hbm4b:s7+s2], $0x80, $0x38;
	[tilespmem:$0x1C200] =	vst v63  }
0x76: {  	_ =	swait.ge [sflag:s11], $0x80  }
0x77: {  	[sflag:s11] =	ssyncset.done $0x0  }
0x78: {  	[sflag:s11] =	ssyncadd.s32 $0xFFFFFF80  }
0x79: {  	_ =	swait.ge [sflag:s11], $0x80  }
0x7a: {  	[sflag:s11] =	ssyncset.done $0x0  }
0x7b: {  	[sflag:s11] =	ssyncadd.s32 $0xFFFFFF80  }
0x7c: {  	[tilespmem:s12], [sflag:$0x2] =	stream.indirect.gather [hbm4b:s4+s0], $0x80, s9, s0, $0xb8;
	[tilespmem:$0x1C200] =	vst v63  }
0x7d: {  	_ =	swait.ge [sflag:s13], $0x4000  }
0x7e: {  	s3 =	sadd.s32 $0xFFFFFEE0, s20;
	[sflag:s13] =	ssyncset.done $0x0  }
0x7f: {  	s6 =	sadd.s32 $0x8B40, s3;
	[sflag:s13] =	ssyncadd.s32 $0xFFFFC000  }
0x80: {  	[tilespmem:s30], [sflag:$0x3] =	stream.linear.gather [hbm4b:s6+s2], $0x80, $0x38;
	[tilespmem:$0x1C200] =	vst v63  }
0x81: {  	_ = 	snop  }
0x82: {  	[spmem:s1] =	stream.indirect.scatter.add.f32 [tilespmem:s28], [sflag:$0x5], $0x80, s31, s0, $0xb8;
	[tilespmem:$0x1C200] =	vst v63  }
0x83: {  	_ =	swait.ge [sflag:s29], $0x4000  }
0x84: {  	s8 =	sadd.s32 $0xFFFFFEE0, s21;
	[sflag:s29] =	ssyncset.done $0x0  }
0x85: {  	s7 =	sadd.s32 $0x8B40, s8;
	[sflag:s29] =	ssyncadd.s32 $0xFFFFC000  }
0x86: {  	[tilespmem:s31], [sflag:$0x3] =	stream.linear.gather [hbm4b:s7+s2], $0x80, $0x38;
	[tilespmem:$0x1C200] =	vst v63  }
0x87: {  	_ =	swait.ge [sflag:s14], $0x80  }
0x88: {  	[sflag:s14] =	ssyncset.done $0x0  }
0x89: {  	[sflag:s14] =	ssyncadd.s32 $0xFFFFFF80  }
0x8a: {  	_ =	swait.ge [sflag:s14], $0x80  }
0x8b: {  	[sflag:s14] =	ssyncset.done $0x0  }
0x8c: {  	[sflag:s14] =	ssyncadd.s32 $0xFFFFFF80  }
0x8d: {  	[tilespmem:s28], [sflag:$0x1] =	stream.indirect.gather [hbm4b:s4+s0], $0x80, s30, s0, $0xb8;
	[tilespmem:$0x1C200] =	vst v63  }
0x8e: {  	_ =	swait.ge [sflag:s15], $0x4000  }
0x8f: {  	[sflag:s15] =	ssyncset.done $0x0  }
0x90: {  	s3 =	sadd.s32 $0x8B50, s3;
	[sflag:s15] =	ssyncadd.s32 $0xFFFFC000  }
0x91: {  	[tilespmem:s9], [sflag:$0x4] =	stream.linear.gather [hbm4b:s3+s2], $0x80, $0x38;
	[tilespmem:$0x1C200] =	vst v63  }
0x92: {  	_ = 	snop  }
0x93: {  	[spmem:s1] =	stream.indirect.scatter.add.f32 [tilespmem:s12], [sflag:$0x5], $0x80, s10, s0, $0xb8;
	[tilespmem:$0x1C200] =	vst v63  }
0x94: {  	_ =	swait.ge [sflag:s29], $0x4000  }
0x95: {  	[sflag:s29] =	ssyncset.done $0x0  }
0x96: {  	s6 =	sadd.s32 $0x8B50, s8;
	s3 =	simm.s32 $0xFFFFFF00;
	[sflag:s29] =	ssyncadd.s32 $0xFFFFC000  }
.LBB2_8:
0x97: {  	[tilespmem:s10], [sflag:$0x4] =	stream.linear.gather [hbm4b:s6+s2], $0x80, $0x38;
	[tilespmem:$0x1C200] =	vst v63  }
0x98: {  	s6 =	smov.u32 s3  }
0x99: {  	p2 =	sne.s32 s3, $0xFFFFFFE0;
	s3 =	sadd.s32 $0x20, s3;
	_ =	swait.ge [sflag:s11], $0x80  }
0x9a: {  	[sflag:s11] =	ssyncset.done $0x0  }
0x9b: {  	[sflag:s11] =	ssyncadd.s32 $0xFFFFFF80  }
0x9c: {  	_ =	swait.ge [sflag:s11], $0x80  }
0x9d: {  	[sflag:s11] =	ssyncset.done $0x0  }
0x9e: {  	[sflag:s11] =	ssyncadd.s32 $0xFFFFFF80  }
0x9f: {  	[tilespmem:s12], [sflag:$0x2] =	stream.indirect.gather [hbm4b:s4+s0], $0x80, s9, s0, $0xb8;
	[tilespmem:$0x1C200] =	vst v63  }
0xa0: {  	_ =	swait.ge [sflag:s13], $0x4000  }
0xa1: {  	s7 =	sadd.s32 s6, s20;
	[sflag:s13] =	ssyncset.done $0x0  }
0xa2: {  	s8 =	sadd.s32 $0x8B40, s7;
	[sflag:s13] =	ssyncadd.s32 $0xFFFFC000  }
0xa3: {  	[tilespmem:s30], [sflag:$0x3] =	stream.linear.gather [hbm4b:s8+s2], $0x80, $0x38;
	[tilespmem:$0x1C200] =	vst v63  }
0xa4: {  	_ = 	snop  }
0xa5: {  	[spmem:s1] =	stream.indirect.scatter.add.f32 [tilespmem:s28], [sflag:$0x5], $0x80, s31, s0, $0xb8;
	[tilespmem:$0x1C200] =	vst v63  }
0xa6: {  	_ =	swait.ge [sflag:s29], $0x4000  }
0xa7: {  	s6 =	sadd.s32 s6, s21;
	[sflag:s29] =	ssyncset.done $0x0  }
0xa8: {  	s8 =	sadd.s32 $0x8B40, s6;
	[sflag:s29] =	ssyncadd.s32 $0xFFFFC000  }
0xa9: {  	[tilespmem:s31], [sflag:$0x3] =	stream.linear.gather [hbm4b:s8+s2], $0x80, $0x38;
	[tilespmem:$0x1C200] =	vst v63  }
0xaa: {  	_ =	swait.ge [sflag:s14], $0x80  }
0xab: {  	[sflag:s14] =	ssyncset.done $0x0  }
0xac: {  	[sflag:s14] =	ssyncadd.s32 $0xFFFFFF80  }
0xad: {  	_ =	swait.ge [sflag:s14], $0x80  }
0xae: {  	[sflag:s14] =	ssyncset.done $0x0  }
0xaf: {  	[sflag:s14] =	ssyncadd.s32 $0xFFFFFF80  }
0xb0: {  	[tilespmem:s28], [sflag:$0x1] =	stream.indirect.gather [hbm4b:s4+s0], $0x80, s30, s0, $0xb8;
	[tilespmem:$0x1C200] =	vst v63  }
0xb1: {  	_ =	swait.ge [sflag:s15], $0x4000  }
0xb2: {  	[sflag:s15] =	ssyncset.done $0x0  }
0xb3: {  	s7 =	sadd.s32 $0x8B50, s7;
	[sflag:s15] =	ssyncadd.s32 $0xFFFFC000  }
0xb4: {  	[tilespmem:s9], [sflag:$0x4] =	stream.linear.gather [hbm4b:s7+s2], $0x80, $0x38;
	[tilespmem:$0x1C200] =	vst v63  }
.Ltmp4:
0xb5: {  	(pc) =	sbr.rel @p2 .LBB2_8-.Ltmp4, $4  }
0xb6: {  	[spmem:s1] =	stream.indirect.scatter.add.f32 [tilespmem:s12], [sflag:$0x5], $0x80, s10, s0, $0xb8;
	[tilespmem:$0x1C200] =	vst v63  }
0xb7: {  	_ =	swait.ge [sflag:s29], $0x4000  }
0xb8: {  	[sflag:s29] =	ssyncset.done $0x0  }
0xb9: {  	s6 =	sadd.s32 $0x8B50, s6;
	[sflag:s29] =	ssyncadd.s32 $0xFFFFC000  }
.Ltmp5:
0xba: {  	(pc) =	sbr.rel .LBB2_10-.Ltmp5, $2  }
0xbb: {  	_ =	sdelay $0x2  }
0xbc: {  	[tilespmem:s10], [sflag:$0x4] =	stream.linear.gather [hbm4b:s6+s2], $0x80, $0x38;
	[tilespmem:$0x1C200] =	vst v63  }
.LBB2_4:
0xbd: {  	s3 =	rddreg [dreg:$0x7]  }
0xbe: {  	[tilespmem:s30], [sflag:$0x5] =	stream.linear.gather [hbm4b:s3+s2], $0x80, $0x38;
	[tilespmem:$0x1C200] =	vst v63  }
0xbf: {  	_ =	swait.ge [sflag:s29], $0x80  }
0xc0: {  	[sflag:s29] =	ssyncset.done $0x0  }
0xc1: {  	s8 =	rddreg [dreg:$0x8];
	[sflag:s29] =	ssyncadd.s32 $0xFFFFFF80  }
0xc2: {  	[tilespmem:s31], [sflag:$0x5] =	stream.linear.gather [hbm4b:s8+s2], $0x80, $0x38;
	[tilespmem:$0x1C200] =	vst v63  }
0xc3: {  	_ =	swait.ge [sflag:s29], $0x80  }
0xc4: {  	[sflag:s29] =	ssyncset.done $0x0  }
0xc5: {  	[sflag:s29] =	ssyncadd.s32 $0xFFFFFF80  }
0xc6: {  	[tilespmem:s28], [sflag:$0x1] =	stream.indirect.gather [hbm4b:s4+s0], $0x80, s30, s0, $0xb8;
	[tilespmem:$0x1C200] =	vst v63  }
0xc7: {  	s6 =	rddreg [dreg:$0x9]  }
0xc8: {  	[tilespmem:s9], [sflag:$0x4] =	stream.linear.gather [hbm4b:s6+s2], $0x80, $0x38;
	[tilespmem:$0x1C200] =	vst v63  }
0xc9: {  	s7 =	rddreg [dreg:$0xa]  }
0xca: {  	[tilespmem:s10], [sflag:$0x4] =	stream.linear.gather [hbm4b:s7+s2], $0x80, $0x38;
	[tilespmem:$0x1C200] =	vst v63  }
0xcb: {  	_ =	swait.ge [sflag:s11], $0x80  }
0xcc: {  	[sflag:s11] =	ssyncset.done $0x0  }
0xcd: {  	[sflag:s11] =	ssyncadd.s32 $0xFFFFFF80  }
0xce: {  	_ =	swait.ge [sflag:s11], $0x80  }
0xcf: {  	[sflag:s11] =	ssyncset.done $0x0  }
0xd0: {  	[sflag:s11] =	ssyncadd.s32 $0xFFFFFF80  }
0xd1: {  	[tilespmem:s12], [sflag:$0x2] =	stream.indirect.gather [hbm4b:s4+s0], $0x80, s9, s0, $0xb8;
	[tilespmem:$0x1C200] =	vst v63  }
0xd2: {  	_ =	swait.ge [sflag:s13], $0x4000  }
0xd3: {  	s3 =	sadd.s32 $0xFFFFF780, s18;
	[sflag:s13] =	ssyncset.done $0x0  }
0xd4: {  	s6 =	sadd.s32 $0x8A0, s3;
	[sflag:s13] =	ssyncadd.s32 $0xFFFFC000  }
0xd5: {  	[tilespmem:s30], [sflag:$0x3] =	stream.linear.gather [hbm4b:s6+s2], $0x80, $0x38;
	[tilespmem:$0x1C200] =	vst v63  }
0xd6: {  	_ = 	snop  }
0xd7: {  	[spmem:s1] =	stream.indirect.scatter.add.f32 [tilespmem:s28], [sflag:$0x5], $0x80, s31, s0, $0xb8;
	[tilespmem:$0x1C200] =	vst v63  }
0xd8: {  	_ =	swait.ge [sflag:s29], $0x4000  }
0xd9: {  	s8 =	sadd.s32 $0xFFFFF780, s19;
	[sflag:s29] =	ssyncset.done $0x0  }
0xda: {  	s7 =	sadd.s32 $0x8A0, s8;
	[sflag:s29] =	ssyncadd.s32 $0xFFFFC000  }
0xdb: {  	[tilespmem:s31], [sflag:$0x3] =	stream.linear.gather [hbm4b:s7+s2], $0x80, $0x38;
	[tilespmem:$0x1C200] =	vst v63  }
0xdc: {  	_ =	swait.ge [sflag:s14], $0x80  }
0xdd: {  	[sflag:s14] =	ssyncset.done $0x0  }
0xde: {  	[sflag:s14] =	ssyncadd.s32 $0xFFFFFF80  }
0xdf: {  	_ =	swait.ge [sflag:s14], $0x80  }
0xe0: {  	[sflag:s14] =	ssyncset.done $0x0  }
0xe1: {  	[sflag:s14] =	ssyncadd.s32 $0xFFFFFF80  }
0xe2: {  	[tilespmem:s28], [sflag:$0x1] =	stream.indirect.gather [hbm4b:s4+s0], $0x80, s30, s0, $0xb8;
	[tilespmem:$0x1C200] =	vst v63  }
0xe3: {  	_ =	swait.ge [sflag:s15], $0x4000  }
0xe4: {  	[sflag:s15] =	ssyncset.done $0x0  }
0xe5: {  	s3 =	sadd.s32 $0x8B0, s3;
	[sflag:s15] =	ssyncadd.s32 $0xFFFFC000  }
0xe6: {  	[tilespmem:s9], [sflag:$0x4] =	stream.linear.gather [hbm4b:s3+s2], $0x80, $0x38;
	[tilespmem:$0x1C200] =	vst v63  }
0xe7: {  	_ = 	snop  }
0xe8: {  	[spmem:s1] =	stream.indirect.scatter.add.f32 [tilespmem:s12], [sflag:$0x5], $0x80, s10, s0, $0xb8;
	[tilespmem:$0x1C200] =	vst v63  }
0xe9: {  	_ =	swait.ge [sflag:s29], $0x4000  }
0xea: {  	[sflag:s29] =	ssyncset.done $0x0  }
0xeb: {  	s6 =	sadd.s32 $0x8B0, s8;
	s3 =	simm.s32 $0xFFFFF7A0;
	[sflag:s29] =	ssyncadd.s32 $0xFFFFC000  }
.LBB2_5:
0xec: {  	[tilespmem:s10], [sflag:$0x4] =	stream.linear.gather [hbm4b:s6+s2], $0x80, $0x38;
	[tilespmem:$0x1C200] =	vst v63  }
0xed: {  	s6 =	smov.u32 s3  }
0xee: {  	p2 =	seq.s32 s3, $0xFFFFFFE0;
	s3 =	sadd.s32 $0x20, s3;
	_ =	swait.ge [sflag:s11], $0x80  }
0xef: {  	[sflag:s11] =	ssyncset.done $0x0  }
0xf0: {  	[sflag:s11] =	ssyncadd.s32 $0xFFFFFF80  }
0xf1: {  	_ =	swait.ge [sflag:s11], $0x80  }
0xf2: {  	[sflag:s11] =	ssyncset.done $0x0  }
0xf3: {  	[sflag:s11] =	ssyncadd.s32 $0xFFFFFF80  }
0xf4: {  	[tilespmem:s12], [sflag:$0x2] =	stream.indirect.gather [hbm4b:s4+s0], $0x80, s9, s0, $0xb8;
	[tilespmem:$0x1C200] =	vst v63  }
0xf5: {  	_ =	swait.ge [sflag:s13], $0x4000  }
0xf6: {  	s7 =	sadd.s32 s6, s18;
	[sflag:s13] =	ssyncset.done $0x0  }
0xf7: {  	s8 =	sadd.s32 $0x8A0, s7;
	[sflag:s13] =	ssyncadd.s32 $0xFFFFC000  }
0xf8: {  	[tilespmem:s30], [sflag:$0x3] =	stream.linear.gather [hbm4b:s8+s2], $0x80, $0x38;
	[tilespmem:$0x1C200] =	vst v63  }
0xf9: {  	_ = 	snop  }
0xfa: {  	[spmem:s1] =	stream.indirect.scatter.add.f32 [tilespmem:s28], [sflag:$0x5], $0x80, s31, s0, $0xb8;
	[tilespmem:$0x1C200] =	vst v63  }
0xfb: {  	_ =	swait.ge [sflag:s29], $0x4000  }
0xfc: {  	s6 =	sadd.s32 s6, s19;
	[sflag:s29] =	ssyncset.done $0x0  }
0xfd: {  	s8 =	sadd.s32 $0x8A0, s6;
	[sflag:s29] =	ssyncadd.s32 $0xFFFFC000  }
0xfe: {  	[tilespmem:s31], [sflag:$0x3] =	stream.linear.gather [hbm4b:s8+s2], $0x80, $0x38;
	[tilespmem:$0x1C200] =	vst v63  }
0xff: {  	_ =	swait.ge [sflag:s14], $0x80  }
0x100: {  	[sflag:s14] =	ssyncset.done $0x0  }
0x101: {  	[sflag:s14] =	ssyncadd.s32 $0xFFFFFF80  }
0x102: {  	_ =	swait.ge [sflag:s14], $0x80  }
0x103: {  	[sflag:s14] =	ssyncset.done $0x0  }
0x104: {  	[sflag:s14] =	ssyncadd.s32 $0xFFFFFF80  }
0x105: {  	[tilespmem:s28], [sflag:$0x1] =	stream.indirect.gather [hbm4b:s4+s0], $0x80, s30, s0, $0xb8;
	[tilespmem:$0x1C200] =	vst v63  }
0x106: {  	_ =	swait.ge [sflag:s15], $0x4000  }
0x107: {  	[sflag:s15] =	ssyncset.done $0x0  }
0x108: {  	s7 =	sadd.s32 $0x8B0, s7;
	[sflag:s15] =	ssyncadd.s32 $0xFFFFC000  }
0x109: {  	[tilespmem:s9], [sflag:$0x4] =	stream.linear.gather [hbm4b:s7+s2], $0x80, $0x38;
	[tilespmem:$0x1C200] =	vst v63  }
.Ltmp6:
0x10a: {  	(pc) =	sbr.rel @!p2 .LBB2_5-.Ltmp6, $4  }
0x10b: {  	[spmem:s1] =	stream.indirect.scatter.add.f32 [tilespmem:s12], [sflag:$0x5], $0x80, s10, s0, $0xb8;
	[tilespmem:$0x1C200] =	vst v63  }
0x10c: {  	_ =	swait.ge [sflag:s29], $0x4000  }
0x10d: {  	[sflag:s29] =	ssyncset.done $0x0  }
0x10e: {  	s6 =	sadd.s32 $0x8B0, s6;
	[sflag:s29] =	ssyncadd.s32 $0xFFFFC000  }
.Ltmp7:
0x10f: {  	_ = 	snop;
	(pc) =	sbr.rel .LBB2_6-.Ltmp7, $1  }
0x110: {  	_ =	sdelay $0x3  }
.LBB2_11:
0x111: {  	_ =	sfence.sel $0x180000  }
0x112: {  	[bflag:$0x0] =	sbarrier.arrive $0xFFFF  }
0x113: {  	_ =	strace $0x90000047  }
0x114: {  	s0 =	stileid.u32;
	[bflag:$0x2] =	sbarrier.arrive $0xFFFF  }
0x115: {  	p0 =	sne.s32 s0, $0x0;
	s0 =	rddreg [dreg:$0x3]  }
0x116: {  	s0 =	sadd.s32 @!p0 $0x100000, s0  }
0x117: {  	[sflag:s0] =	ssyncadd.tile.s32 @!p0 $0x1;
	_ =	shalt  }
.Lfunc_end2:
_tile_overlayer_lowered:
.L_overlay_start_2:
0x118: {  	(tag) =	ssettag $0x2  }
0x119: {  	s0 =	rddreg [dreg:$0x0];
	s2 =	stileid.u32  }
0x11a: {  	s1 =	rddreg [dreg:$0x1];
	p0 =	sne.s32 s2, $0x0  }
0x11b: {  	s3 =	rddreg [dreg:$0x2];
	[bflag:$0x3] =	sbarrier.arrive $0xFFFF;
	s2 =	simm.s32 @!p0 $0x1C05  }
0x11c: {  	[timem:s3], [sflag:s2] =	dma.local @!p0 [hbm:s0], s1  }
0x11d: {  	s0 =	simm.s32 @!p0 $0x5  }
0x11e: {  	_ =	swait.ge @!p0 [sflag:s0], s1  }
0x11f: {  	s1 =	ssub.s32 @!p0 $0x0, s1;
	[sflag:s0] =	ssyncset.done @!p0 $0x0  }
0x120: {  	[sflag:s0] =	ssyncadd.s32 @!p0 s1  }
0x121: {  	[bflag:$0x3] =	sbarrier.arrive $0xFFFF  }
0x122: {  	_ =	shalt  }

</sc_bundles>
